<compile_context>
chip_gen: v7x
topology: tpu7x:2x2x1
jax: 0.10.2.dev20260603
libtpu: 0.0.44.dev20260713+nightly
codegen_flags: <defaults>
</compile_context>

<pallas_src>
import functools

import jax
import jax.numpy as jnp
from jax import lax
from jax.experimental import pallas as pl
from jax.experimental.pallas import tpu as pltpu
from jax.experimental.pallas import tpu_sc as plsc

B = 4096
DIM = 128
TOK = 8
NC, NS = 2, 16
NW = NC * NS
ROWS = 2 * B
RPW = ROWS // NW
CB = 32
NCHUNK = RPW // CB


def _gather_sum_kernel(idx_hbm, table_hbm, out_hbm, idx_all, rows_v0, rows_v1,
                       acc_v0, acc_v1, sem0, sem1, osem0, osem1):
    wid = lax.axis_index("s") * NC + lax.axis_index("c")
    base = wid * RPW
    rows = (rows_v0, rows_v1)
    accs = (acc_v0, acc_v1)
    sems = (sem0, sem1)
    osems = (osem0, osem1)

    pltpu.sync_copy(idx_hbm.at[pl.ds(base * TOK, RPW * TOK)], idx_all)

    def issue(c, buf):
        pltpu.async_copy(
            table_hbm.at[idx_all.at[pl.ds(c * CB * TOK, CB * TOK)]],
            rows[buf], sems[buf])

    issue(0, 0)
    issue(1, 1)

    def outer(i, carry):
        for b in range(2):
            c = i * 2 + b
            rows_v = rows[b]
            acc_v = accs[b]
            pltpu.make_async_copy(
                table_hbm.at[idx_all.at[pl.ds(c * CB * TOK, CB * TOK)]],
                rows_v, sems[b]).wait()

            @pl.when(c >= 2)
            def _():
                pltpu.make_async_copy(
                    acc_v, out_hbm.at[pl.ds(base + (c - 2) * CB, CB)],
                    osems[b]).wait()

            @plsc.parallel_loop(0, CB, unroll=8)
            def _pool(r):
                for l in range(DIM // 16):
                    s0 = (rows_v[r * TOK + 0, pl.ds(l * 16, 16)]
                          + rows_v[r * TOK + 1, pl.ds(l * 16, 16)])
                    s1 = (rows_v[r * TOK + 2, pl.ds(l * 16, 16)]
                          + rows_v[r * TOK + 3, pl.ds(l * 16, 16)])
                    s2 = (rows_v[r * TOK + 4, pl.ds(l * 16, 16)]
                          + rows_v[r * TOK + 5, pl.ds(l * 16, 16)])
                    s3 = (rows_v[r * TOK + 6, pl.ds(l * 16, 16)]
                          + rows_v[r * TOK + 7, pl.ds(l * 16, 16)])
                    acc_v[r, pl.ds(l * 16, 16)] = (s0 + s1) + (s2 + s3)

            @pl.when(c + 2 < NCHUNK)
            def _():
                issue(c + 2, b)

            pltpu.async_copy(acc_v, out_hbm.at[pl.ds(base + c * CB, CB)],
                             osems[b])
        return carry

    lax.fori_loop(0, NCHUNK // 2, outer, 0)

    for b in range(2):
        pltpu.make_async_copy(
            accs[b], out_hbm.at[pl.ds(base + (NCHUNK - 2 + b) * CB, CB)],
            osems[b]).wait()


@functools.cache
def _build_gather_sum():
    return functools.partial(
        pl.kernel,
        out_type=jax.ShapeDtypeStruct((ROWS, DIM), jnp.float32),
        mesh=plsc.VectorSubcoreMesh(core_axis_name="c", subcore_axis_name="s",
                                    num_cores=NC, num_subcores=NS),
        scratch_types=[
            pltpu.VMEM((RPW * TOK,), jnp.int32),
            pltpu.VMEM((CB * TOK, DIM), jnp.float32),
            pltpu.VMEM((CB * TOK, DIM), jnp.float32),
            pltpu.VMEM((CB, DIM), jnp.float32),
            pltpu.VMEM((CB, DIM), jnp.float32),
            pltpu.SemaphoreType.DMA,
            pltpu.SemaphoreType.DMA,
            pltpu.SemaphoreType.DMA,
            pltpu.SemaphoreType.DMA,
        ],
    )(_gather_sum_kernel)


BLK = 4096
_CONTRACT_LAST = (((1,), (1,)), ((), ()))


def _mlp_kernel(qp_ref, w1_ref, b1_ref, w2_ref, b2_ref, w3_ref, b3_ref,
                out_ref):
    q = qp_ref[:BLK]
    p = qp_ref[BLK:]
    qn = jnp.sqrt(jnp.sum(q * q, axis=1, keepdims=True))
    pn = jnp.sqrt(jnp.sum(p * p, axis=1, keepdims=True))
    qa = q / jnp.maximum(qn, 1e-12)
    pa = p / jnp.maximum(pn, 1e-12)
    qan = jnp.sqrt(jnp.sum(qa * qa, axis=1, keepdims=True))
    pan = jnp.sqrt(jnp.sum(pa * pa, axis=1, keepdims=True))
    cos = jnp.sum(qa * pa, axis=1, keepdims=True) / (
        jnp.maximum(qan, 1e-8) * jnp.maximum(pan, 1e-8))
    feat = jnp.concatenate((qa, pa, jnp.abs(qa - pa)), axis=1)
    h1 = jnp.maximum(
        lax.dot_general(feat, w1_ref[...], _CONTRACT_LAST,
                        preferred_element_type=jnp.float32) + b1_ref[...],
        0.0)
    h2 = jnp.maximum(
        lax.dot_general(h1, w2_ref[...], _CONTRACT_LAST,
                        preferred_element_type=jnp.float32) + b2_ref[...],
        0.0)
    w3 = w3_ref[...]
    out_ref[...] = (jnp.sum(h2 * w3[:, :96], axis=1, keepdims=True)
                    + cos * w3[:, 96:97] + b3_ref[...])


def kernel(numerated_queries, numerated_products, query_lengths,
           product_lengths, embedding, W1, b1, W2, b2, W3, b3):
    q_idx = numerated_queries[:, :TOK].astype(jnp.int32).reshape(-1)
    p_idx = numerated_products[:, :TOK].astype(jnp.int32).reshape(-1)
    idx = jnp.concatenate((q_idx, p_idx))

    sums = _build_gather_sum()(idx, embedding)

    out = pl.pallas_call(
        _mlp_kernel,
        grid=(B // BLK,),
        in_specs=[
            pl.BlockSpec((2 * BLK, DIM), lambda i: (0, 0)),
            pl.BlockSpec((288, 3 * DIM), lambda i: (0, 0)),
            pl.BlockSpec((1, 288), lambda i: (0, 0)),
            pl.BlockSpec((96, 288), lambda i: (0, 0)),
            pl.BlockSpec((1, 96), lambda i: (0, 0)),
            pl.BlockSpec((1, 97), lambda i: (0, 0)),
            pl.BlockSpec((1, 1), lambda i: (0, 0)),
        ],
        out_specs=pl.BlockSpec((BLK, 1), lambda i: (i, 0)),
        out_shape=jax.ShapeDtypeStruct((B, 1), jnp.float32),
    )(sums, W1, b1.reshape(1, 288), W2, b2.reshape(1, 96), W3,
      b3.reshape(1, 1))
    return out.reshape(-1)

# --- scband reference (transcript-rebuilt; emitter-appended) ---
"""Pipeline reference for scband-sps-static-embeddings-with-custom-tokenizer-10668698763328 (READ-ONLY COPY).

The authoritative reference and input builder live on the scoring server;
editing this copy changes nothing except your own understanding.
"""

import jax, jax.numpy as jnp
import numpy as np

B = 4096
L = 20
VOCAB = 100000
DIM = 128


def setup_inputs(seed: int = 0) -> dict:
    key = jax.random.key(seed)
    k1, k2, k3, k4, k5, k6, k7, k8, k9 = jax.random.split(key, 9)
    numerated_queries = jax.random.randint(k1, (B, L), 0, VOCAB)
    numerated_products = jax.random.randint(k2, (B, L), 0, VOCAB)
    query_lengths = jnp.ones((B,), dtype=jnp.int32)
    product_lengths = jnp.ones((B,), dtype=jnp.int32)
    embedding = jax.random.normal(k3, (VOCAB, DIM), dtype=jnp.float32)
    embedding = embedding.at[0].set(0.0)  # padding_idx=0
    W1 = jax.random.normal(k4, (288, 3 * DIM), dtype=jnp.float32) * (1.0 / np.sqrt(3 * DIM))
    b1 = jax.random.normal(k5, (288,), dtype=jnp.float32) * 0.01
    W2 = jax.random.normal(k6, (96, 288), dtype=jnp.float32) * (1.0 / np.sqrt(288))
    b2 = jax.random.normal(k7, (96,), dtype=jnp.float32) * 0.01
    W3 = jax.random.normal(k8, (1, 97), dtype=jnp.float32) * (1.0 / np.sqrt(97))
    b3 = jax.random.normal(k9, (1,), dtype=jnp.float32) * 0.01
    return {
        'numerated_queries': numerated_queries,
        'numerated_products': numerated_products,
        'query_lengths': query_lengths,
        'product_lengths': product_lengths,
        'embedding': embedding,
        'W1': W1, 'b1': b1, 'W2': W2, 'b2': b2, 'W3': W3, 'b3': b3,
    }


def _l2_normalize(x, eps=1e-12):
    n = jnp.sqrt(jnp.sum(x * x, axis=1, keepdims=True))
    return x / jnp.maximum(n, eps)


def reference(numerated_queries, numerated_products, query_lengths, product_lengths,
              embedding, W1, b1, W2, b2, W3, b3):
    # dropout is identity in eval mode
    table = embedding.at[0].set(0.0)  # padding_idx=0 row always zero
    q_idx = numerated_queries[:, :8]
    p_idx = numerated_products[:, :8]
    query_embs = jnp.take(table, q_idx, axis=0)   # (B, 8, DIM)
    product_embs = jnp.take(table, p_idx, axis=0)
    ql = jnp.minimum(query_lengths.astype(jnp.float32), 8.0).astype(jnp.int32).reshape(-1, 1)
    pl = jnp.minimum(product_lengths.astype(jnp.float32), 8.0).astype(jnp.int32).reshape(-1, 1)
    q_sum = jnp.sum(query_embs, axis=1)
    p_sum = jnp.sum(product_embs, axis=1)
    q_avg = q_sum / ql.astype(jnp.float32)
    p_avg = p_sum / pl.astype(jnp.float32)
    q_avg = _l2_normalize(q_avg)
    p_avg = _l2_normalize(p_avg)
    qn = jnp.sqrt(jnp.sum(q_avg * q_avg, axis=1))
    pn = jnp.sqrt(jnp.sum(p_avg * p_avg, axis=1))
    cos_sim = jnp.sum(q_avg * p_avg, axis=1) / (jnp.maximum(qn, 1e-8) * jnp.maximum(pn, 1e-8))
    cos_sim = cos_sim[:, None]
    abs_diff = jnp.abs(q_avg - p_avg)
    dense1_input = jnp.concatenate((q_avg, p_avg, abs_diff), axis=1)  # (B, 384)
    d1 = jax.nn.relu(dense1_input @ W1.T + b1)
    d2 = jax.nn.relu(d1 @ W2.T + b2)
    d3_in = jnp.concatenate((d2, cos_sim), axis=1)  # (B, 97)
    prediction = d3_in @ W3.T + b3
    return prediction.reshape(-1)

if __name__ == "__main__":
    import jax
    _d = setup_inputs()
    print(jax.jit(kernel)(*tuple(_d.values())))

</pallas_src>

<mosaic_0001>
#map = affine_map<(d0, d1) -> (0)>
#map1 = affine_map<(d0, d1) -> (0, 0)>
module attributes {stable_mosaic.version = 14 : i64} {
  func.func @_gather_sum_kernel(%arg0: i32, %arg1: i32, %arg2: memref<65536xi32, #tpu.memory_space<hbm>>, %arg3: memref<100000x128xf32, #tpu.memory_space<hbm>>, %arg4: memref<8192x128xf32, #tpu.memory_space<hbm>>, %arg5: memref<2048xi32, #tpu.memory_space<vmem>>, %arg6: memref<256x128xf32, #tpu.memory_space<vmem>>, %arg7: memref<256x128xf32, #tpu.memory_space<vmem>>, %arg8: memref<32x128xf32, #tpu.memory_space<vmem>>, %arg9: memref<32x128xf32, #tpu.memory_space<vmem>>, %arg10: memref<!tpu.dma_semaphore, #tpu.memory_space<semaphore_mem>>, %arg11: memref<!tpu.dma_semaphore, #tpu.memory_space<semaphore_mem>>, %arg12: memref<!tpu.dma_semaphore, #tpu.memory_space<semaphore_mem>>, %arg13: memref<!tpu.dma_semaphore, #tpu.memory_space<semaphore_mem>>) attributes {dimension_semantics = [#tpu.dimension_semantics<core_parallel>, #tpu.dimension_semantics<subcore_parallel>], iteration_bounds = array<i64: 2, 16>, scalar_prefetch = 0 : i64, scratch_operands = 9 : i64, tpu.core_type = #tpu.core_type<sc_vector_subcore>, window_params = [{transform_indices = #map}, {transform_indices = #map1}, {transform_indices = #map1}]} {
    %mul3A = arith.constant 2 : i32
    %mul3A_0 = arith.muli %arg1, %mul3A : i32
    %add3A = arith.addi %mul3A_0, %arg0 : i32
    %mul3A_1 = arith.constant 256 : i32
    %mul3A_2 = arith.muli %add3A, %mul3A_1 : i32
    %mul3A_3 = arith.constant 8 : i32
    %mul3A_4 = arith.muli %mul3A_2, %mul3A_3 : i32
    "tpu.region"() ({
      %run_scoped3A = tpu.sem_alloc : memref<!tpu.dma_semaphore, #tpu.memory_space<semaphore_mem>>
      %dma_start3A_30 = tpu.memref_slice %arg2[%mul3A_4] : memref<65536xi32, #tpu.memory_space<hbm>> -> memref<2048xi32, #tpu.memory_space<hbm>>
      %dma_start3A_31 = tpu.memref_slice %arg2[%mul3A_4] : memref<65536xi32, #tpu.memory_space<hbm>> -> memref<2048xi32, #tpu.memory_space<hbm>>
      tpu.enqueue_dma source(%dma_start3A_31 : memref<2048xi32, #tpu.memory_space<hbm>>) target(%arg5 : memref<2048xi32, #tpu.memory_space<vmem>>) target_semaphore(%run_scoped3A : memref<!tpu.dma_semaphore, #tpu.memory_space<semaphore_mem>>)
      %dma_wait3A_32 = tpu.memref_slice %arg2[%mul3A_4] : memref<65536xi32, #tpu.memory_space<hbm>> -> memref<2048xi32, #tpu.memory_space<hbm>>
      %dma_wait3A_33 = tpu.memref_slice %arg2[%mul3A_4] : memref<65536xi32, #tpu.memory_space<hbm>> -> memref<2048xi32, #tpu.memory_space<hbm>>
      tpu.wait_dma2 semaphore(%run_scoped3A : memref<!tpu.dma_semaphore, #tpu.memory_space<semaphore_mem>>) src(%dma_wait3A_33 : memref<2048xi32, #tpu.memory_space<hbm>>) dst(%arg5 : memref<2048xi32, #tpu.memory_space<vmem>>)
      tpu.yield
    }) : () -> ()
    %dma_start3A = arith.constant 0 : i32
    %dma_start3A_5 = tpu.memref_slice %arg5[%dma_start3A] : memref<2048xi32, #tpu.memory_space<vmem>> -> memref<256xi32, #tpu.memory_space<vmem>>
    %dma_start3A_6 = arith.constant 0 : i32
    %dma_start3A_7 = arith.constant 0 : i32
    %dma_start3A_8 = tpu.memref_slice %arg3[%dma_start3A_6, %dma_start3A_7] : memref<100000x128xf32, #tpu.memory_space<hbm>> -> memref<100000x128xf32, #tpu.memory_space<hbm>>
    tpu.enqueue_indirect_dma source(%dma_start3A_8 : memref<100000x128xf32, #tpu.memory_space<hbm>>) target(%arg6 : memref<256x128xf32, #tpu.memory_space<vmem>>) offsets(%dma_start3A_5 : memref<256xi32, #tpu.memory_space<vmem>>) semaphore(%arg10 : memref<!tpu.dma_semaphore, #tpu.memory_space<semaphore_mem>>)
    %dma_start3A_9 = arith.constant 256 : i32
    %dma_start3A_10 = tpu.memref_slice %arg5[%dma_start3A_9] : memref<2048xi32, #tpu.memory_space<vmem>> -> memref<256xi32, #tpu.memory_space<vmem>>
    %dma_start3A_11 = arith.constant 0 : i32
    %dma_start3A_12 = arith.constant 0 : i32
    %dma_start3A_13 = tpu.memref_slice %arg3[%dma_start3A_11, %dma_start3A_12] : memref<100000x128xf32, #tpu.memory_space<hbm>> -> memref<100000x128xf32, #tpu.memory_space<hbm>>
    tpu.enqueue_indirect_dma source(%dma_start3A_13 : memref<100000x128xf32, #tpu.memory_space<hbm>>) target(%arg7 : memref<256x128xf32, #tpu.memory_space<vmem>>) offsets(%dma_start3A_10 : memref<256xi32, #tpu.memory_space<vmem>>) semaphore(%arg11 : memref<!tpu.dma_semaphore, #tpu.memory_space<semaphore_mem>>)
    %scan3A = arith.constant 0 : i32
    %scan3A_14 = arith.constant 0 : i32
    %scan3A_15 = arith.constant 4 : i32
    %scan3A_16 = arith.addi %scan3A_14, %scan3A_15 : i32
    %scan3A_17 = arith.constant 1 : i32
    scf.for %scan3A_30 = %scan3A_14 to %scan3A_16 step %scan3A_17  : i32 {
      %mul3A_31 = arith.constant 2 : i32
      %mul3A_32 = arith.muli %scan3A_30, %mul3A_31 : i32
      %add3A_33 = arith.constant 0 : i32
      %add3A_34 = arith.addi %mul3A_32, %add3A_33 : i32
      %mul3A_35 = arith.constant 32 : i32
      %mul3A_36 = arith.muli %add3A_34, %mul3A_35 : i32
      %mul3A_37 = arith.constant 8 : i32
      %mul3A_38 = arith.muli %mul3A_36, %mul3A_37 : i32
      %dma_wait3A_39 = tpu.memref_slice %arg5[%mul3A_38] : memref<2048xi32, #tpu.memory_space<vmem>> -> memref<256xi32, #tpu.memory_space<vmem>>
      %dma_wait3A_40 = arith.constant 0 : i32
      %dma_wait3A_41 = arith.constant 0 : i32
      %dma_wait3A_42 = tpu.memref_slice %arg3[%dma_wait3A_40, %dma_wait3A_41] : memref<100000x128xf32, #tpu.memory_space<hbm>> -> memref<100000x128xf32, #tpu.memory_space<hbm>>
      tpu.wait_indirect_dma semaphore(%arg10 : memref<!tpu.dma_semaphore, #tpu.memory_space<semaphore_mem>>) src(%dma_wait3A_42 : memref<100000x128xf32, #tpu.memory_space<hbm>>) dst(%arg6 : memref<256x128xf32, #tpu.memory_space<vmem>>)
      %ge3A = arith.constant 2 : i32
      %ge3A_43 = arith.cmpi sge, %add3A_34, %ge3A : i32
      %convert_element_type3A = arith.extui %ge3A_43 : i1 to i32
      %cond3A = arith.constant 0 : i32
      %cond3A_44 = arith.cmpi ne, %convert_element_type3A, %cond3A : i32
      scf.if %cond3A_44 {
        %sub3A = arith.constant 2 : i32
        %sub3A_94 = arith.subi %add3A_34, %sub3A : i32
        %mul3A_95 = arith.constant 32 : i32
        %mul3A_96 = arith.muli %sub3A_94, %mul3A_95 : i32
        %add3A_97 = arith.addi %mul3A_2, %mul3A_96 : i32
        %dma_wait3A_98 = arith.constant 0 : i32
        %dma_wait3A_99 = tpu.memref_slice %arg4[%add3A_97, %dma_wait3A_98] : memref<8192x128xf32, #tpu.memory_space<hbm>> -> memref<32x128xf32, #tpu.memory_space<hbm>>
        %dma_wait3A_100 = arith.constant 0 : i32
        %dma_wait3A_101 = tpu.memref_slice %arg4[%add3A_97, %dma_wait3A_100] : memref<8192x128xf32, #tpu.memory_space<hbm>> -> memref<32x128xf32, #tpu.memory_space<hbm>>
        tpu.wait_dma2 semaphore(%arg12 : memref<!tpu.dma_semaphore, #tpu.memory_space<semaphore_mem>>) src(%arg8 : memref<32x128xf32, #tpu.memory_space<vmem>>) dst(%dma_wait3A_101 : memref<32x128xf32, #tpu.memory_space<hbm>>)
      } else {
      }
      %parallel_loop3A = arith.constant 0 : i32
      %parallel_loop3A_45 = arith.constant 32 : i32
      %parallel_loop3A_46 = arith.constant 1 : i32
      scf.for %parallel_loop3A_94 = %parallel_loop3A to %parallel_loop3A_45 step %parallel_loop3A_46  : i32 {
        %parallel_loop3A_95 = arith.constant 8 : i32
        %parallel_loop3A_96 = arith.muli %parallel_loop3A_94, %parallel_loop3A_95 : i32
        %parallel_loop3A_97 = arith.constant 0 : i32
        %parallel_loop3A_98 = arith.addi %parallel_loop3A_96, %parallel_loop3A_97 : i32
        %parallel_loop3A_99 = arith.index_cast %parallel_loop3A_98 : i32 to index
        %parallel_loop3A_100 = arith.constant 0 : index
        %parallel_loop3A_101 = tpu.vector_load %arg6[%parallel_loop3A_99, %parallel_loop3A_100] {strides = array<i32>} : memref<256x128xf32, #tpu.memory_space<vmem>>, vector<1x16xf32>,
        %parallel_loop3A_102 = vector.shape_cast %parallel_loop3A_101 : vector<1x16xf32> to vector<16xf32>
        %parallel_loop3A_103 = arith.constant 8 : i32
        %parallel_loop3A_104 = arith.muli %parallel_loop3A_94, %parallel_loop3A_103 : i32
        %parallel_loop3A_105 = arith.constant 1 : i32
        %parallel_loop3A_106 = arith.addi %parallel_loop3A_104, %parallel_loop3A_105 : i32
        %parallel_loop3A_107 = arith.index_cast %parallel_loop3A_106 : i32 to index
        %parallel_loop3A_108 = arith.constant 0 : index
        %parallel_loop3A_109 = tpu.vector_load %arg6[%parallel_loop3A_107, %parallel_loop3A_108] {strides = array<i32>} : memref<256x128xf32, #tpu.memory_space<vmem>>, vector<1x16xf32>,
        %parallel_loop3A_110 = vector.shape_cast %parallel_loop3A_109 : vector<1x16xf32> to vector<16xf32>
        %parallel_loop3A_111 = arith.addf %parallel_loop3A_102, %parallel_loop3A_110 : vector<16xf32>
        %parallel_loop3A_112 = arith.constant 8 : i32
        %parallel_loop3A_113 = arith.muli %parallel_loop3A_94, %parallel_loop3A_112 : i32
        %parallel_loop3A_114 = arith.constant 2 : i32
        %parallel_loop3A_115 = arith.addi %parallel_loop3A_113, %parallel_loop3A_114 : i32
        %parallel_loop3A_116 = arith.index_cast %parallel_loop3A_115 : i32 to index
        %parallel_loop3A_117 = arith.constant 0 : index
        %parallel_loop3A_118 = tpu.vector_load %arg6[%parallel_loop3A_116, %parallel_loop3A_117] {strides = array<i32>} : memref<256x128xf32, #tpu.memory_space<vmem>>, vector<1x16xf32>,
        %parallel_loop3A_119 = vector.shape_cast %parallel_loop3A_118 : vector<1x16xf32> to vector<16xf32>
        %parallel_loop3A_120 = arith.constant 8 : i32
        %parallel_loop3A_121 = arith.muli %parallel_loop3A_94, %parallel_loop3A_120 : i32
        %parallel_loop3A_122 = arith.constant 3 : i32
        %parallel_loop3A_123 = arith.addi %parallel_loop3A_121, %parallel_loop3A_122 : i32
        %parallel_loop3A_124 = arith.index_cast %parallel_loop3A_123 : i32 to index
        %parallel_loop3A_125 = arith.constant 0 : index
        %parallel_loop3A_126 = tpu.vector_load %arg6[%parallel_loop3A_124, %parallel_loop3A_125] {strides = array<i32>} : memref<256x128xf32, #tpu.memory_space<vmem>>, vector<1x16xf32>,
        %parallel_loop3A_127 = vector.shape_cast %parallel_loop3A_126 : vector<1x16xf32> to vector<16xf32>
        %parallel_loop3A_128 = arith.addf %parallel_loop3A_119, %parallel_loop3A_127 : vector<16xf32>
        %parallel_loop3A_129 = arith.constant 8 : i32
        %parallel_loop3A_130 = arith.muli %parallel_loop3A_94, %parallel_loop3A_129 : i32
        %parallel_loop3A_131 = arith.constant 4 : i32
        %parallel_loop3A_132 = arith.addi %parallel_loop3A_130, %parallel_loop3A_131 : i32
        %parallel_loop3A_133 = arith.index_cast %parallel_loop3A_132 : i32 to index
        %parallel_loop3A_134 = arith.constant 0 : index
        %parallel_loop3A_135 = tpu.vector_load %arg6[%parallel_loop3A_133, %parallel_loop3A_134] {strides = array<i32>} : memref<256x128xf32, #tpu.memory_space<vmem>>, vector<1x16xf32>,
        %parallel_loop3A_136 = vector.shape_cast %parallel_loop3A_135 : vector<1x16xf32> to vector<16xf32>
        %parallel_loop3A_137 = arith.constant 8 : i32
        %parallel_loop3A_138 = arith.muli %parallel_loop3A_94, %parallel_loop3A_137 : i32
        %parallel_loop3A_139 = arith.constant 5 : i32
        %parallel_loop3A_140 = arith.addi %parallel_loop3A_138, %parallel_loop3A_139 : i32
        %parallel_loop3A_141 = arith.index_cast %parallel_loop3A_140 : i32 to index
        %parallel_loop3A_142 = arith.constant 0 : index
        %parallel_loop3A_143 = tpu.vector_load %arg6[%parallel_loop3A_141, %parallel_loop3A_142] {strides = array<i32>} : memref<256x128xf32, #tpu.memory_space<vmem>>, vector<1x16xf32>,
        %parallel_loop3A_144 = vector.shape_cast %parallel_loop3A_143 : vector<1x16xf32> to vector<16xf32>
        %parallel_loop3A_145 = arith.addf %parallel_loop3A_136, %parallel_loop3A_144 : vector<16xf32>
        %parallel_loop3A_146 = arith.constant 8 : i32
        %parallel_loop3A_147 = arith.muli %parallel_loop3A_94, %parallel_loop3A_146 : i32
        %parallel_loop3A_148 = arith.constant 6 : i32
        %parallel_loop3A_149 = arith.addi %parallel_loop3A_147, %parallel_loop3A_148 : i32
        %parallel_loop3A_150 = arith.index_cast %parallel_loop3A_149 : i32 to index
        %parallel_loop3A_151 = arith.constant 0 : index
        %parallel_loop3A_152 = tpu.vector_load %arg6[%parallel_loop3A_150, %parallel_loop3A_151] {strides = array<i32>} : memref<256x128xf32, #tpu.memory_space<vmem>>, vector<1x16xf32>,
        %parallel_loop3A_153 = vector.shape_cast %parallel_loop3A_152 : vector<1x16xf32> to vector<16xf32>
        %parallel_loop3A_154 = arith.constant 8 : i32
        %parallel_loop3A_155 = arith.muli %parallel_loop3A_94, %parallel_loop3A_154 : i32
        %parallel_loop3A_156 = arith.constant 7 : i32
        %parallel_loop3A_157 = arith.addi %parallel_loop3A_155, %parallel_loop3A_156 : i32
        %parallel_loop3A_158 = arith.index_cast %parallel_loop3A_157 : i32 to index
        %parallel_loop3A_159 = arith.constant 0 : index
        %parallel_loop3A_160 = tpu.vector_load %arg6[%parallel_loop3A_158, %parallel_loop3A_159] {strides = array<i32>} : memref<256x128xf32, #tpu.memory_space<vmem>>, vector<1x16xf32>,
        %parallel_loop3A_161 = vector.shape_cast %parallel_loop3A_160 : vector<1x16xf32> to vector<16xf32>
        %parallel_loop3A_162 = arith.addf %parallel_loop3A_153, %parallel_loop3A_161 : vector<16xf32>
        %parallel_loop3A_163 = arith.addf %parallel_loop3A_111, %parallel_loop3A_128 : vector<16xf32>
        %parallel_loop3A_164 = arith.addf %parallel_loop3A_145, %parallel_loop3A_162 : vector<16xf32>
        %parallel_loop3A_165 = arith.addf %parallel_loop3A_163, %parallel_loop3A_164 : vector<16xf32>
        %parallel_loop3A_166 = arith.index_cast %parallel_loop3A_94 : i32 to index
        %parallel_loop3A_167 = arith.constant 0 : index
        %parallel_loop3A_168 = tpu.vector_load %arg8[%parallel_loop3A_166, %parallel_loop3A_167] {strides = array<i32>} : memref<32x128xf32, #tpu.memory_space<vmem>>, vector<1x16xf32>,
        %parallel_loop3A_169 = vector.shape_cast %parallel_loop3A_168 : vector<1x16xf32> to vector<16xf32>
        %parallel_loop3A_170 = vector.shape_cast %parallel_loop3A_165 : vector<16xf32> to vector<1x16xf32>
        tpu.vector_store %arg8[%parallel_loop3A_166, %parallel_loop3A_167], %parallel_loop3A_170 {strides = array<i32>} : memref<32x128xf32, #tpu.memory_space<vmem>>, vector<1x16xf32>,
        %parallel_loop3A_171 = arith.constant 8 : i32
        %parallel_loop3A_172 = arith.muli %parallel_loop3A_94, %parallel_loop3A_171 : i32
        %parallel_loop3A_173 = arith.constant 0 : i32
        %parallel_loop3A_174 = arith.addi %parallel_loop3A_172, %parallel_loop3A_173 : i32
        %parallel_loop3A_175 = arith.index_cast %parallel_loop3A_174 : i32 to index
        %parallel_loop3A_176 = arith.constant 16 : index
        %parallel_loop3A_177 = tpu.vector_load %arg6[%parallel_loop3A_175, %parallel_loop3A_176] {strides = array<i32>} : memref<256x128xf32, #tpu.memory_space<vmem>>, vector<1x16xf32>,
        %parallel_loop3A_178 = vector.shape_cast %parallel_loop3A_177 : vector<1x16xf32> to vector<16xf32>
        %parallel_loop3A_179 = arith.constant 8 : i32
        %parallel_loop3A_180 = arith.muli %parallel_loop3A_94, %parallel_loop3A_179 : i32
        %parallel_loop3A_181 = arith.constant 1 : i32
        %parallel_loop3A_182 = arith.addi %parallel_loop3A_180, %parallel_loop3A_181 : i32
        %parallel_loop3A_183 = arith.index_cast %parallel_loop3A_182 : i32 to index
        %parallel_loop3A_184 = arith.constant 16 : index
        %parallel_loop3A_185 = tpu.vector_load %arg6[%parallel_loop3A_183, %parallel_loop3A_184] {strides = array<i32>} : memref<256x128xf32, #tpu.memory_space<vmem>>, vector<1x16xf32>,
        %parallel_loop3A_186 = vector.shape_cast %parallel_loop3A_185 : vector<1x16xf32> to vector<16xf32>
        %parallel_loop3A_187 = arith.addf %parallel_loop3A_178, %parallel_loop3A_186 : vector<16xf32>
        %parallel_loop3A_188 = arith.constant 8 : i32
        %parallel_loop3A_189 = arith.muli %parallel_loop3A_94, %parallel_loop3A_188 : i32
        %parallel_loop3A_190 = arith.constant 2 : i32
        %parallel_loop3A_191 = arith.addi %parallel_loop3A_189, %parallel_loop3A_190 : i32
        %parallel_loop3A_192 = arith.index_cast %parallel_loop3A_191 : i32 to index
        %parallel_loop3A_193 = arith.constant 16 : index
        %parallel_loop3A_194 = tpu.vector_load %arg6[%parallel_loop3A_192, %parallel_loop3A_193] {strides = array<i32>} : memref<256x128xf32, #tpu.memory_space<vmem>>, vector<1x16xf32>,
        %parallel_loop3A_195 = vector.shape_cast %parallel_loop3A_194 : vector<1x16xf32> to vector<16xf32>
        %parallel_loop3A_196 = arith.constant 8 : i32
        %parallel_loop3A_197 = arith.muli %parallel_loop3A_94, %parallel_loop3A_196 : i32
        %parallel_loop3A_198 = arith.constant 3 : i32
        %parallel_loop3A_199 = arith.addi %parallel_loop3A_197, %parallel_loop3A_198 : i32
        %parallel_loop3A_200 = arith.index_cast %parallel_loop3A_199 : i32 to index
        %parallel_loop3A_201 = arith.constant 16 : index
        %parallel_loop3A_202 = tpu.vector_load %arg6[%parallel_loop3A_200, %parallel_loop3A_201] {strides = array<i32>} : memref<256x128xf32, #tpu.memory_space<vmem>>, vector<1x16xf32>,
        %parallel_loop3A_203 = vector.shape_cast %parallel_loop3A_202 : vector<1x16xf32> to vector<16xf32>
        %parallel_loop3A_204 = arith.addf %parallel_loop3A_195, %parallel_loop3A_203 : vector<16xf32>
        %parallel_loop3A_205 = arith.constant 8 : i32
        %parallel_loop3A_206 = arith.muli %parallel_loop3A_94, %parallel_loop3A_205 : i32
        %parallel_loop3A_207 = arith.constant 4 : i32
        %parallel_loop3A_208 = arith.addi %parallel_loop3A_206, %parallel_loop3A_207 : i32
        %parallel_loop3A_209 = arith.index_cast %parallel_loop3A_208 : i32 to index
        %parallel_loop3A_210 = arith.constant 16 : index
        %parallel_loop3A_211 = tpu.vector_load %arg6[%parallel_loop3A_209, %parallel_loop3A_210] {strides = array<i32>} : memref<256x128xf32, #tpu.memory_space<vmem>>, vector<1x16xf32>,
        %parallel_loop3A_212 = vector.shape_cast %parallel_loop3A_211 : vector<1x16xf32> to vector<16xf32>
        %parallel_loop3A_213 = arith.constant 8 : i32
        %parallel_loop3A_214 = arith.muli %parallel_loop3A_94, %parallel_loop3A_213 : i32
        %parallel_loop3A_215 = arith.constant 5 : i32
        %parallel_loop3A_216 = arith.addi %parallel_loop3A_214, %parallel_loop3A_215 : i32
        %parallel_loop3A_217 = arith.index_cast %parallel_loop3A_216 : i32 to index
        %parallel_loop3A_218 = arith.constant 16 : index
        %parallel_loop3A_219 = tpu.vector_load %arg6[%parallel_loop3A_217, %parallel_loop3A_218] {strides = array<i32>} : memref<256x128xf32, #tpu.memory_space<vmem>>, vector<1x16xf32>,
        %parallel_loop3A_220 = vector.shape_cast %parallel_loop3A_219 : vector<1x16xf32> to vector<16xf32>
        %parallel_loop3A_221 = arith.addf %parallel_loop3A_212, %parallel_loop3A_220 : vector<16xf32>
        %parallel_loop3A_222 = arith.constant 8 : i32
        %parallel_loop3A_223 = arith.muli %parallel_loop3A_94, %parallel_loop3A_222 : i32
        %parallel_loop3A_224 = arith.constant 6 : i32
        %parallel_loop3A_225 = arith.addi %parallel_loop3A_223, %parallel_loop3A_224 : i32
        %parallel_loop3A_226 = arith.index_cast %parallel_loop3A_225 : i32 to index
        %parallel_loop3A_227 = arith.constant 16 : index
        %parallel_loop3A_228 = tpu.vector_load %arg6[%parallel_loop3A_226, %parallel_loop3A_227] {strides = array<i32>} : memref<256x128xf32, #tpu.memory_space<vmem>>, vector<1x16xf32>,
        %parallel_loop3A_229 = vector.shape_cast %parallel_loop3A_228 : vector<1x16xf32> to vector<16xf32>
        %parallel_loop3A_230 = arith.constant 8 : i32
        %parallel_loop3A_231 = arith.muli %parallel_loop3A_94, %parallel_loop3A_230 : i32
        %parallel_loop3A_232 = arith.constant 7 : i32
        %parallel_loop3A_233 = arith.addi %parallel_loop3A_231, %parallel_loop3A_232 : i32
        %parallel_loop3A_234 = arith.index_cast %parallel_loop3A_233 : i32 to index
        %parallel_loop3A_235 = arith.constant 16 : index
        %parallel_loop3A_236 = tpu.vector_load %arg6[%parallel_loop3A_234, %parallel_loop3A_235] {strides = array<i32>} : memref<256x128xf32, #tpu.memory_space<vmem>>, vector<1x16xf32>,
        %parallel_loop3A_237 = vector.shape_cast %parallel_loop3A_236 : vector<1x16xf32> to vector<16xf32>
        %parallel_loop3A_238 = arith.addf %parallel_loop3A_229, %parallel_loop3A_237 : vector<16xf32>
        %parallel_loop3A_239 = arith.addf %parallel_loop3A_187, %parallel_loop3A_204 : vector<16xf32>
        %parallel_loop3A_240 = arith.addf %parallel_loop3A_221, %parallel_loop3A_238 : vector<16xf32>
        %parallel_loop3A_241 = arith.addf %parallel_loop3A_239, %parallel_loop3A_240 : vector<16xf32>
        %parallel_loop3A_242 = arith.index_cast %parallel_loop3A_94 : i32 to index
        %parallel_loop3A_243 = arith.constant 16 : index
        %parallel_loop3A_244 = tpu.vector_load %arg8[%parallel_loop3A_242, %parallel_loop3A_243] {strides = array<i32>} : memref<32x128xf32, #tpu.memory_space<vmem>>, vector<1x16xf32>,
        %parallel_loop3A_245 = vector.shape_cast %parallel_loop3A_244 : vector<1x16xf32> to vector<16xf32>
        %parallel_loop3A_246 = vector.shape_cast %parallel_loop3A_241 : vector<16xf32> to vector<1x16xf32>
        tpu.vector_store %arg8[%parallel_loop3A_242, %parallel_loop3A_243], %parallel_loop3A_246 {strides = array<i32>} : memref<32x128xf32, #tpu.memory_space<vmem>>, vector<1x16xf32>,
        %parallel_loop3A_247 = arith.constant 8 : i32
        %parallel_loop3A_248 = arith.muli %parallel_loop3A_94, %parallel_loop3A_247 : i32
        %parallel_loop3A_249 = arith.constant 0 : i32
        %parallel_loop3A_250 = arith.addi %parallel_loop3A_248, %parallel_loop3A_249 : i32
        %parallel_loop3A_251 = arith.index_cast %parallel_loop3A_250 : i32 to index
        %parallel_loop3A_252 = arith.constant 32 : index
        %parallel_loop3A_253 = tpu.vector_load %arg6[%parallel_loop3A_251, %parallel_loop3A_252] {strides = array<i32>} : memref<256x128xf32, #tpu.memory_space<vmem>>, vector<1x16xf32>,
        %parallel_loop3A_254 = vector.shape_cast %parallel_loop3A_253 : vector<1x16xf32> to vector<16xf32>
        %parallel_loop3A_255 = arith.constant 8 : i32
        %parallel_loop3A_256 = arith.muli %parallel_loop3A_94, %parallel_loop3A_255 : i32
        %parallel_loop3A_257 = arith.constant 1 : i32
        %parallel_loop3A_258 = arith.addi %parallel_loop3A_256, %parallel_loop3A_257 : i32
        %parallel_loop3A_259 = arith.index_cast %parallel_loop3A_258 : i32 to index
        %parallel_loop3A_260 = arith.constant 32 : index
        %parallel_loop3A_261 = tpu.vector_load %arg6[%parallel_loop3A_259, %parallel_loop3A_260] {strides = array<i32>} : memref<256x128xf32, #tpu.memory_space<vmem>>, vector<1x16xf32>,
        %parallel_loop3A_262 = vector.shape_cast %parallel_loop3A_261 : vector<1x16xf32> to vector<16xf32>
        %parallel_loop3A_263 = arith.addf %parallel_loop3A_254, %parallel_loop3A_262 : vector<16xf32>
        %parallel_loop3A_264 = arith.constant 8 : i32
        %parallel_loop3A_265 = arith.muli %parallel_loop3A_94, %parallel_loop3A_264 : i32
        %parallel_loop3A_266 = arith.constant 2 : i32
        %parallel_loop3A_267 = arith.addi %parallel_loop3A_265, %parallel_loop3A_266 : i32
        %parallel_loop3A_268 = arith.index_cast %parallel_loop3A_267 : i32 to index
        %parallel_loop3A_269 = arith.constant 32 : index
        %parallel_loop3A_270 = tpu.vector_load %arg6[%parallel_loop3A_268, %parallel_loop3A_269] {strides = array<i32>} : memref<256x128xf32, #tpu.memory_space<vmem>>, vector<1x16xf32>,
        %parallel_loop3A_271 = vector.shape_cast %parallel_loop3A_270 : vector<1x16xf32> to vector<16xf32>
        %parallel_loop3A_272 = arith.constant 8 : i32
        %parallel_loop3A_273 = arith.muli %parallel_loop3A_94, %parallel_loop3A_272 : i32
        %parallel_loop3A_274 = arith.constant 3 : i32
        %parallel_loop3A_275 = arith.addi %parallel_loop3A_273, %parallel_loop3A_274 : i32
        %parallel_loop3A_276 = arith.index_cast %parallel_loop3A_275 : i32 to index
        %parallel_loop3A_277 = arith.constant 32 : index
        %parallel_loop3A_278 = tpu.vector_load %arg6[%parallel_loop3A_276, %parallel_loop3A_277] {strides = array<i32>} : memref<256x128xf32, #tpu.memory_space<vmem>>, vector<1x16xf32>,
        %parallel_loop3A_279 = vector.shape_cast %parallel_loop3A_278 : vector<1x16xf32> to vector<16xf32>
        %parallel_loop3A_280 = arith.addf %parallel_loop3A_271, %parallel_loop3A_279 : vector<16xf32>
        %parallel_loop3A_281 = arith.constant 8 : i32
        %parallel_loop3A_282 = arith.muli %parallel_loop3A_94, %parallel_loop3A_281 : i32
        %parallel_loop3A_283 = arith.constant 4 : i32
        %parallel_loop3A_284 = arith.addi %parallel_loop3A_282, %parallel_loop3A_283 : i32
        %parallel_loop3A_285 = arith.index_cast %parallel_loop3A_284 : i32 to index
        %parallel_loop3A_286 = arith.constant 32 : index
        %parallel_loop3A_287 = tpu.vector_load %arg6[%parallel_loop3A_285, %parallel_loop3A_286] {strides = array<i32>} : memref<256x128xf32, #tpu.memory_space<vmem>>, vector<1x16xf32>,
        %parallel_loop3A_288 = vector.shape_cast %parallel_loop3A_287 : vector<1x16xf32> to vector<16xf32>
        %parallel_loop3A_289 = arith.constant 8 : i32
        %parallel_loop3A_290 = arith.muli %parallel_loop3A_94, %parallel_loop3A_289 : i32
        %parallel_loop3A_291 = arith.constant 5 : i32
        %parallel_loop3A_292 = arith.addi %parallel_loop3A_290, %parallel_loop3A_291 : i32
        %parallel_loop3A_293 = arith.index_cast %parallel_loop3A_292 : i32 to index
        %parallel_loop3A_294 = arith.constant 32 : index
        %parallel_loop3A_295 = tpu.vector_load %arg6[%parallel_loop3A_293, %parallel_loop3A_294] {strides = array<i32>} : memref<256x128xf32, #tpu.memory_space<vmem>>, vector<1x16xf32>,
        %parallel_loop3A_296 = vector.shape_cast %parallel_loop3A_295 : vector<1x16xf32> to vector<16xf32>
        %parallel_loop3A_297 = arith.addf %parallel_loop3A_288, %parallel_loop3A_296 : vector<16xf32>
        %parallel_loop3A_298 = arith.constant 8 : i32
        %parallel_loop3A_299 = arith.muli %parallel_loop3A_94, %parallel_loop3A_298 : i32
        %parallel_loop3A_300 = arith.constant 6 : i32
        %parallel_loop3A_301 = arith.addi %parallel_loop3A_299, %parallel_loop3A_300 : i32
        %parallel_loop3A_302 = arith.index_cast %parallel_loop3A_301 : i32 to index
        %parallel_loop3A_303 = arith.constant 32 : index
        %parallel_loop3A_304 = tpu.vector_load %arg6[%parallel_loop3A_302, %parallel_loop3A_303] {strides = array<i32>} : memref<256x128xf32, #tpu.memory_space<vmem>>, vector<1x16xf32>,
        %parallel_loop3A_305 = vector.shape_cast %parallel_loop3A_304 : vector<1x16xf32> to vector<16xf32>
        %parallel_loop3A_306 = arith.constant 8 : i32
        %parallel_loop3A_307 = arith.muli %parallel_loop3A_94, %parallel_loop3A_306 : i32
        %parallel_loop3A_308 = arith.constant 7 : i32
        %parallel_loop3A_309 = arith.addi %parallel_loop3A_307, %parallel_loop3A_308 : i32
        %parallel_loop3A_310 = arith.index_cast %parallel_loop3A_309 : i32 to index
        %parallel_loop3A_311 = arith.constant 32 : index
        %parallel_loop3A_312 = tpu.vector_load %arg6[%parallel_loop3A_310, %parallel_loop3A_311] {strides = array<i32>} : memref<256x128xf32, #tpu.memory_space<vmem>>, vector<1x16xf32>,
        %parallel_loop3A_313 = vector.shape_cast %parallel_loop3A_312 : vector<1x16xf32> to vector<16xf32>
        %parallel_loop3A_314 = arith.addf %parallel_loop3A_305, %parallel_loop3A_313 : vector<16xf32>
        %parallel_loop3A_315 = arith.addf %parallel_loop3A_263, %parallel_loop3A_280 : vector<16xf32>
        %parallel_loop3A_316 = arith.addf %parallel_loop3A_297, %parallel_loop3A_314 : vector<16xf32>
        %parallel_loop3A_317 = arith.addf %parallel_loop3A_315, %parallel_loop3A_316 : vector<16xf32>
        %parallel_loop3A_318 = arith.index_cast %parallel_loop3A_94 : i32 to index
        %parallel_loop3A_319 = arith.constant 32 : index
        %parallel_loop3A_320 = tpu.vector_load %arg8[%parallel_loop3A_318, %parallel_loop3A_319] {strides = array<i32>} : memref<32x128xf32, #tpu.memory_space<vmem>>, vector<1x16xf32>,
        %parallel_loop3A_321 = vector.shape_cast %parallel_loop3A_320 : vector<1x16xf32> to vector<16xf32>
        %parallel_loop3A_322 = vector.shape_cast %parallel_loop3A_317 : vector<16xf32> to vector<1x16xf32>
        tpu.vector_store %arg8[%parallel_loop3A_318, %parallel_loop3A_319], %parallel_loop3A_322 {strides = array<i32>} : memref<32x128xf32, #tpu.memory_space<vmem>>, vector<1x16xf32>,
        %parallel_loop3A_323 = arith.constant 8 : i32
        %parallel_loop3A_324 = arith.muli %parallel_loop3A_94, %parallel_loop3A_323 : i32
        %parallel_loop3A_325 = arith.constant 0 : i32
        %parallel_loop3A_326 = arith.addi %parallel_loop3A_324, %parallel_loop3A_325 : i32
        %parallel_loop3A_327 = arith.index_cast %parallel_loop3A_326 : i32 to index
        %parallel_loop3A_328 = arith.constant 48 : index
        %parallel_loop3A_329 = tpu.vector_load %arg6[%parallel_loop3A_327, %parallel_loop3A_328] {strides = array<i32>} : memref<256x128xf32, #tpu.memory_space<vmem>>, vector<1x16xf32>,
        %parallel_loop3A_330 = vector.shape_cast %parallel_loop3A_329 : vector<1x16xf32> to vector<16xf32>
        %parallel_loop3A_331 = arith.constant 8 : i32
        %parallel_loop3A_332 = arith.muli %parallel_loop3A_94, %parallel_loop3A_331 : i32
        %parallel_loop3A_333 = arith.constant 1 : i32
        %parallel_loop3A_334 = arith.addi %parallel_loop3A_332, %parallel_loop3A_333 : i32
        %parallel_loop3A_335 = arith.index_cast %parallel_loop3A_334 : i32 to index
        %parallel_loop3A_336 = arith.constant 48 : index
        %parallel_loop3A_337 = tpu.vector_load %arg6[%parallel_loop3A_335, %parallel_loop3A_336] {strides = array<i32>} : memref<256x128xf32, #tpu.memory_space<vmem>>, vector<1x16xf32>,
        %parallel_loop3A_338 = vector.shape_cast %parallel_loop3A_337 : vector<1x16xf32> to vector<16xf32>
        %parallel_loop3A_339 = arith.addf %parallel_loop3A_330, %parallel_loop3A_338 : vector<16xf32>
        %parallel_loop3A_340 = arith.constant 8 : i32
        %parallel_loop3A_341 = arith.muli %parallel_loop3A_94, %parallel_loop3A_340 : i32
        %parallel_loop3A_342 = arith.constant 2 : i32
        %parallel_loop3A_343 = arith.addi %parallel_loop3A_341, %parallel_loop3A_342 : i32
        %parallel_loop3A_344 = arith.index_cast %parallel_loop3A_343 : i32 to index
        %parallel_loop3A_345 = arith.constant 48 : index
        %parallel_loop3A_346 = tpu.vector_load %arg6[%parallel_loop3A_344, %parallel_loop3A_345] {strides = array<i32>} : memref<256x128xf32, #tpu.memory_space<vmem>>, vector<1x16xf32>,
        %parallel_loop3A_347 = vector.shape_cast %parallel_loop3A_346 : vector<1x16xf32> to vector<16xf32>
        %parallel_loop3A_348 = arith.constant 8 : i32
        %parallel_loop3A_349 = arith.muli %parallel_loop3A_94, %parallel_loop3A_348 : i32
        %parallel_loop3A_350 = arith.constant 3 : i32
        %parallel_loop3A_351 = arith.addi %parallel_loop3A_349, %parallel_loop3A_350 : i32
        %parallel_loop3A_352 = arith.index_cast %parallel_loop3A_351 : i32 to index
        %parallel_loop3A_353 = arith.constant 48 : index
        %parallel_loop3A_354 = tpu.vector_load %arg6[%parallel_loop3A_352, %parallel_loop3A_353] {strides = array<i32>} : memref<256x128xf32, #tpu.memory_space<vmem>>, vector<1x16xf32>,
        %parallel_loop3A_355 = vector.shape_cast %parallel_loop3A_354 : vector<1x16xf32> to vector<16xf32>
        %parallel_loop3A_356 = arith.addf %parallel_loop3A_347, %parallel_loop3A_355 : vector<16xf32>
        %parallel_loop3A_357 = arith.constant 8 : i32
        %parallel_loop3A_358 = arith.muli %parallel_loop3A_94, %parallel_loop3A_357 : i32
        %parallel_loop3A_359 = arith.constant 4 : i32
        %parallel_loop3A_360 = arith.addi %parallel_loop3A_358, %parallel_loop3A_359 : i32
        %parallel_loop3A_361 = arith.index_cast %parallel_loop3A_360 : i32 to index
        %parallel_loop3A_362 = arith.constant 48 : index
        %parallel_loop3A_363 = tpu.vector_load %arg6[%parallel_loop3A_361, %parallel_loop3A_362] {strides = array<i32>} : memref<256x128xf32, #tpu.memory_space<vmem>>, vector<1x16xf32>,
        %parallel_loop3A_364 = vector.shape_cast %parallel_loop3A_363 : vector<1x16xf32> to vector<16xf32>
        %parallel_loop3A_365 = arith.constant 8 : i32
        %parallel_loop3A_366 = arith.muli %parallel_loop3A_94, %parallel_loop3A_365 : i32
        %parallel_loop3A_367 = arith.constant 5 : i32
        %parallel_loop3A_368 = arith.addi %parallel_loop3A_366, %parallel_loop3A_367 : i32
        %parallel_loop3A_369 = arith.index_cast %parallel_loop3A_368 : i32 to index
        %parallel_loop3A_370 = arith.constant 48 : index
        %parallel_loop3A_371 = tpu.vector_load %arg6[%parallel_loop3A_369, %parallel_loop3A_370] {strides = array<i32>} : memref<256x128xf32, #tpu.memory_space<vmem>>, vector<1x16xf32>,
        %parallel_loop3A_372 = vector.shape_cast %parallel_loop3A_371 : vector<1x16xf32> to vector<16xf32>
        %parallel_loop3A_373 = arith.addf %parallel_loop3A_364, %parallel_loop3A_372 : vector<16xf32>
        %parallel_loop3A_374 = arith.constant 8 : i32
        %parallel_loop3A_375 = arith.muli %parallel_loop3A_94, %parallel_loop3A_374 : i32
        %parallel_loop3A_376 = arith.constant 6 : i32
        %parallel_loop3A_377 = arith.addi %parallel_loop3A_375, %parallel_loop3A_376 : i32
        %parallel_loop3A_378 = arith.index_cast %parallel_loop3A_377 : i32 to index
        %parallel_loop3A_379 = arith.constant 48 : index
        %parallel_loop3A_380 = tpu.vector_load %arg6[%parallel_loop3A_378, %parallel_loop3A_379] {strides = array<i32>} : memref<256x128xf32, #tpu.memory_space<vmem>>, vector<1x16xf32>,
        %parallel_loop3A_381 = vector.shape_cast %parallel_loop3A_380 : vector<1x16xf32> to vector<16xf32>
        %parallel_loop3A_382 = arith.constant 8 : i32
        %parallel_loop3A_383 = arith.muli %parallel_loop3A_94, %parallel_loop3A_382 : i32
        %parallel_loop3A_384 = arith.constant 7 : i32
        %parallel_loop3A_385 = arith.addi %parallel_loop3A_383, %parallel_loop3A_384 : i32
        %parallel_loop3A_386 = arith.index_cast %parallel_loop3A_385 : i32 to index
        %parallel_loop3A_387 = arith.constant 48 : index
        %parallel_loop3A_388 = tpu.vector_load %arg6[%parallel_loop3A_386, %parallel_loop3A_387] {strides = array<i32>} : memref<256x128xf32, #tpu.memory_space<vmem>>, vector<1x16xf32>,
        %parallel_loop3A_389 = vector.shape_cast %parallel_loop3A_388 : vector<1x16xf32> to vector<16xf32>
        %parallel_loop3A_390 = arith.addf %parallel_loop3A_381, %parallel_loop3A_389 : vector<16xf32>
        %parallel_loop3A_391 = arith.addf %parallel_loop3A_339, %parallel_loop3A_356 : vector<16xf32>
        %parallel_loop3A_392 = arith.addf %parallel_loop3A_373, %parallel_loop3A_390 : vector<16xf32>
        %parallel_loop3A_393 = arith.addf %parallel_loop3A_391, %parallel_loop3A_392 : vector<16xf32>
        %parallel_loop3A_394 = arith.index_cast %parallel_loop3A_94 : i32 to index
        %parallel_loop3A_395 = arith.constant 48 : index
        %parallel_loop3A_396 = tpu.vector_load %arg8[%parallel_loop3A_394, %parallel_loop3A_395] {strides = array<i32>} : memref<32x128xf32, #tpu.memory_space<vmem>>, vector<1x16xf32>,
        %parallel_loop3A_397 = vector.shape_cast %parallel_loop3A_396 : vector<1x16xf32> to vector<16xf32>
        %parallel_loop3A_398 = vector.shape_cast %parallel_loop3A_393 : vector<16xf32> to vector<1x16xf32>
        tpu.vector_store %arg8[%parallel_loop3A_394, %parallel_loop3A_395], %parallel_loop3A_398 {strides = array<i32>} : memref<32x128xf32, #tpu.memory_space<vmem>>, vector<1x16xf32>,
        %parallel_loop3A_399 = arith.constant 8 : i32
        %parallel_loop3A_400 = arith.muli %parallel_loop3A_94, %parallel_loop3A_399 : i32
        %parallel_loop3A_401 = arith.constant 0 : i32
        %parallel_loop3A_402 = arith.addi %parallel_loop3A_400, %parallel_loop3A_401 : i32
        %parallel_loop3A_403 = arith.index_cast %parallel_loop3A_402 : i32 to index
        %parallel_loop3A_404 = arith.constant 64 : index
        %parallel_loop3A_405 = tpu.vector_load %arg6[%parallel_loop3A_403, %parallel_loop3A_404] {strides = array<i32>} : memref<256x128xf32, #tpu.memory_space<vmem>>, vector<1x16xf32>,
        %parallel_loop3A_406 = vector.shape_cast %parallel_loop3A_405 : vector<1x16xf32> to vector<16xf32>
        %parallel_loop3A_407 = arith.constant 8 : i32
        %parallel_loop3A_408 = arith.muli %parallel_loop3A_94, %parallel_loop3A_407 : i32
        %parallel_loop3A_409 = arith.constant 1 : i32
        %parallel_loop3A_410 = arith.addi %parallel_loop3A_408, %parallel_loop3A_409 : i32
        %parallel_loop3A_411 = arith.index_cast %parallel_loop3A_410 : i32 to index
        %parallel_loop3A_412 = arith.constant 64 : index
        %parallel_loop3A_413 = tpu.vector_load %arg6[%parallel_loop3A_411, %parallel_loop3A_412] {strides = array<i32>} : memref<256x128xf32, #tpu.memory_space<vmem>>, vector<1x16xf32>,
        %parallel_loop3A_414 = vector.shape_cast %parallel_loop3A_413 : vector<1x16xf32> to vector<16xf32>
        %parallel_loop3A_415 = arith.addf %parallel_loop3A_406, %parallel_loop3A_414 : vector<16xf32>
        %parallel_loop3A_416 = arith.constant 8 : i32
        %parallel_loop3A_417 = arith.muli %parallel_loop3A_94, %parallel_loop3A_416 : i32
        %parallel_loop3A_418 = arith.constant 2 : i32
        %parallel_loop3A_419 = arith.addi %parallel_loop3A_417, %parallel_loop3A_418 : i32
        %parallel_loop3A_420 = arith.index_cast %parallel_loop3A_419 : i32 to index
        %parallel_loop3A_421 = arith.constant 64 : index
        %parallel_loop3A_422 = tpu.vector_load %arg6[%parallel_loop3A_420, %parallel_loop3A_421] {strides = array<i32>} : memref<256x128xf32, #tpu.memory_space<vmem>>, vector<1x16xf32>,
        %parallel_loop3A_423 = vector.shape_cast %parallel_loop3A_422 : vector<1x16xf32> to vector<16xf32>
        %parallel_loop3A_424 = arith.constant 8 : i32
        %parallel_loop3A_425 = arith.muli %parallel_loop3A_94, %parallel_loop3A_424 : i32
        %parallel_loop3A_426 = arith.constant 3 : i32
        %parallel_loop3A_427 = arith.addi %parallel_loop3A_425, %parallel_loop3A_426 : i32
        %parallel_loop3A_428 = arith.index_cast %parallel_loop3A_427 : i32 to index
        %parallel_loop3A_429 = arith.constant 64 : index
        %parallel_loop3A_430 = tpu.vector_load %arg6[%parallel_loop3A_428, %parallel_loop3A_429] {strides = array<i32>} : memref<256x128xf32, #tpu.memory_space<vmem>>, vector<1x16xf32>,
        %parallel_loop3A_431 = vector.shape_cast %parallel_loop3A_430 : vector<1x16xf32> to vector<16xf32>
        %parallel_loop3A_432 = arith.addf %parallel_loop3A_423, %parallel_loop3A_431 : vector<16xf32>
        %parallel_loop3A_433 = arith.constant 8 : i32
        %parallel_loop3A_434 = arith.muli %parallel_loop3A_94, %parallel_loop3A_433 : i32
        %parallel_loop3A_435 = arith.constant 4 : i32
        %parallel_loop3A_436 = arith.addi %parallel_loop3A_434, %parallel_loop3A_435 : i32
        %parallel_loop3A_437 = arith.index_cast %parallel_loop3A_436 : i32 to index
        %parallel_loop3A_438 = arith.constant 64 : index
        %parallel_loop3A_439 = tpu.vector_load %arg6[%parallel_loop3A_437, %parallel_loop3A_438] {strides = array<i32>} : memref<256x128xf32, #tpu.memory_space<vmem>>, vector<1x16xf32>,
        %parallel_loop3A_440 = vector.shape_cast %parallel_loop3A_439 : vector<1x16xf32> to vector<16xf32>
        %parallel_loop3A_441 = arith.constant 8 : i32
        %parallel_loop3A_442 = arith.muli %parallel_loop3A_94, %parallel_loop3A_441 : i32
        %parallel_loop3A_443 = arith.constant 5 : i32
        %parallel_loop3A_444 = arith.addi %parallel_loop3A_442, %parallel_loop3A_443 : i32
        %parallel_loop3A_445 = arith.index_cast %parallel_loop3A_444 : i32 to index
        %parallel_loop3A_446 = arith.constant 64 : index
        %parallel_loop3A_447 = tpu.vector_load %arg6[%parallel_loop3A_445, %parallel_loop3A_446] {strides = array<i32>} : memref<256x128xf32, #tpu.memory_space<vmem>>, vector<1x16xf32>,
        %parallel_loop3A_448 = vector.shape_cast %parallel_loop3A_447 : vector<1x16xf32> to vector<16xf32>
        %parallel_loop3A_449 = arith.addf %parallel_loop3A_440, %parallel_loop3A_448 : vector<16xf32>
        %parallel_loop3A_450 = arith.constant 8 : i32
        %parallel_loop3A_451 = arith.muli %parallel_loop3A_94, %parallel_loop3A_450 : i32
        %parallel_loop3A_452 = arith.constant 6 : i32
        %parallel_loop3A_453 = arith.addi %parallel_loop3A_451, %parallel_loop3A_452 : i32
        %parallel_loop3A_454 = arith.index_cast %parallel_loop3A_453 : i32 to index
        %parallel_loop3A_455 = arith.constant 64 : index
        %parallel_loop3A_456 = tpu.vector_load %arg6[%parallel_loop3A_454, %parallel_loop3A_455] {strides = array<i32>} : memref<256x128xf32, #tpu.memory_space<vmem>>, vector<1x16xf32>,
        %parallel_loop3A_457 = vector.shape_cast %parallel_loop3A_456 : vector<1x16xf32> to vector<16xf32>
        %parallel_loop3A_458 = arith.constant 8 : i32
        %parallel_loop3A_459 = arith.muli %parallel_loop3A_94, %parallel_loop3A_458 : i32
        %parallel_loop3A_460 = arith.constant 7 : i32
        %parallel_loop3A_461 = arith.addi %parallel_loop3A_459, %parallel_loop3A_460 : i32
        %parallel_loop3A_462 = arith.index_cast %parallel_loop3A_461 : i32 to index
        %parallel_loop3A_463 = arith.constant 64 : index
        %parallel_loop3A_464 = tpu.vector_load %arg6[%parallel_loop3A_462, %parallel_loop3A_463] {strides = array<i32>} : memref<256x128xf32, #tpu.memory_space<vmem>>, vector<1x16xf32>,
        %parallel_loop3A_465 = vector.shape_cast %parallel_loop3A_464 : vector<1x16xf32> to vector<16xf32>
        %parallel_loop3A_466 = arith.addf %parallel_loop3A_457, %parallel_loop3A_465 : vector<16xf32>
        %parallel_loop3A_467 = arith.addf %parallel_loop3A_415, %parallel_loop3A_432 : vector<16xf32>
        %parallel_loop3A_468 = arith.addf %parallel_loop3A_449, %parallel_loop3A_466 : vector<16xf32>
        %parallel_loop3A_469 = arith.addf %parallel_loop3A_467, %parallel_loop3A_468 : vector<16xf32>
        %parallel_loop3A_470 = arith.index_cast %parallel_loop3A_94 : i32 to index
        %parallel_loop3A_471 = arith.constant 64 : index
        %parallel_loop3A_472 = tpu.vector_load %arg8[%parallel_loop3A_470, %parallel_loop3A_471] {strides = array<i32>} : memref<32x128xf32, #tpu.memory_space<vmem>>, vector<1x16xf32>,
        %parallel_loop3A_473 = vector.shape_cast %parallel_loop3A_472 : vector<1x16xf32> to vector<16xf32>
        %parallel_loop3A_474 = vector.shape_cast %parallel_loop3A_469 : vector<16xf32> to vector<1x16xf32>
        tpu.vector_store %arg8[%parallel_loop3A_470, %parallel_loop3A_471], %parallel_loop3A_474 {strides = array<i32>} : memref<32x128xf32, #tpu.memory_space<vmem>>, vector<1x16xf32>,
        %parallel_loop3A_475 = arith.constant 8 : i32
        %parallel_loop3A_476 = arith.muli %parallel_loop3A_94, %parallel_loop3A_475 : i32
        %parallel_loop3A_477 = arith.constant 0 : i32
        %parallel_loop3A_478 = arith.addi %parallel_loop3A_476, %parallel_loop3A_477 : i32
        %parallel_loop3A_479 = arith.index_cast %parallel_loop3A_478 : i32 to index
        %parallel_loop3A_480 = arith.constant 80 : index
        %parallel_loop3A_481 = tpu.vector_load %arg6[%parallel_loop3A_479, %parallel_loop3A_480] {strides = array<i32>} : memref<256x128xf32, #tpu.memory_space<vmem>>, vector<1x16xf32>,
        %parallel_loop3A_482 = vector.shape_cast %parallel_loop3A_481 : vector<1x16xf32> to vector<16xf32>
        %parallel_loop3A_483 = arith.constant 8 : i32
        %parallel_loop3A_484 = arith.muli %parallel_loop3A_94, %parallel_loop3A_483 : i32
        %parallel_loop3A_485 = arith.constant 1 : i32
        %parallel_loop3A_486 = arith.addi %parallel_loop3A_484, %parallel_loop3A_485 : i32
        %parallel_loop3A_487 = arith.index_cast %parallel_loop3A_486 : i32 to index
        %parallel_loop3A_488 = arith.constant 80 : index
        %parallel_loop3A_489 = tpu.vector_load %arg6[%parallel_loop3A_487, %parallel_loop3A_488] {strides = array<i32>} : memref<256x128xf32, #tpu.memory_space<vmem>>, vector<1x16xf32>,
        %parallel_loop3A_490 = vector.shape_cast %parallel_loop3A_489 : vector<1x16xf32> to vector<16xf32>
        %parallel_loop3A_491 = arith.addf %parallel_loop3A_482, %parallel_loop3A_490 : vector<16xf32>
        %parallel_loop3A_492 = arith.constant 8 : i32
        %parallel_loop3A_493 = arith.muli %parallel_loop3A_94, %parallel_loop3A_492 : i32
        %parallel_loop3A_494 = arith.constant 2 : i32
        %parallel_loop3A_495 = arith.addi %parallel_loop3A_493, %parallel_loop3A_494 : i32
        %parallel_loop3A_496 = arith.index_cast %parallel_loop3A_495 : i32 to index
        %parallel_loop3A_497 = arith.constant 80 : index
        %parallel_loop3A_498 = tpu.vector_load %arg6[%parallel_loop3A_496, %parallel_loop3A_497] {strides = array<i32>} : memref<256x128xf32, #tpu.memory_space<vmem>>, vector<1x16xf32>,
        %parallel_loop3A_499 = vector.shape_cast %parallel_loop3A_498 : vector<1x16xf32> to vector<16xf32>
        %parallel_loop3A_500 = arith.constant 8 : i32
        %parallel_loop3A_501 = arith.muli %parallel_loop3A_94, %parallel_loop3A_500 : i32
        %parallel_loop3A_502 = arith.constant 3 : i32
        %parallel_loop3A_503 = arith.addi %parallel_loop3A_501, %parallel_loop3A_502 : i32
        %parallel_loop3A_504 = arith.index_cast %parallel_loop3A_503 : i32 to index
        %parallel_loop3A_505 = arith.constant 80 : index
        %parallel_loop3A_506 = tpu.vector_load %arg6[%parallel_loop3A_504, %parallel_loop3A_505] {strides = array<i32>} : memref<256x128xf32, #tpu.memory_space<vmem>>, vector<1x16xf32>,
        %parallel_loop3A_507 = vector.shape_cast %parallel_loop3A_506 : vector<1x16xf32> to vector<16xf32>
        %parallel_loop3A_508 = arith.addf %parallel_loop3A_499, %parallel_loop3A_507 : vector<16xf32>
        %parallel_loop3A_509 = arith.constant 8 : i32
        %parallel_loop3A_510 = arith.muli %parallel_loop3A_94, %parallel_loop3A_509 : i32
        %parallel_loop3A_511 = arith.constant 4 : i32
        %parallel_loop3A_512 = arith.addi %parallel_loop3A_510, %parallel_loop3A_511 : i32
        %parallel_loop3A_513 = arith.index_cast %parallel_loop3A_512 : i32 to index
        %parallel_loop3A_514 = arith.constant 80 : index
        %parallel_loop3A_515 = tpu.vector_load %arg6[%parallel_loop3A_513, %parallel_loop3A_514] {strides = array<i32>} : memref<256x128xf32, #tpu.memory_space<vmem>>, vector<1x16xf32>,
        %parallel_loop3A_516 = vector.shape_cast %parallel_loop3A_515 : vector<1x16xf32> to vector<16xf32>
        %parallel_loop3A_517 = arith.constant 8 : i32
        %parallel_loop3A_518 = arith.muli %parallel_loop3A_94, %parallel_loop3A_517 : i32
        %parallel_loop3A_519 = arith.constant 5 : i32
        %parallel_loop3A_520 = arith.addi %parallel_loop3A_518, %parallel_loop3A_519 : i32
        %parallel_loop3A_521 = arith.index_cast %parallel_loop3A_520 : i32 to index
        %parallel_loop3A_522 = arith.constant 80 : index
        %parallel_loop3A_523 = tpu.vector_load %arg6[%parallel_loop3A_521, %parallel_loop3A_522] {strides = array<i32>} : memref<256x128xf32, #tpu.memory_space<vmem>>, vector<1x16xf32>,
        %parallel_loop3A_524 = vector.shape_cast %parallel_loop3A_523 : vector<1x16xf32> to vector<16xf32>
        %parallel_loop3A_525 = arith.addf %parallel_loop3A_516, %parallel_loop3A_524 : vector<16xf32>
        %parallel_loop3A_526 = arith.constant 8 : i32
        %parallel_loop3A_527 = arith.muli %parallel_loop3A_94, %parallel_loop3A_526 : i32
        %parallel_loop3A_528 = arith.constant 6 : i32
        %parallel_loop3A_529 = arith.addi %parallel_loop3A_527, %parallel_loop3A_528 : i32
        %parallel_loop3A_530 = arith.index_cast %parallel_loop3A_529 : i32 to index
        %parallel_loop3A_531 = arith.constant 80 : index
        %parallel_loop3A_532 = tpu.vector_load %arg6[%parallel_loop3A_530, %parallel_loop3A_531] {strides = array<i32>} : memref<256x128xf32, #tpu.memory_space<vmem>>, vector<1x16xf32>,
        %parallel_loop3A_533 = vector.shape_cast %parallel_loop3A_532 : vector<1x16xf32> to vector<16xf32>
        %parallel_loop3A_534 = arith.constant 8 : i32
        %parallel_loop3A_535 = arith.muli %parallel_loop3A_94, %parallel_loop3A_534 : i32
        %parallel_loop3A_536 = arith.constant 7 : i32
        %parallel_loop3A_537 = arith.addi %parallel_loop3A_535, %parallel_loop3A_536 : i32
        %parallel_loop3A_538 = arith.index_cast %parallel_loop3A_537 : i32 to index
        %parallel_loop3A_539 = arith.constant 80 : index
        %parallel_loop3A_540 = tpu.vector_load %arg6[%parallel_loop3A_538, %parallel_loop3A_539] {strides = array<i32>} : memref<256x128xf32, #tpu.memory_space<vmem>>, vector<1x16xf32>,
        %parallel_loop3A_541 = vector.shape_cast %parallel_loop3A_540 : vector<1x16xf32> to vector<16xf32>
        %parallel_loop3A_542 = arith.addf %parallel_loop3A_533, %parallel_loop3A_541 : vector<16xf32>
        %parallel_loop3A_543 = arith.addf %parallel_loop3A_491, %parallel_loop3A_508 : vector<16xf32>
        %parallel_loop3A_544 = arith.addf %parallel_loop3A_525, %parallel_loop3A_542 : vector<16xf32>
        %parallel_loop3A_545 = arith.addf %parallel_loop3A_543, %parallel_loop3A_544 : vector<16xf32>
        %parallel_loop3A_546 = arith.index_cast %parallel_loop3A_94 : i32 to index
        %parallel_loop3A_547 = arith.constant 80 : index
        %parallel_loop3A_548 = tpu.vector_load %arg8[%parallel_loop3A_546, %parallel_loop3A_547] {strides = array<i32>} : memref<32x128xf32, #tpu.memory_space<vmem>>, vector<1x16xf32>,
        %parallel_loop3A_549 = vector.shape_cast %parallel_loop3A_548 : vector<1x16xf32> to vector<16xf32>
        %parallel_loop3A_550 = vector.shape_cast %parallel_loop3A_545 : vector<16xf32> to vector<1x16xf32>
        tpu.vector_store %arg8[%parallel_loop3A_546, %parallel_loop3A_547], %parallel_loop3A_550 {strides = array<i32>} : memref<32x128xf32, #tpu.memory_space<vmem>>, vector<1x16xf32>,
        %parallel_loop3A_551 = arith.constant 8 : i32
        %parallel_loop3A_552 = arith.muli %parallel_loop3A_94, %parallel_loop3A_551 : i32
        %parallel_loop3A_553 = arith.constant 0 : i32
        %parallel_loop3A_554 = arith.addi %parallel_loop3A_552, %parallel_loop3A_553 : i32
        %parallel_loop3A_555 = arith.index_cast %parallel_loop3A_554 : i32 to index
        %parallel_loop3A_556 = arith.constant 96 : index
        %parallel_loop3A_557 = tpu.vector_load %arg6[%parallel_loop3A_555, %parallel_loop3A_556] {strides = array<i32>} : memref<256x128xf32, #tpu.memory_space<vmem>>, vector<1x16xf32>,
        %parallel_loop3A_558 = vector.shape_cast %parallel_loop3A_557 : vector<1x16xf32> to vector<16xf32>
        %parallel_loop3A_559 = arith.constant 8 : i32
        %parallel_loop3A_560 = arith.muli %parallel_loop3A_94, %parallel_loop3A_559 : i32
        %parallel_loop3A_561 = arith.constant 1 : i32
        %parallel_loop3A_562 = arith.addi %parallel_loop3A_560, %parallel_loop3A_561 : i32
        %parallel_loop3A_563 = arith.index_cast %parallel_loop3A_562 : i32 to index
        %parallel_loop3A_564 = arith.constant 96 : index
        %parallel_loop3A_565 = tpu.vector_load %arg6[%parallel_loop3A_563, %parallel_loop3A_564] {strides = array<i32>} : memref<256x128xf32, #tpu.memory_space<vmem>>, vector<1x16xf32>,
        %parallel_loop3A_566 = vector.shape_cast %parallel_loop3A_565 : vector<1x16xf32> to vector<16xf32>
        %parallel_loop3A_567 = arith.addf %parallel_loop3A_558, %parallel_loop3A_566 : vector<16xf32>
        %parallel_loop3A_568 = arith.constant 8 : i32
        %parallel_loop3A_569 = arith.muli %parallel_loop3A_94, %parallel_loop3A_568 : i32
        %parallel_loop3A_570 = arith.constant 2 : i32
        %parallel_loop3A_571 = arith.addi %parallel_loop3A_569, %parallel_loop3A_570 : i32
        %parallel_loop3A_572 = arith.index_cast %parallel_loop3A_571 : i32 to index
        %parallel_loop3A_573 = arith.constant 96 : index
        %parallel_loop3A_574 = tpu.vector_load %arg6[%parallel_loop3A_572, %parallel_loop3A_573] {strides = array<i32>} : memref<256x128xf32, #tpu.memory_space<vmem>>, vector<1x16xf32>,
        %parallel_loop3A_575 = vector.shape_cast %parallel_loop3A_574 : vector<1x16xf32> to vector<16xf32>
        %parallel_loop3A_576 = arith.constant 8 : i32
        %parallel_loop3A_577 = arith.muli %parallel_loop3A_94, %parallel_loop3A_576 : i32
        %parallel_loop3A_578 = arith.constant 3 : i32
        %parallel_loop3A_579 = arith.addi %parallel_loop3A_577, %parallel_loop3A_578 : i32
        %parallel_loop3A_580 = arith.index_cast %parallel_loop3A_579 : i32 to index
        %parallel_loop3A_581 = arith.constant 96 : index
        %parallel_loop3A_582 = tpu.vector_load %arg6[%parallel_loop3A_580, %parallel_loop3A_581] {strides = array<i32>} : memref<256x128xf32, #tpu.memory_space<vmem>>, vector<1x16xf32>,
        %parallel_loop3A_583 = vector.shape_cast %parallel_loop3A_582 : vector<1x16xf32> to vector<16xf32>
        %parallel_loop3A_584 = arith.addf %parallel_loop3A_575, %parallel_loop3A_583 : vector<16xf32>
        %parallel_loop3A_585 = arith.constant 8 : i32
        %parallel_loop3A_586 = arith.muli %parallel_loop3A_94, %parallel_loop3A_585 : i32
        %parallel_loop3A_587 = arith.constant 4 : i32
        %parallel_loop3A_588 = arith.addi %parallel_loop3A_586, %parallel_loop3A_587 : i32
        %parallel_loop3A_589 = arith.index_cast %parallel_loop3A_588 : i32 to index
        %parallel_loop3A_590 = arith.constant 96 : index
        %parallel_loop3A_591 = tpu.vector_load %arg6[%parallel_loop3A_589, %parallel_loop3A_590] {strides = array<i32>} : memref<256x128xf32, #tpu.memory_space<vmem>>, vector<1x16xf32>,
        %parallel_loop3A_592 = vector.shape_cast %parallel_loop3A_591 : vector<1x16xf32> to vector<16xf32>
        %parallel_loop3A_593 = arith.constant 8 : i32
        %parallel_loop3A_594 = arith.muli %parallel_loop3A_94, %parallel_loop3A_593 : i32
        %parallel_loop3A_595 = arith.constant 5 : i32
        %parallel_loop3A_596 = arith.addi %parallel_loop3A_594, %parallel_loop3A_595 : i32
        %parallel_loop3A_597 = arith.index_cast %parallel_loop3A_596 : i32 to index
        %parallel_loop3A_598 = arith.constant 96 : index
        %parallel_loop3A_599 = tpu.vector_load %arg6[%parallel_loop3A_597, %parallel_loop3A_598] {strides = array<i32>} : memref<256x128xf32, #tpu.memory_space<vmem>>, vector<1x16xf32>,
        %parallel_loop3A_600 = vector.shape_cast %parallel_loop3A_599 : vector<1x16xf32> to vector<16xf32>
        %parallel_loop3A_601 = arith.addf %parallel_loop3A_592, %parallel_loop3A_600 : vector<16xf32>
        %parallel_loop3A_602 = arith.constant 8 : i32
        %parallel_loop3A_603 = arith.muli %parallel_loop3A_94, %parallel_loop3A_602 : i32
        %parallel_loop3A_604 = arith.constant 6 : i32
        %parallel_loop3A_605 = arith.addi %parallel_loop3A_603, %parallel_loop3A_604 : i32
        %parallel_loop3A_606 = arith.index_cast %parallel_loop3A_605 : i32 to index
        %parallel_loop3A_607 = arith.constant 96 : index
        %parallel_loop3A_608 = tpu.vector_load %arg6[%parallel_loop3A_606, %parallel_loop3A_607] {strides = array<i32>} : memref<256x128xf32, #tpu.memory_space<vmem>>, vector<1x16xf32>,
        %parallel_loop3A_609 = vector.shape_cast %parallel_loop3A_608 : vector<1x16xf32> to vector<16xf32>
        %parallel_loop3A_610 = arith.constant 8 : i32
        %parallel_loop3A_611 = arith.muli %parallel_loop3A_94, %parallel_loop3A_610 : i32
        %parallel_loop3A_612 = arith.constant 7 : i32
        %parallel_loop3A_613 = arith.addi %parallel_loop3A_611, %parallel_loop3A_612 : i32
        %parallel_loop3A_614 = arith.index_cast %parallel_loop3A_613 : i32 to index
        %parallel_loop3A_615 = arith.constant 96 : index
        %parallel_loop3A_616 = tpu.vector_load %arg6[%parallel_loop3A_614, %parallel_loop3A_615] {strides = array<i32>} : memref<256x128xf32, #tpu.memory_space<vmem>>, vector<1x16xf32>,
        %parallel_loop3A_617 = vector.shape_cast %parallel_loop3A_616 : vector<1x16xf32> to vector<16xf32>
        %parallel_loop3A_618 = arith.addf %parallel_loop3A_609, %parallel_loop3A_617 : vector<16xf32>
        %parallel_loop3A_619 = arith.addf %parallel_loop3A_567, %parallel_loop3A_584 : vector<16xf32>
        %parallel_loop3A_620 = arith.addf %parallel_loop3A_601, %parallel_loop3A_618 : vector<16xf32>
        %parallel_loop3A_621 = arith.addf %parallel_loop3A_619, %parallel_loop3A_620 : vector<16xf32>
        %parallel_loop3A_622 = arith.index_cast %parallel_loop3A_94 : i32 to index
        %parallel_loop3A_623 = arith.constant 96 : index
        %parallel_loop3A_624 = tpu.vector_load %arg8[%parallel_loop3A_622, %parallel_loop3A_623] {strides = array<i32>} : memref<32x128xf32, #tpu.memory_space<vmem>>, vector<1x16xf32>,
        %parallel_loop3A_625 = vector.shape_cast %parallel_loop3A_624 : vector<1x16xf32> to vector<16xf32>
        %parallel_loop3A_626 = vector.shape_cast %parallel_loop3A_621 : vector<16xf32> to vector<1x16xf32>
        tpu.vector_store %arg8[%parallel_loop3A_622, %parallel_loop3A_623], %parallel_loop3A_626 {strides = array<i32>} : memref<32x128xf32, #tpu.memory_space<vmem>>, vector<1x16xf32>,
        %parallel_loop3A_627 = arith.constant 8 : i32
        %parallel_loop3A_628 = arith.muli %parallel_loop3A_94, %parallel_loop3A_627 : i32
        %parallel_loop3A_629 = arith.constant 0 : i32
        %parallel_loop3A_630 = arith.addi %parallel_loop3A_628, %parallel_loop3A_629 : i32
        %parallel_loop3A_631 = arith.index_cast %parallel_loop3A_630 : i32 to index
        %parallel_loop3A_632 = arith.constant 112 : index
        %parallel_loop3A_633 = tpu.vector_load %arg6[%parallel_loop3A_631, %parallel_loop3A_632] {strides = array<i32>} : memref<256x128xf32, #tpu.memory_space<vmem>>, vector<1x16xf32>,
        %parallel_loop3A_634 = vector.shape_cast %parallel_loop3A_633 : vector<1x16xf32> to vector<16xf32>
        %parallel_loop3A_635 = arith.constant 8 : i32
        %parallel_loop3A_636 = arith.muli %parallel_loop3A_94, %parallel_loop3A_635 : i32
        %parallel_loop3A_637 = arith.constant 1 : i32
        %parallel_loop3A_638 = arith.addi %parallel_loop3A_636, %parallel_loop3A_637 : i32
        %parallel_loop3A_639 = arith.index_cast %parallel_loop3A_638 : i32 to index
        %parallel_loop3A_640 = arith.constant 112 : index
        %parallel_loop3A_641 = tpu.vector_load %arg6[%parallel_loop3A_639, %parallel_loop3A_640] {strides = array<i32>} : memref<256x128xf32, #tpu.memory_space<vmem>>, vector<1x16xf32>,
        %parallel_loop3A_642 = vector.shape_cast %parallel_loop3A_641 : vector<1x16xf32> to vector<16xf32>
        %parallel_loop3A_643 = arith.addf %parallel_loop3A_634, %parallel_loop3A_642 : vector<16xf32>
        %parallel_loop3A_644 = arith.constant 8 : i32
        %parallel_loop3A_645 = arith.muli %parallel_loop3A_94, %parallel_loop3A_644 : i32
        %parallel_loop3A_646 = arith.constant 2 : i32
        %parallel_loop3A_647 = arith.addi %parallel_loop3A_645, %parallel_loop3A_646 : i32
        %parallel_loop3A_648 = arith.index_cast %parallel_loop3A_647 : i32 to index
        %parallel_loop3A_649 = arith.constant 112 : index
        %parallel_loop3A_650 = tpu.vector_load %arg6[%parallel_loop3A_648, %parallel_loop3A_649] {strides = array<i32>} : memref<256x128xf32, #tpu.memory_space<vmem>>, vector<1x16xf32>,
        %parallel_loop3A_651 = vector.shape_cast %parallel_loop3A_650 : vector<1x16xf32> to vector<16xf32>
        %parallel_loop3A_652 = arith.constant 8 : i32
        %parallel_loop3A_653 = arith.muli %parallel_loop3A_94, %parallel_loop3A_652 : i32
        %parallel_loop3A_654 = arith.constant 3 : i32
        %parallel_loop3A_655 = arith.addi %parallel_loop3A_653, %parallel_loop3A_654 : i32
        %parallel_loop3A_656 = arith.index_cast %parallel_loop3A_655 : i32 to index
        %parallel_loop3A_657 = arith.constant 112 : index
        %parallel_loop3A_658 = tpu.vector_load %arg6[%parallel_loop3A_656, %parallel_loop3A_657] {strides = array<i32>} : memref<256x128xf32, #tpu.memory_space<vmem>>, vector<1x16xf32>,
        %parallel_loop3A_659 = vector.shape_cast %parallel_loop3A_658 : vector<1x16xf32> to vector<16xf32>
        %parallel_loop3A_660 = arith.addf %parallel_loop3A_651, %parallel_loop3A_659 : vector<16xf32>
        %parallel_loop3A_661 = arith.constant 8 : i32
        %parallel_loop3A_662 = arith.muli %parallel_loop3A_94, %parallel_loop3A_661 : i32
        %parallel_loop3A_663 = arith.constant 4 : i32
        %parallel_loop3A_664 = arith.addi %parallel_loop3A_662, %parallel_loop3A_663 : i32
        %parallel_loop3A_665 = arith.index_cast %parallel_loop3A_664 : i32 to index
        %parallel_loop3A_666 = arith.constant 112 : index
        %parallel_loop3A_667 = tpu.vector_load %arg6[%parallel_loop3A_665, %parallel_loop3A_666] {strides = array<i32>} : memref<256x128xf32, #tpu.memory_space<vmem>>, vector<1x16xf32>,
        %parallel_loop3A_668 = vector.shape_cast %parallel_loop3A_667 : vector<1x16xf32> to vector<16xf32>
        %parallel_loop3A_669 = arith.constant 8 : i32
        %parallel_loop3A_670 = arith.muli %parallel_loop3A_94, %parallel_loop3A_669 : i32
        %parallel_loop3A_671 = arith.constant 5 : i32
        %parallel_loop3A_672 = arith.addi %parallel_loop3A_670, %parallel_loop3A_671 : i32
        %parallel_loop3A_673 = arith.index_cast %parallel_loop3A_672 : i32 to index
        %parallel_loop3A_674 = arith.constant 112 : index
        %parallel_loop3A_675 = tpu.vector_load %arg6[%parallel_loop3A_673, %parallel_loop3A_674] {strides = array<i32>} : memref<256x128xf32, #tpu.memory_space<vmem>>, vector<1x16xf32>,
        %parallel_loop3A_676 = vector.shape_cast %parallel_loop3A_675 : vector<1x16xf32> to vector<16xf32>
        %parallel_loop3A_677 = arith.addf %parallel_loop3A_668, %parallel_loop3A_676 : vector<16xf32>
        %parallel_loop3A_678 = arith.constant 8 : i32
        %parallel_loop3A_679 = arith.muli %parallel_loop3A_94, %parallel_loop3A_678 : i32
        %parallel_loop3A_680 = arith.constant 6 : i32
        %parallel_loop3A_681 = arith.addi %parallel_loop3A_679, %parallel_loop3A_680 : i32
        %parallel_loop3A_682 = arith.index_cast %parallel_loop3A_681 : i32 to index
        %parallel_loop3A_683 = arith.constant 112 : index
        %parallel_loop3A_684 = tpu.vector_load %arg6[%parallel_loop3A_682, %parallel_loop3A_683] {strides = array<i32>} : memref<256x128xf32, #tpu.memory_space<vmem>>, vector<1x16xf32>,
        %parallel_loop3A_685 = vector.shape_cast %parallel_loop3A_684 : vector<1x16xf32> to vector<16xf32>
        %parallel_loop3A_686 = arith.constant 8 : i32
        %parallel_loop3A_687 = arith.muli %parallel_loop3A_94, %parallel_loop3A_686 : i32
        %parallel_loop3A_688 = arith.constant 7 : i32
        %parallel_loop3A_689 = arith.addi %parallel_loop3A_687, %parallel_loop3A_688 : i32
        %parallel_loop3A_690 = arith.index_cast %parallel_loop3A_689 : i32 to index
        %parallel_loop3A_691 = arith.constant 112 : index
        %parallel_loop3A_692 = tpu.vector_load %arg6[%parallel_loop3A_690, %parallel_loop3A_691] {strides = array<i32>} : memref<256x128xf32, #tpu.memory_space<vmem>>, vector<1x16xf32>,
        %parallel_loop3A_693 = vector.shape_cast %parallel_loop3A_692 : vector<1x16xf32> to vector<16xf32>
        %parallel_loop3A_694 = arith.addf %parallel_loop3A_685, %parallel_loop3A_693 : vector<16xf32>
        %parallel_loop3A_695 = arith.addf %parallel_loop3A_643, %parallel_loop3A_660 : vector<16xf32>
        %parallel_loop3A_696 = arith.addf %parallel_loop3A_677, %parallel_loop3A_694 : vector<16xf32>
        %parallel_loop3A_697 = arith.addf %parallel_loop3A_695, %parallel_loop3A_696 : vector<16xf32>
        %parallel_loop3A_698 = arith.index_cast %parallel_loop3A_94 : i32 to index
        %parallel_loop3A_699 = arith.constant 112 : index
        %parallel_loop3A_700 = tpu.vector_load %arg8[%parallel_loop3A_698, %parallel_loop3A_699] {strides = array<i32>} : memref<32x128xf32, #tpu.memory_space<vmem>>, vector<1x16xf32>,
        %parallel_loop3A_701 = vector.shape_cast %parallel_loop3A_700 : vector<1x16xf32> to vector<16xf32>
        %parallel_loop3A_702 = vector.shape_cast %parallel_loop3A_697 : vector<16xf32> to vector<1x16xf32>
        tpu.vector_store %arg8[%parallel_loop3A_698, %parallel_loop3A_699], %parallel_loop3A_702 {strides = array<i32>} : memref<32x128xf32, #tpu.memory_space<vmem>>, vector<1x16xf32>,
      } {sc.loop_unroll_factor = 8 : i64, sc.parallel_access}
      %add3A_47 = arith.constant 2 : i32
      %add3A_48 = arith.addi %add3A_34, %add3A_47 : i32
      %lt3A = arith.constant 8 : i32
      %lt3A_49 = arith.cmpi slt, %add3A_48, %lt3A : i32
      %convert_element_type3A_50 = arith.extui %lt3A_49 : i1 to i32
      %cond3A_51 = arith.constant 0 : i32
      %cond3A_52 = arith.cmpi ne, %convert_element_type3A_50, %cond3A_51 : i32
      scf.if %cond3A_52 {
        %add3A_94 = arith.constant 2 : i32
        %add3A_95 = arith.addi %add3A_34, %add3A_94 : i32
        %mul3A_96 = arith.constant 32 : i32
        %mul3A_97 = arith.muli %add3A_95, %mul3A_96 : i32
        %mul3A_98 = arith.constant 8 : i32
        %mul3A_99 = arith.muli %mul3A_97, %mul3A_98 : i32
        %dma_start3A_100 = tpu.memref_slice %arg5[%mul3A_99] : memref<2048xi32, #tpu.memory_space<vmem>> -> memref<256xi32, #tpu.memory_space<vmem>>
        %dma_start3A_101 = arith.constant 0 : i32
        %dma_start3A_102 = arith.constant 0 : i32
        %dma_start3A_103 = tpu.memref_slice %arg3[%dma_start3A_101, %dma_start3A_102] : memref<100000x128xf32, #tpu.memory_space<hbm>> -> memref<100000x128xf32, #tpu.memory_space<hbm>>
        tpu.enqueue_indirect_dma source(%dma_start3A_103 : memref<100000x128xf32, #tpu.memory_space<hbm>>) target(%arg6 : memref<256x128xf32, #tpu.memory_space<vmem>>) offsets(%dma_start3A_100 : memref<256xi32, #tpu.memory_space<vmem>>) semaphore(%arg10 : memref<!tpu.dma_semaphore, #tpu.memory_space<semaphore_mem>>)
      } else {
      }
      %mul3A_53 = arith.constant 32 : i32
      %mul3A_54 = arith.muli %add3A_34, %mul3A_53 : i32
      %add3A_55 = arith.addi %mul3A_2, %mul3A_54 : i32
      %dma_start3A_56 = arith.constant 0 : i32
      %dma_start3A_57 = tpu.memref_slice %arg4[%add3A_55, %dma_start3A_56] : memref<8192x128xf32, #tpu.memory_space<hbm>> -> memref<32x128xf32, #tpu.memory_space<hbm>>
      %dma_start3A_58 = arith.constant 0 : i32
      %dma_start3A_59 = tpu.memref_slice %arg4[%add3A_55, %dma_start3A_58] : memref<8192x128xf32, #tpu.memory_space<hbm>> -> memref<32x128xf32, #tpu.memory_space<hbm>>
      tpu.enqueue_dma source(%arg8 : memref<32x128xf32, #tpu.memory_space<vmem>>) target(%dma_start3A_59 : memref<32x128xf32, #tpu.memory_space<hbm>>) target_semaphore(%arg12 : memref<!tpu.dma_semaphore, #tpu.memory_space<semaphore_mem>>)
      %mul3A_60 = arith.constant 2 : i32
      %mul3A_61 = arith.muli %scan3A_30, %mul3A_60 : i32
      %add3A_62 = arith.constant 1 : i32
      %add3A_63 = arith.addi %mul3A_61, %add3A_62 : i32
      %mul3A_64 = arith.constant 32 : i32
      %mul3A_65 = arith.muli %add3A_63, %mul3A_64 : i32
      %mul3A_66 = arith.constant 8 : i32
      %mul3A_67 = arith.muli %mul3A_65, %mul3A_66 : i32
      %dma_wait3A_68 = tpu.memref_slice %arg5[%mul3A_67] : memref<2048xi32, #tpu.memory_space<vmem>> -> memref<256xi32, #tpu.memory_space<vmem>>
      %dma_wait3A_69 = arith.constant 0 : i32
      %dma_wait3A_70 = arith.constant 0 : i32
      %dma_wait3A_71 = tpu.memref_slice %arg3[%dma_wait3A_69, %dma_wait3A_70] : memref<100000x128xf32, #tpu.memory_space<hbm>> -> memref<100000x128xf32, #tpu.memory_space<hbm>>
      tpu.wait_indirect_dma semaphore(%arg11 : memref<!tpu.dma_semaphore, #tpu.memory_space<semaphore_mem>>) src(%dma_wait3A_71 : memref<100000x128xf32, #tpu.memory_space<hbm>>) dst(%arg7 : memref<256x128xf32, #tpu.memory_space<vmem>>)
      %ge3A_72 = arith.constant 2 : i32
      %ge3A_73 = arith.cmpi sge, %add3A_63, %ge3A_72 : i32
      %convert_element_type3A_74 = arith.extui %ge3A_73 : i1 to i32
      %cond3A_75 = arith.constant 0 : i32
      %cond3A_76 = arith.cmpi ne, %convert_element_type3A_74, %cond3A_75 : i32
      scf.if %cond3A_76 {
        %sub3A = arith.constant 2 : i32
        %sub3A_94 = arith.subi %add3A_63, %sub3A : i32
        %mul3A_95 = arith.constant 32 : i32
        %mul3A_96 = arith.muli %sub3A_94, %mul3A_95 : i32
        %add3A_97 = arith.addi %mul3A_2, %mul3A_96 : i32
        %dma_wait3A_98 = arith.constant 0 : i32
        %dma_wait3A_99 = tpu.memref_slice %arg4[%add3A_97, %dma_wait3A_98] : memref<8192x128xf32, #tpu.memory_space<hbm>> -> memref<32x128xf32, #tpu.memory_space<hbm>>
        %dma_wait3A_100 = arith.constant 0 : i32
        %dma_wait3A_101 = tpu.memref_slice %arg4[%add3A_97, %dma_wait3A_100] : memref<8192x128xf32, #tpu.memory_space<hbm>> -> memref<32x128xf32, #tpu.memory_space<hbm>>
        tpu.wait_dma2 semaphore(%arg13 : memref<!tpu.dma_semaphore, #tpu.memory_space<semaphore_mem>>) src(%arg9 : memref<32x128xf32, #tpu.memory_space<vmem>>) dst(%dma_wait3A_101 : memref<32x128xf32, #tpu.memory_space<hbm>>)
      } else {
      }
      %parallel_loop3A_77 = arith.constant 0 : i32
      %parallel_loop3A_78 = arith.constant 32 : i32
      %parallel_loop3A_79 = arith.constant 1 : i32
      scf.for %parallel_loop3A_94 = %parallel_loop3A_77 to %parallel_loop3A_78 step %parallel_loop3A_79  : i32 {
        %parallel_loop3A_95 = arith.constant 8 : i32
        %parallel_loop3A_96 = arith.muli %parallel_loop3A_94, %parallel_loop3A_95 : i32
        %parallel_loop3A_97 = arith.constant 0 : i32
        %parallel_loop3A_98 = arith.addi %parallel_loop3A_96, %parallel_loop3A_97 : i32
        %parallel_loop3A_99 = arith.index_cast %parallel_loop3A_98 : i32 to index
        %parallel_loop3A_100 = arith.constant 0 : index
        %parallel_loop3A_101 = tpu.vector_load %arg7[%parallel_loop3A_99, %parallel_loop3A_100] {strides = array<i32>} : memref<256x128xf32, #tpu.memory_space<vmem>>, vector<1x16xf32>,
        %parallel_loop3A_102 = vector.shape_cast %parallel_loop3A_101 : vector<1x16xf32> to vector<16xf32>
        %parallel_loop3A_103 = arith.constant 8 : i32
        %parallel_loop3A_104 = arith.muli %parallel_loop3A_94, %parallel_loop3A_103 : i32
        %parallel_loop3A_105 = arith.constant 1 : i32
        %parallel_loop3A_106 = arith.addi %parallel_loop3A_104, %parallel_loop3A_105 : i32
        %parallel_loop3A_107 = arith.index_cast %parallel_loop3A_106 : i32 to index
        %parallel_loop3A_108 = arith.constant 0 : index
        %parallel_loop3A_109 = tpu.vector_load %arg7[%parallel_loop3A_107, %parallel_loop3A_108] {strides = array<i32>} : memref<256x128xf32, #tpu.memory_space<vmem>>, vector<1x16xf32>,
        %parallel_loop3A_110 = vector.shape_cast %parallel_loop3A_109 : vector<1x16xf32> to vector<16xf32>
        %parallel_loop3A_111 = arith.addf %parallel_loop3A_102, %parallel_loop3A_110 : vector<16xf32>
        %parallel_loop3A_112 = arith.constant 8 : i32
        %parallel_loop3A_113 = arith.muli %parallel_loop3A_94, %parallel_loop3A_112 : i32
        %parallel_loop3A_114 = arith.constant 2 : i32
        %parallel_loop3A_115 = arith.addi %parallel_loop3A_113, %parallel_loop3A_114 : i32
        %parallel_loop3A_116 = arith.index_cast %parallel_loop3A_115 : i32 to index
        %parallel_loop3A_117 = arith.constant 0 : index
        %parallel_loop3A_118 = tpu.vector_load %arg7[%parallel_loop3A_116, %parallel_loop3A_117] {strides = array<i32>} : memref<256x128xf32, #tpu.memory_space<vmem>>, vector<1x16xf32>,
        %parallel_loop3A_119 = vector.shape_cast %parallel_loop3A_118 : vector<1x16xf32> to vector<16xf32>
        %parallel_loop3A_120 = arith.constant 8 : i32
        %parallel_loop3A_121 = arith.muli %parallel_loop3A_94, %parallel_loop3A_120 : i32
        %parallel_loop3A_122 = arith.constant 3 : i32
        %parallel_loop3A_123 = arith.addi %parallel_loop3A_121, %parallel_loop3A_122 : i32
        %parallel_loop3A_124 = arith.index_cast %parallel_loop3A_123 : i32 to index
        %parallel_loop3A_125 = arith.constant 0 : index
        %parallel_loop3A_126 = tpu.vector_load %arg7[%parallel_loop3A_124, %parallel_loop3A_125] {strides = array<i32>} : memref<256x128xf32, #tpu.memory_space<vmem>>, vector<1x16xf32>,
        %parallel_loop3A_127 = vector.shape_cast %parallel_loop3A_126 : vector<1x16xf32> to vector<16xf32>
        %parallel_loop3A_128 = arith.addf %parallel_loop3A_119, %parallel_loop3A_127 : vector<16xf32>
        %parallel_loop3A_129 = arith.constant 8 : i32
        %parallel_loop3A_130 = arith.muli %parallel_loop3A_94, %parallel_loop3A_129 : i32
        %parallel_loop3A_131 = arith.constant 4 : i32
        %parallel_loop3A_132 = arith.addi %parallel_loop3A_130, %parallel_loop3A_131 : i32
        %parallel_loop3A_133 = arith.index_cast %parallel_loop3A_132 : i32 to index
        %parallel_loop3A_134 = arith.constant 0 : index
        %parallel_loop3A_135 = tpu.vector_load %arg7[%parallel_loop3A_133, %parallel_loop3A_134] {strides = array<i32>} : memref<256x128xf32, #tpu.memory_space<vmem>>, vector<1x16xf32>,
        %parallel_loop3A_136 = vector.shape_cast %parallel_loop3A_135 : vector<1x16xf32> to vector<16xf32>
        %parallel_loop3A_137 = arith.constant 8 : i32
        %parallel_loop3A_138 = arith.muli %parallel_loop3A_94, %parallel_loop3A_137 : i32
        %parallel_loop3A_139 = arith.constant 5 : i32
        %parallel_loop3A_140 = arith.addi %parallel_loop3A_138, %parallel_loop3A_139 : i32
        %parallel_loop3A_141 = arith.index_cast %parallel_loop3A_140 : i32 to index
        %parallel_loop3A_142 = arith.constant 0 : index
        %parallel_loop3A_143 = tpu.vector_load %arg7[%parallel_loop3A_141, %parallel_loop3A_142] {strides = array<i32>} : memref<256x128xf32, #tpu.memory_space<vmem>>, vector<1x16xf32>,
        %parallel_loop3A_144 = vector.shape_cast %parallel_loop3A_143 : vector<1x16xf32> to vector<16xf32>
        %parallel_loop3A_145 = arith.addf %parallel_loop3A_136, %parallel_loop3A_144 : vector<16xf32>
        %parallel_loop3A_146 = arith.constant 8 : i32
        %parallel_loop3A_147 = arith.muli %parallel_loop3A_94, %parallel_loop3A_146 : i32
        %parallel_loop3A_148 = arith.constant 6 : i32
        %parallel_loop3A_149 = arith.addi %parallel_loop3A_147, %parallel_loop3A_148 : i32
        %parallel_loop3A_150 = arith.index_cast %parallel_loop3A_149 : i32 to index
        %parallel_loop3A_151 = arith.constant 0 : index
        %parallel_loop3A_152 = tpu.vector_load %arg7[%parallel_loop3A_150, %parallel_loop3A_151] {strides = array<i32>} : memref<256x128xf32, #tpu.memory_space<vmem>>, vector<1x16xf32>,
        %parallel_loop3A_153 = vector.shape_cast %parallel_loop3A_152 : vector<1x16xf32> to vector<16xf32>
        %parallel_loop3A_154 = arith.constant 8 : i32
        %parallel_loop3A_155 = arith.muli %parallel_loop3A_94, %parallel_loop3A_154 : i32
        %parallel_loop3A_156 = arith.constant 7 : i32
        %parallel_loop3A_157 = arith.addi %parallel_loop3A_155, %parallel_loop3A_156 : i32
        %parallel_loop3A_158 = arith.index_cast %parallel_loop3A_157 : i32 to index
        %parallel_loop3A_159 = arith.constant 0 : index
        %parallel_loop3A_160 = tpu.vector_load %arg7[%parallel_loop3A_158, %parallel_loop3A_159] {strides = array<i32>} : memref<256x128xf32, #tpu.memory_space<vmem>>, vector<1x16xf32>,
        %parallel_loop3A_161 = vector.shape_cast %parallel_loop3A_160 : vector<1x16xf32> to vector<16xf32>
        %parallel_loop3A_162 = arith.addf %parallel_loop3A_153, %parallel_loop3A_161 : vector<16xf32>
        %parallel_loop3A_163 = arith.addf %parallel_loop3A_111, %parallel_loop3A_128 : vector<16xf32>
        %parallel_loop3A_164 = arith.addf %parallel_loop3A_145, %parallel_loop3A_162 : vector<16xf32>
        %parallel_loop3A_165 = arith.addf %parallel_loop3A_163, %parallel_loop3A_164 : vector<16xf32>
        %parallel_loop3A_166 = arith.index_cast %parallel_loop3A_94 : i32 to index
        %parallel_loop3A_167 = arith.constant 0 : index
        %parallel_loop3A_168 = tpu.vector_load %arg9[%parallel_loop3A_166, %parallel_loop3A_167] {strides = array<i32>} : memref<32x128xf32, #tpu.memory_space<vmem>>, vector<1x16xf32>,
        %parallel_loop3A_169 = vector.shape_cast %parallel_loop3A_168 : vector<1x16xf32> to vector<16xf32>
        %parallel_loop3A_170 = vector.shape_cast %parallel_loop3A_165 : vector<16xf32> to vector<1x16xf32>
        tpu.vector_store %arg9[%parallel_loop3A_166, %parallel_loop3A_167], %parallel_loop3A_170 {strides = array<i32>} : memref<32x128xf32, #tpu.memory_space<vmem>>, vector<1x16xf32>,
        %parallel_loop3A_171 = arith.constant 8 : i32
        %parallel_loop3A_172 = arith.muli %parallel_loop3A_94, %parallel_loop3A_171 : i32
        %parallel_loop3A_173 = arith.constant 0 : i32
        %parallel_loop3A_174 = arith.addi %parallel_loop3A_172, %parallel_loop3A_173 : i32
        %parallel_loop3A_175 = arith.index_cast %parallel_loop3A_174 : i32 to index
        %parallel_loop3A_176 = arith.constant 16 : index
        %parallel_loop3A_177 = tpu.vector_load %arg7[%parallel_loop3A_175, %parallel_loop3A_176] {strides = array<i32>} : memref<256x128xf32, #tpu.memory_space<vmem>>, vector<1x16xf32>,
        %parallel_loop3A_178 = vector.shape_cast %parallel_loop3A_177 : vector<1x16xf32> to vector<16xf32>
        %parallel_loop3A_179 = arith.constant 8 : i32
        %parallel_loop3A_180 = arith.muli %parallel_loop3A_94, %parallel_loop3A_179 : i32
        %parallel_loop3A_181 = arith.constant 1 : i32
        %parallel_loop3A_182 = arith.addi %parallel_loop3A_180, %parallel_loop3A_181 : i32
        %parallel_loop3A_183 = arith.index_cast %parallel_loop3A_182 : i32 to index
        %parallel_loop3A_184 = arith.constant 16 : index
        %parallel_loop3A_185 = tpu.vector_load %arg7[%parallel_loop3A_183, %parallel_loop3A_184] {strides = array<i32>} : memref<256x128xf32, #tpu.memory_space<vmem>>, vector<1x16xf32>,
        %parallel_loop3A_186 = vector.shape_cast %parallel_loop3A_185 : vector<1x16xf32> to vector<16xf32>
        %parallel_loop3A_187 = arith.addf %parallel_loop3A_178, %parallel_loop3A_186 : vector<16xf32>
        %parallel_loop3A_188 = arith.constant 8 : i32
        %parallel_loop3A_189 = arith.muli %parallel_loop3A_94, %parallel_loop3A_188 : i32
        %parallel_loop3A_190 = arith.constant 2 : i32
        %parallel_loop3A_191 = arith.addi %parallel_loop3A_189, %parallel_loop3A_190 : i32
        %parallel_loop3A_192 = arith.index_cast %parallel_loop3A_191 : i32 to index
        %parallel_loop3A_193 = arith.constant 16 : index
        %parallel_loop3A_194 = tpu.vector_load %arg7[%parallel_loop3A_192, %parallel_loop3A_193] {strides = array<i32>} : memref<256x128xf32, #tpu.memory_space<vmem>>, vector<1x16xf32>,
        %parallel_loop3A_195 = vector.shape_cast %parallel_loop3A_194 : vector<1x16xf32> to vector<16xf32>
        %parallel_loop3A_196 = arith.constant 8 : i32
        %parallel_loop3A_197 = arith.muli %parallel_loop3A_94, %parallel_loop3A_196 : i32
        %parallel_loop3A_198 = arith.constant 3 : i32
        %parallel_loop3A_199 = arith.addi %parallel_loop3A_197, %parallel_loop3A_198 : i32
        %parallel_loop3A_200 = arith.index_cast %parallel_loop3A_199 : i32 to index
        %parallel_loop3A_201 = arith.constant 16 : index
        %parallel_loop3A_202 = tpu.vector_load %arg7[%parallel_loop3A_200, %parallel_loop3A_201] {strides = array<i32>} : memref<256x128xf32, #tpu.memory_space<vmem>>, vector<1x16xf32>,
        %parallel_loop3A_203 = vector.shape_cast %parallel_loop3A_202 : vector<1x16xf32> to vector<16xf32>
        %parallel_loop3A_204 = arith.addf %parallel_loop3A_195, %parallel_loop3A_203 : vector<16xf32>
        %parallel_loop3A_205 = arith.constant 8 : i32
        %parallel_loop3A_206 = arith.muli %parallel_loop3A_94, %parallel_loop3A_205 : i32
        %parallel_loop3A_207 = arith.constant 4 : i32
        %parallel_loop3A_208 = arith.addi %parallel_loop3A_206, %parallel_loop3A_207 : i32
        %parallel_loop3A_209 = arith.index_cast %parallel_loop3A_208 : i32 to index
        %parallel_loop3A_210 = arith.constant 16 : index
        %parallel_loop3A_211 = tpu.vector_load %arg7[%parallel_loop3A_209, %parallel_loop3A_210] {strides = array<i32>} : memref<256x128xf32, #tpu.memory_space<vmem>>, vector<1x16xf32>,
        %parallel_loop3A_212 = vector.shape_cast %parallel_loop3A_211 : vector<1x16xf32> to vector<16xf32>
        %parallel_loop3A_213 = arith.constant 8 : i32
        %parallel_loop3A_214 = arith.muli %parallel_loop3A_94, %parallel_loop3A_213 : i32
        %parallel_loop3A_215 = arith.constant 5 : i32
        %parallel_loop3A_216 = arith.addi %parallel_loop3A_214, %parallel_loop3A_215 : i32
        %parallel_loop3A_217 = arith.index_cast %parallel_loop3A_216 : i32 to index
        %parallel_loop3A_218 = arith.constant 16 : index
        %parallel_loop3A_219 = tpu.vector_load %arg7[%parallel_loop3A_217, %parallel_loop3A_218] {strides = array<i32>} : memref<256x128xf32, #tpu.memory_space<vmem>>, vector<1x16xf32>,
        %parallel_loop3A_220 = vector.shape_cast %parallel_loop3A_219 : vector<1x16xf32> to vector<16xf32>
        %parallel_loop3A_221 = arith.addf %parallel_loop3A_212, %parallel_loop3A_220 : vector<16xf32>
        %parallel_loop3A_222 = arith.constant 8 : i32
        %parallel_loop3A_223 = arith.muli %parallel_loop3A_94, %parallel_loop3A_222 : i32
        %parallel_loop3A_224 = arith.constant 6 : i32
        %parallel_loop3A_225 = arith.addi %parallel_loop3A_223, %parallel_loop3A_224 : i32
        %parallel_loop3A_226 = arith.index_cast %parallel_loop3A_225 : i32 to index
        %parallel_loop3A_227 = arith.constant 16 : index
        %parallel_loop3A_228 = tpu.vector_load %arg7[%parallel_loop3A_226, %parallel_loop3A_227] {strides = array<i32>} : memref<256x128xf32, #tpu.memory_space<vmem>>, vector<1x16xf32>,
        %parallel_loop3A_229 = vector.shape_cast %parallel_loop3A_228 : vector<1x16xf32> to vector<16xf32>
        %parallel_loop3A_230 = arith.constant 8 : i32
        %parallel_loop3A_231 = arith.muli %parallel_loop3A_94, %parallel_loop3A_230 : i32
        %parallel_loop3A_232 = arith.constant 7 : i32
        %parallel_loop3A_233 = arith.addi %parallel_loop3A_231, %parallel_loop3A_232 : i32
        %parallel_loop3A_234 = arith.index_cast %parallel_loop3A_233 : i32 to index
        %parallel_loop3A_235 = arith.constant 16 : index
        %parallel_loop3A_236 = tpu.vector_load %arg7[%parallel_loop3A_234, %parallel_loop3A_235] {strides = array<i32>} : memref<256x128xf32, #tpu.memory_space<vmem>>, vector<1x16xf32>,
        %parallel_loop3A_237 = vector.shape_cast %parallel_loop3A_236 : vector<1x16xf32> to vector<16xf32>
        %parallel_loop3A_238 = arith.addf %parallel_loop3A_229, %parallel_loop3A_237 : vector<16xf32>
        %parallel_loop3A_239 = arith.addf %parallel_loop3A_187, %parallel_loop3A_204 : vector<16xf32>
        %parallel_loop3A_240 = arith.addf %parallel_loop3A_221, %parallel_loop3A_238 : vector<16xf32>
        %parallel_loop3A_241 = arith.addf %parallel_loop3A_239, %parallel_loop3A_240 : vector<16xf32>
        %parallel_loop3A_242 = arith.index_cast %parallel_loop3A_94 : i32 to index
        %parallel_loop3A_243 = arith.constant 16 : index
        %parallel_loop3A_244 = tpu.vector_load %arg9[%parallel_loop3A_242, %parallel_loop3A_243] {strides = array<i32>} : memref<32x128xf32, #tpu.memory_space<vmem>>, vector<1x16xf32>,
        %parallel_loop3A_245 = vector.shape_cast %parallel_loop3A_244 : vector<1x16xf32> to vector<16xf32>
        %parallel_loop3A_246 = vector.shape_cast %parallel_loop3A_241 : vector<16xf32> to vector<1x16xf32>
        tpu.vector_store %arg9[%parallel_loop3A_242, %parallel_loop3A_243], %parallel_loop3A_246 {strides = array<i32>} : memref<32x128xf32, #tpu.memory_space<vmem>>, vector<1x16xf32>,
        %parallel_loop3A_247 = arith.constant 8 : i32
        %parallel_loop3A_248 = arith.muli %parallel_loop3A_94, %parallel_loop3A_247 : i32
        %parallel_loop3A_249 = arith.constant 0 : i32
        %parallel_loop3A_250 = arith.addi %parallel_loop3A_248, %parallel_loop3A_249 : i32
        %parallel_loop3A_251 = arith.index_cast %parallel_loop3A_250 : i32 to index
        %parallel_loop3A_252 = arith.constant 32 : index
        %parallel_loop3A_253 = tpu.vector_load %arg7[%parallel_loop3A_251, %parallel_loop3A_252] {strides = array<i32>} : memref<256x128xf32, #tpu.memory_space<vmem>>, vector<1x16xf32>,
        %parallel_loop3A_254 = vector.shape_cast %parallel_loop3A_253 : vector<1x16xf32> to vector<16xf32>
        %parallel_loop3A_255 = arith.constant 8 : i32
        %parallel_loop3A_256 = arith.muli %parallel_loop3A_94, %parallel_loop3A_255 : i32
        %parallel_loop3A_257 = arith.constant 1 : i32
        %parallel_loop3A_258 = arith.addi %parallel_loop3A_256, %parallel_loop3A_257 : i32
        %parallel_loop3A_259 = arith.index_cast %parallel_loop3A_258 : i32 to index
        %parallel_loop3A_260 = arith.constant 32 : index
        %parallel_loop3A_261 = tpu.vector_load %arg7[%parallel_loop3A_259, %parallel_loop3A_260] {strides = array<i32>} : memref<256x128xf32, #tpu.memory_space<vmem>>, vector<1x16xf32>,
        %parallel_loop3A_262 = vector.shape_cast %parallel_loop3A_261 : vector<1x16xf32> to vector<16xf32>
        %parallel_loop3A_263 = arith.addf %parallel_loop3A_254, %parallel_loop3A_262 : vector<16xf32>
        %parallel_loop3A_264 = arith.constant 8 : i32
        %parallel_loop3A_265 = arith.muli %parallel_loop3A_94, %parallel_loop3A_264 : i32
        %parallel_loop3A_266 = arith.constant 2 : i32
        %parallel_loop3A_267 = arith.addi %parallel_loop3A_265, %parallel_loop3A_266 : i32
        %parallel_loop3A_268 = arith.index_cast %parallel_loop3A_267 : i32 to index
        %parallel_loop3A_269 = arith.constant 32 : index
        %parallel_loop3A_270 = tpu.vector_load %arg7[%parallel_loop3A_268, %parallel_loop3A_269] {strides = array<i32>} : memref<256x128xf32, #tpu.memory_space<vmem>>, vector<1x16xf32>,
        %parallel_loop3A_271 = vector.shape_cast %parallel_loop3A_270 : vector<1x16xf32> to vector<16xf32>
        %parallel_loop3A_272 = arith.constant 8 : i32
        %parallel_loop3A_273 = arith.muli %parallel_loop3A_94, %parallel_loop3A_272 : i32
        %parallel_loop3A_274 = arith.constant 3 : i32
        %parallel_loop3A_275 = arith.addi %parallel_loop3A_273, %parallel_loop3A_274 : i32
        %parallel_loop3A_276 = arith.index_cast %parallel_loop3A_275 : i32 to index
        %parallel_loop3A_277 = arith.constant 32 : index
        %parallel_loop3A_278 = tpu.vector_load %arg7[%parallel_loop3A_276, %parallel_loop3A_277] {strides = array<i32>} : memref<256x128xf32, #tpu.memory_space<vmem>>, vector<1x16xf32>,
        %parallel_loop3A_279 = vector.shape_cast %parallel_loop3A_278 : vector<1x16xf32> to vector<16xf32>
        %parallel_loop3A_280 = arith.addf %parallel_loop3A_271, %parallel_loop3A_279 : vector<16xf32>
        %parallel_loop3A_281 = arith.constant 8 : i32
        %parallel_loop3A_282 = arith.muli %parallel_loop3A_94, %parallel_loop3A_281 : i32
        %parallel_loop3A_283 = arith.constant 4 : i32
        %parallel_loop3A_284 = arith.addi %parallel_loop3A_282, %parallel_loop3A_283 : i32
        %parallel_loop3A_285 = arith.index_cast %parallel_loop3A_284 : i32 to index
        %parallel_loop3A_286 = arith.constant 32 : index
        %parallel_loop3A_287 = tpu.vector_load %arg7[%parallel_loop3A_285, %parallel_loop3A_286] {strides = array<i32>} : memref<256x128xf32, #tpu.memory_space<vmem>>, vector<1x16xf32>,
        %parallel_loop3A_288 = vector.shape_cast %parallel_loop3A_287 : vector<1x16xf32> to vector<16xf32>
        %parallel_loop3A_289 = arith.constant 8 : i32
        %parallel_loop3A_290 = arith.muli %parallel_loop3A_94, %parallel_loop3A_289 : i32
        %parallel_loop3A_291 = arith.constant 5 : i32
        %parallel_loop3A_292 = arith.addi %parallel_loop3A_290, %parallel_loop3A_291 : i32
        %parallel_loop3A_293 = arith.index_cast %parallel_loop3A_292 : i32 to index
        %parallel_loop3A_294 = arith.constant 32 : index
        %parallel_loop3A_295 = tpu.vector_load %arg7[%parallel_loop3A_293, %parallel_loop3A_294] {strides = array<i32>} : memref<256x128xf32, #tpu.memory_space<vmem>>, vector<1x16xf32>,
        %parallel_loop3A_296 = vector.shape_cast %parallel_loop3A_295 : vector<1x16xf32> to vector<16xf32>
        %parallel_loop3A_297 = arith.addf %parallel_loop3A_288, %parallel_loop3A_296 : vector<16xf32>
        %parallel_loop3A_298 = arith.constant 8 : i32
        %parallel_loop3A_299 = arith.muli %parallel_loop3A_94, %parallel_loop3A_298 : i32
        %parallel_loop3A_300 = arith.constant 6 : i32
        %parallel_loop3A_301 = arith.addi %parallel_loop3A_299, %parallel_loop3A_300 : i32
        %parallel_loop3A_302 = arith.index_cast %parallel_loop3A_301 : i32 to index
        %parallel_loop3A_303 = arith.constant 32 : index
        %parallel_loop3A_304 = tpu.vector_load %arg7[%parallel_loop3A_302, %parallel_loop3A_303] {strides = array<i32>} : memref<256x128xf32, #tpu.memory_space<vmem>>, vector<1x16xf32>,
        %parallel_loop3A_305 = vector.shape_cast %parallel_loop3A_304 : vector<1x16xf32> to vector<16xf32>
        %parallel_loop3A_306 = arith.constant 8 : i32
        %parallel_loop3A_307 = arith.muli %parallel_loop3A_94, %parallel_loop3A_306 : i32
        %parallel_loop3A_308 = arith.constant 7 : i32
        %parallel_loop3A_309 = arith.addi %parallel_loop3A_307, %parallel_loop3A_308 : i32
        %parallel_loop3A_310 = arith.index_cast %parallel_loop3A_309 : i32 to index
        %parallel_loop3A_311 = arith.constant 32 : index
        %parallel_loop3A_312 = tpu.vector_load %arg7[%parallel_loop3A_310, %parallel_loop3A_311] {strides = array<i32>} : memref<256x128xf32, #tpu.memory_space<vmem>>, vector<1x16xf32>,
        %parallel_loop3A_313 = vector.shape_cast %parallel_loop3A_312 : vector<1x16xf32> to vector<16xf32>
        %parallel_loop3A_314 = arith.addf %parallel_loop3A_305, %parallel_loop3A_313 : vector<16xf32>
        %parallel_loop3A_315 = arith.addf %parallel_loop3A_263, %parallel_loop3A_280 : vector<16xf32>
        %parallel_loop3A_316 = arith.addf %parallel_loop3A_297, %parallel_loop3A_314 : vector<16xf32>
        %parallel_loop3A_317 = arith.addf %parallel_loop3A_315, %parallel_loop3A_316 : vector<16xf32>
        %parallel_loop3A_318 = arith.index_cast %parallel_loop3A_94 : i32 to index
        %parallel_loop3A_319 = arith.constant 32 : index
        %parallel_loop3A_320 = tpu.vector_load %arg9[%parallel_loop3A_318, %parallel_loop3A_319] {strides = array<i32>} : memref<32x128xf32, #tpu.memory_space<vmem>>, vector<1x16xf32>,
        %parallel_loop3A_321 = vector.shape_cast %parallel_loop3A_320 : vector<1x16xf32> to vector<16xf32>
        %parallel_loop3A_322 = vector.shape_cast %parallel_loop3A_317 : vector<16xf32> to vector<1x16xf32>
        tpu.vector_store %arg9[%parallel_loop3A_318, %parallel_loop3A_319], %parallel_loop3A_322 {strides = array<i32>} : memref<32x128xf32, #tpu.memory_space<vmem>>, vector<1x16xf32>,
        %parallel_loop3A_323 = arith.constant 8 : i32
        %parallel_loop3A_324 = arith.muli %parallel_loop3A_94, %parallel_loop3A_323 : i32
        %parallel_loop3A_325 = arith.constant 0 : i32
        %parallel_loop3A_326 = arith.addi %parallel_loop3A_324, %parallel_loop3A_325 : i32
        %parallel_loop3A_327 = arith.index_cast %parallel_loop3A_326 : i32 to index
        %parallel_loop3A_328 = arith.constant 48 : index
        %parallel_loop3A_329 = tpu.vector_load %arg7[%parallel_loop3A_327, %parallel_loop3A_328] {strides = array<i32>} : memref<256x128xf32, #tpu.memory_space<vmem>>, vector<1x16xf32>,
        %parallel_loop3A_330 = vector.shape_cast %parallel_loop3A_329 : vector<1x16xf32> to vector<16xf32>
        %parallel_loop3A_331 = arith.constant 8 : i32
        %parallel_loop3A_332 = arith.muli %parallel_loop3A_94, %parallel_loop3A_331 : i32
        %parallel_loop3A_333 = arith.constant 1 : i32
        %parallel_loop3A_334 = arith.addi %parallel_loop3A_332, %parallel_loop3A_333 : i32
        %parallel_loop3A_335 = arith.index_cast %parallel_loop3A_334 : i32 to index
        %parallel_loop3A_336 = arith.constant 48 : index
        %parallel_loop3A_337 = tpu.vector_load %arg7[%parallel_loop3A_335, %parallel_loop3A_336] {strides = array<i32>} : memref<256x128xf32, #tpu.memory_space<vmem>>, vector<1x16xf32>,
        %parallel_loop3A_338 = vector.shape_cast %parallel_loop3A_337 : vector<1x16xf32> to vector<16xf32>
        %parallel_loop3A_339 = arith.addf %parallel_loop3A_330, %parallel_loop3A_338 : vector<16xf32>
        %parallel_loop3A_340 = arith.constant 8 : i32
        %parallel_loop3A_341 = arith.muli %parallel_loop3A_94, %parallel_loop3A_340 : i32
        %parallel_loop3A_342 = arith.constant 2 : i32
        %parallel_loop3A_343 = arith.addi %parallel_loop3A_341, %parallel_loop3A_342 : i32
        %parallel_loop3A_344 = arith.index_cast %parallel_loop3A_343 : i32 to index
        %parallel_loop3A_345 = arith.constant 48 : index
        %parallel_loop3A_346 = tpu.vector_load %arg7[%parallel_loop3A_344, %parallel_loop3A_345] {strides = array<i32>} : memref<256x128xf32, #tpu.memory_space<vmem>>, vector<1x16xf32>,
        %parallel_loop3A_347 = vector.shape_cast %parallel_loop3A_346 : vector<1x16xf32> to vector<16xf32>
        %parallel_loop3A_348 = arith.constant 8 : i32
        %parallel_loop3A_349 = arith.muli %parallel_loop3A_94, %parallel_loop3A_348 : i32
        %parallel_loop3A_350 = arith.constant 3 : i32
        %parallel_loop3A_351 = arith.addi %parallel_loop3A_349, %parallel_loop3A_350 : i32
        %parallel_loop3A_352 = arith.index_cast %parallel_loop3A_351 : i32 to index
        %parallel_loop3A_353 = arith.constant 48 : index
        %parallel_loop3A_354 = tpu.vector_load %arg7[%parallel_loop3A_352, %parallel_loop3A_353] {strides = array<i32>} : memref<256x128xf32, #tpu.memory_space<vmem>>, vector<1x16xf32>,
        %parallel_loop3A_355 = vector.shape_cast %parallel_loop3A_354 : vector<1x16xf32> to vector<16xf32>
        %parallel_loop3A_356 = arith.addf %parallel_loop3A_347, %parallel_loop3A_355 : vector<16xf32>
        %parallel_loop3A_357 = arith.constant 8 : i32
        %parallel_loop3A_358 = arith.muli %parallel_loop3A_94, %parallel_loop3A_357 : i32
        %parallel_loop3A_359 = arith.constant 4 : i32
        %parallel_loop3A_360 = arith.addi %parallel_loop3A_358, %parallel_loop3A_359 : i32
        %parallel_loop3A_361 = arith.index_cast %parallel_loop3A_360 : i32 to index
        %parallel_loop3A_362 = arith.constant 48 : index
        %parallel_loop3A_363 = tpu.vector_load %arg7[%parallel_loop3A_361, %parallel_loop3A_362] {strides = array<i32>} : memref<256x128xf32, #tpu.memory_space<vmem>>, vector<1x16xf32>,
        %parallel_loop3A_364 = vector.shape_cast %parallel_loop3A_363 : vector<1x16xf32> to vector<16xf32>
        %parallel_loop3A_365 = arith.constant 8 : i32
        %parallel_loop3A_366 = arith.muli %parallel_loop3A_94, %parallel_loop3A_365 : i32
        %parallel_loop3A_367 = arith.constant 5 : i32
        %parallel_loop3A_368 = arith.addi %parallel_loop3A_366, %parallel_loop3A_367 : i32
        %parallel_loop3A_369 = arith.index_cast %parallel_loop3A_368 : i32 to index
        %parallel_loop3A_370 = arith.constant 48 : index
        %parallel_loop3A_371 = tpu.vector_load %arg7[%parallel_loop3A_369, %parallel_loop3A_370] {strides = array<i32>} : memref<256x128xf32, #tpu.memory_space<vmem>>, vector<1x16xf32>,
        %parallel_loop3A_372 = vector.shape_cast %parallel_loop3A_371 : vector<1x16xf32> to vector<16xf32>
        %parallel_loop3A_373 = arith.addf %parallel_loop3A_364, %parallel_loop3A_372 : vector<16xf32>
        %parallel_loop3A_374 = arith.constant 8 : i32
        %parallel_loop3A_375 = arith.muli %parallel_loop3A_94, %parallel_loop3A_374 : i32
        %parallel_loop3A_376 = arith.constant 6 : i32
        %parallel_loop3A_377 = arith.addi %parallel_loop3A_375, %parallel_loop3A_376 : i32
        %parallel_loop3A_378 = arith.index_cast %parallel_loop3A_377 : i32 to index
        %parallel_loop3A_379 = arith.constant 48 : index
        %parallel_loop3A_380 = tpu.vector_load %arg7[%parallel_loop3A_378, %parallel_loop3A_379] {strides = array<i32>} : memref<256x128xf32, #tpu.memory_space<vmem>>, vector<1x16xf32>,
        %parallel_loop3A_381 = vector.shape_cast %parallel_loop3A_380 : vector<1x16xf32> to vector<16xf32>
        %parallel_loop3A_382 = arith.constant 8 : i32
        %parallel_loop3A_383 = arith.muli %parallel_loop3A_94, %parallel_loop3A_382 : i32
        %parallel_loop3A_384 = arith.constant 7 : i32
        %parallel_loop3A_385 = arith.addi %parallel_loop3A_383, %parallel_loop3A_384 : i32
        %parallel_loop3A_386 = arith.index_cast %parallel_loop3A_385 : i32 to index
        %parallel_loop3A_387 = arith.constant 48 : index
        %parallel_loop3A_388 = tpu.vector_load %arg7[%parallel_loop3A_386, %parallel_loop3A_387] {strides = array<i32>} : memref<256x128xf32, #tpu.memory_space<vmem>>, vector<1x16xf32>,
        %parallel_loop3A_389 = vector.shape_cast %parallel_loop3A_388 : vector<1x16xf32> to vector<16xf32>
        %parallel_loop3A_390 = arith.addf %parallel_loop3A_381, %parallel_loop3A_389 : vector<16xf32>
        %parallel_loop3A_391 = arith.addf %parallel_loop3A_339, %parallel_loop3A_356 : vector<16xf32>
        %parallel_loop3A_392 = arith.addf %parallel_loop3A_373, %parallel_loop3A_390 : vector<16xf32>
        %parallel_loop3A_393 = arith.addf %parallel_loop3A_391, %parallel_loop3A_392 : vector<16xf32>
        %parallel_loop3A_394 = arith.index_cast %parallel_loop3A_94 : i32 to index
        %parallel_loop3A_395 = arith.constant 48 : index
        %parallel_loop3A_396 = tpu.vector_load %arg9[%parallel_loop3A_394, %parallel_loop3A_395] {strides = array<i32>} : memref<32x128xf32, #tpu.memory_space<vmem>>, vector<1x16xf32>,
        %parallel_loop3A_397 = vector.shape_cast %parallel_loop3A_396 : vector<1x16xf32> to vector<16xf32>
        %parallel_loop3A_398 = vector.shape_cast %parallel_loop3A_393 : vector<16xf32> to vector<1x16xf32>
        tpu.vector_store %arg9[%parallel_loop3A_394, %parallel_loop3A_395], %parallel_loop3A_398 {strides = array<i32>} : memref<32x128xf32, #tpu.memory_space<vmem>>, vector<1x16xf32>,
        %parallel_loop3A_399 = arith.constant 8 : i32
        %parallel_loop3A_400 = arith.muli %parallel_loop3A_94, %parallel_loop3A_399 : i32
        %parallel_loop3A_401 = arith.constant 0 : i32
        %parallel_loop3A_402 = arith.addi %parallel_loop3A_400, %parallel_loop3A_401 : i32
        %parallel_loop3A_403 = arith.index_cast %parallel_loop3A_402 : i32 to index
        %parallel_loop3A_404 = arith.constant 64 : index
        %parallel_loop3A_405 = tpu.vector_load %arg7[%parallel_loop3A_403, %parallel_loop3A_404] {strides = array<i32>} : memref<256x128xf32, #tpu.memory_space<vmem>>, vector<1x16xf32>,
        %parallel_loop3A_406 = vector.shape_cast %parallel_loop3A_405 : vector<1x16xf32> to vector<16xf32>
        %parallel_loop3A_407 = arith.constant 8 : i32
        %parallel_loop3A_408 = arith.muli %parallel_loop3A_94, %parallel_loop3A_407 : i32
        %parallel_loop3A_409 = arith.constant 1 : i32
        %parallel_loop3A_410 = arith.addi %parallel_loop3A_408, %parallel_loop3A_409 : i32
        %parallel_loop3A_411 = arith.index_cast %parallel_loop3A_410 : i32 to index
        %parallel_loop3A_412 = arith.constant 64 : index
        %parallel_loop3A_413 = tpu.vector_load %arg7[%parallel_loop3A_411, %parallel_loop3A_412] {strides = array<i32>} : memref<256x128xf32, #tpu.memory_space<vmem>>, vector<1x16xf32>,
        %parallel_loop3A_414 = vector.shape_cast %parallel_loop3A_413 : vector<1x16xf32> to vector<16xf32>
        %parallel_loop3A_415 = arith.addf %parallel_loop3A_406, %parallel_loop3A_414 : vector<16xf32>
        %parallel_loop3A_416 = arith.constant 8 : i32
        %parallel_loop3A_417 = arith.muli %parallel_loop3A_94, %parallel_loop3A_416 : i32
        %parallel_loop3A_418 = arith.constant 2 : i32
        %parallel_loop3A_419 = arith.addi %parallel_loop3A_417, %parallel_loop3A_418 : i32
        %parallel_loop3A_420 = arith.index_cast %parallel_loop3A_419 : i32 to index
        %parallel_loop3A_421 = arith.constant 64 : index
        %parallel_loop3A_422 = tpu.vector_load %arg7[%parallel_loop3A_420, %parallel_loop3A_421] {strides = array<i32>} : memref<256x128xf32, #tpu.memory_space<vmem>>, vector<1x16xf32>,
        %parallel_loop3A_423 = vector.shape_cast %parallel_loop3A_422 : vector<1x16xf32> to vector<16xf32>
        %parallel_loop3A_424 = arith.constant 8 : i32
        %parallel_loop3A_425 = arith.muli %parallel_loop3A_94, %parallel_loop3A_424 : i32
        %parallel_loop3A_426 = arith.constant 3 : i32
        %parallel_loop3A_427 = arith.addi %parallel_loop3A_425, %parallel_loop3A_426 : i32
        %parallel_loop3A_428 = arith.index_cast %parallel_loop3A_427 : i32 to index
        %parallel_loop3A_429 = arith.constant 64 : index
        %parallel_loop3A_430 = tpu.vector_load %arg7[%parallel_loop3A_428, %parallel_loop3A_429] {strides = array<i32>} : memref<256x128xf32, #tpu.memory_space<vmem>>, vector<1x16xf32>,
        %parallel_loop3A_431 = vector.shape_cast %parallel_loop3A_430 : vector<1x16xf32> to vector<16xf32>
        %parallel_loop3A_432 = arith.addf %parallel_loop3A_423, %parallel_loop3A_431 : vector<16xf32>
        %parallel_loop3A_433 = arith.constant 8 : i32
        %parallel_loop3A_434 = arith.muli %parallel_loop3A_94, %parallel_loop3A_433 : i32
        %parallel_loop3A_435 = arith.constant 4 : i32
        %parallel_loop3A_436 = arith.addi %parallel_loop3A_434, %parallel_loop3A_435 : i32
        %parallel_loop3A_437 = arith.index_cast %parallel_loop3A_436 : i32 to index
        %parallel_loop3A_438 = arith.constant 64 : index
        %parallel_loop3A_439 = tpu.vector_load %arg7[%parallel_loop3A_437, %parallel_loop3A_438] {strides = array<i32>} : memref<256x128xf32, #tpu.memory_space<vmem>>, vector<1x16xf32>,
        %parallel_loop3A_440 = vector.shape_cast %parallel_loop3A_439 : vector<1x16xf32> to vector<16xf32>
        %parallel_loop3A_441 = arith.constant 8 : i32
        %parallel_loop3A_442 = arith.muli %parallel_loop3A_94, %parallel_loop3A_441 : i32
        %parallel_loop3A_443 = arith.constant 5 : i32
        %parallel_loop3A_444 = arith.addi %parallel_loop3A_442, %parallel_loop3A_443 : i32
        %parallel_loop3A_445 = arith.index_cast %parallel_loop3A_444 : i32 to index
        %parallel_loop3A_446 = arith.constant 64 : index
        %parallel_loop3A_447 = tpu.vector_load %arg7[%parallel_loop3A_445, %parallel_loop3A_446] {strides = array<i32>} : memref<256x128xf32, #tpu.memory_space<vmem>>, vector<1x16xf32>,
        %parallel_loop3A_448 = vector.shape_cast %parallel_loop3A_447 : vector<1x16xf32> to vector<16xf32>
        %parallel_loop3A_449 = arith.addf %parallel_loop3A_440, %parallel_loop3A_448 : vector<16xf32>
        %parallel_loop3A_450 = arith.constant 8 : i32
        %parallel_loop3A_451 = arith.muli %parallel_loop3A_94, %parallel_loop3A_450 : i32
        %parallel_loop3A_452 = arith.constant 6 : i32
        %parallel_loop3A_453 = arith.addi %parallel_loop3A_451, %parallel_loop3A_452 : i32
        %parallel_loop3A_454 = arith.index_cast %parallel_loop3A_453 : i32 to index
        %parallel_loop3A_455 = arith.constant 64 : index
        %parallel_loop3A_456 = tpu.vector_load %arg7[%parallel_loop3A_454, %parallel_loop3A_455] {strides = array<i32>} : memref<256x128xf32, #tpu.memory_space<vmem>>, vector<1x16xf32>,
        %parallel_loop3A_457 = vector.shape_cast %parallel_loop3A_456 : vector<1x16xf32> to vector<16xf32>
        %parallel_loop3A_458 = arith.constant 8 : i32
        %parallel_loop3A_459 = arith.muli %parallel_loop3A_94, %parallel_loop3A_458 : i32
        %parallel_loop3A_460 = arith.constant 7 : i32
        %parallel_loop3A_461 = arith.addi %parallel_loop3A_459, %parallel_loop3A_460 : i32
        %parallel_loop3A_462 = arith.index_cast %parallel_loop3A_461 : i32 to index
        %parallel_loop3A_463 = arith.constant 64 : index
        %parallel_loop3A_464 = tpu.vector_load %arg7[%parallel_loop3A_462, %parallel_loop3A_463] {strides = array<i32>} : memref<256x128xf32, #tpu.memory_space<vmem>>, vector<1x16xf32>,
        %parallel_loop3A_465 = vector.shape_cast %parallel_loop3A_464 : vector<1x16xf32> to vector<16xf32>
        %parallel_loop3A_466 = arith.addf %parallel_loop3A_457, %parallel_loop3A_465 : vector<16xf32>
        %parallel_loop3A_467 = arith.addf %parallel_loop3A_415, %parallel_loop3A_432 : vector<16xf32>
        %parallel_loop3A_468 = arith.addf %parallel_loop3A_449, %parallel_loop3A_466 : vector<16xf32>
        %parallel_loop3A_469 = arith.addf %parallel_loop3A_467, %parallel_loop3A_468 : vector<16xf32>
        %parallel_loop3A_470 = arith.index_cast %parallel_loop3A_94 : i32 to index
        %parallel_loop3A_471 = arith.constant 64 : index
        %parallel_loop3A_472 = tpu.vector_load %arg9[%parallel_loop3A_470, %parallel_loop3A_471] {strides = array<i32>} : memref<32x128xf32, #tpu.memory_space<vmem>>, vector<1x16xf32>,
        %parallel_loop3A_473 = vector.shape_cast %parallel_loop3A_472 : vector<1x16xf32> to vector<16xf32>
        %parallel_loop3A_474 = vector.shape_cast %parallel_loop3A_469 : vector<16xf32> to vector<1x16xf32>
        tpu.vector_store %arg9[%parallel_loop3A_470, %parallel_loop3A_471], %parallel_loop3A_474 {strides = array<i32>} : memref<32x128xf32, #tpu.memory_space<vmem>>, vector<1x16xf32>,
        %parallel_loop3A_475 = arith.constant 8 : i32
        %parallel_loop3A_476 = arith.muli %parallel_loop3A_94, %parallel_loop3A_475 : i32
        %parallel_loop3A_477 = arith.constant 0 : i32
        %parallel_loop3A_478 = arith.addi %parallel_loop3A_476, %parallel_loop3A_477 : i32
        %parallel_loop3A_479 = arith.index_cast %parallel_loop3A_478 : i32 to index
        %parallel_loop3A_480 = arith.constant 80 : index
        %parallel_loop3A_481 = tpu.vector_load %arg7[%parallel_loop3A_479, %parallel_loop3A_480] {strides = array<i32>} : memref<256x128xf32, #tpu.memory_space<vmem>>, vector<1x16xf32>,
        %parallel_loop3A_482 = vector.shape_cast %parallel_loop3A_481 : vector<1x16xf32> to vector<16xf32>
        %parallel_loop3A_483 = arith.constant 8 : i32
        %parallel_loop3A_484 = arith.muli %parallel_loop3A_94, %parallel_loop3A_483 : i32
        %parallel_loop3A_485 = arith.constant 1 : i32
        %parallel_loop3A_486 = arith.addi %parallel_loop3A_484, %parallel_loop3A_485 : i32
        %parallel_loop3A_487 = arith.index_cast %parallel_loop3A_486 : i32 to index
        %parallel_loop3A_488 = arith.constant 80 : index
        %parallel_loop3A_489 = tpu.vector_load %arg7[%parallel_loop3A_487, %parallel_loop3A_488] {strides = array<i32>} : memref<256x128xf32, #tpu.memory_space<vmem>>, vector<1x16xf32>,
        %parallel_loop3A_490 = vector.shape_cast %parallel_loop3A_489 : vector<1x16xf32> to vector<16xf32>
        %parallel_loop3A_491 = arith.addf %parallel_loop3A_482, %parallel_loop3A_490 : vector<16xf32>
        %parallel_loop3A_492 = arith.constant 8 : i32
        %parallel_loop3A_493 = arith.muli %parallel_loop3A_94, %parallel_loop3A_492 : i32
        %parallel_loop3A_494 = arith.constant 2 : i32
        %parallel_loop3A_495 = arith.addi %parallel_loop3A_493, %parallel_loop3A_494 : i32
        %parallel_loop3A_496 = arith.index_cast %parallel_loop3A_495 : i32 to index
        %parallel_loop3A_497 = arith.constant 80 : index
        %parallel_loop3A_498 = tpu.vector_load %arg7[%parallel_loop3A_496, %parallel_loop3A_497] {strides = array<i32>} : memref<256x128xf32, #tpu.memory_space<vmem>>, vector<1x16xf32>,
        %parallel_loop3A_499 = vector.shape_cast %parallel_loop3A_498 : vector<1x16xf32> to vector<16xf32>
        %parallel_loop3A_500 = arith.constant 8 : i32
        %parallel_loop3A_501 = arith.muli %parallel_loop3A_94, %parallel_loop3A_500 : i32
        %parallel_loop3A_502 = arith.constant 3 : i32
        %parallel_loop3A_503 = arith.addi %parallel_loop3A_501, %parallel_loop3A_502 : i32
        %parallel_loop3A_504 = arith.index_cast %parallel_loop3A_503 : i32 to index
        %parallel_loop3A_505 = arith.constant 80 : index
        %parallel_loop3A_506 = tpu.vector_load %arg7[%parallel_loop3A_504, %parallel_loop3A_505] {strides = array<i32>} : memref<256x128xf32, #tpu.memory_space<vmem>>, vector<1x16xf32>,
        %parallel_loop3A_507 = vector.shape_cast %parallel_loop3A_506 : vector<1x16xf32> to vector<16xf32>
        %parallel_loop3A_508 = arith.addf %parallel_loop3A_499, %parallel_loop3A_507 : vector<16xf32>
        %parallel_loop3A_509 = arith.constant 8 : i32
        %parallel_loop3A_510 = arith.muli %parallel_loop3A_94, %parallel_loop3A_509 : i32
        %parallel_loop3A_511 = arith.constant 4 : i32
        %parallel_loop3A_512 = arith.addi %parallel_loop3A_510, %parallel_loop3A_511 : i32
        %parallel_loop3A_513 = arith.index_cast %parallel_loop3A_512 : i32 to index
        %parallel_loop3A_514 = arith.constant 80 : index
        %parallel_loop3A_515 = tpu.vector_load %arg7[%parallel_loop3A_513, %parallel_loop3A_514] {strides = array<i32>} : memref<256x128xf32, #tpu.memory_space<vmem>>, vector<1x16xf32>,
        %parallel_loop3A_516 = vector.shape_cast %parallel_loop3A_515 : vector<1x16xf32> to vector<16xf32>
        %parallel_loop3A_517 = arith.constant 8 : i32
        %parallel_loop3A_518 = arith.muli %parallel_loop3A_94, %parallel_loop3A_517 : i32
        %parallel_loop3A_519 = arith.constant 5 : i32
        %parallel_loop3A_520 = arith.addi %parallel_loop3A_518, %parallel_loop3A_519 : i32
        %parallel_loop3A_521 = arith.index_cast %parallel_loop3A_520 : i32 to index
        %parallel_loop3A_522 = arith.constant 80 : index
        %parallel_loop3A_523 = tpu.vector_load %arg7[%parallel_loop3A_521, %parallel_loop3A_522] {strides = array<i32>} : memref<256x128xf32, #tpu.memory_space<vmem>>, vector<1x16xf32>,
        %parallel_loop3A_524 = vector.shape_cast %parallel_loop3A_523 : vector<1x16xf32> to vector<16xf32>
        %parallel_loop3A_525 = arith.addf %parallel_loop3A_516, %parallel_loop3A_524 : vector<16xf32>
        %parallel_loop3A_526 = arith.constant 8 : i32
        %parallel_loop3A_527 = arith.muli %parallel_loop3A_94, %parallel_loop3A_526 : i32
        %parallel_loop3A_528 = arith.constant 6 : i32
        %parallel_loop3A_529 = arith.addi %parallel_loop3A_527, %parallel_loop3A_528 : i32
        %parallel_loop3A_530 = arith.index_cast %parallel_loop3A_529 : i32 to index
        %parallel_loop3A_531 = arith.constant 80 : index
        %parallel_loop3A_532 = tpu.vector_load %arg7[%parallel_loop3A_530, %parallel_loop3A_531] {strides = array<i32>} : memref<256x128xf32, #tpu.memory_space<vmem>>, vector<1x16xf32>,
        %parallel_loop3A_533 = vector.shape_cast %parallel_loop3A_532 : vector<1x16xf32> to vector<16xf32>
        %parallel_loop3A_534 = arith.constant 8 : i32
        %parallel_loop3A_535 = arith.muli %parallel_loop3A_94, %parallel_loop3A_534 : i32
        %parallel_loop3A_536 = arith.constant 7 : i32
        %parallel_loop3A_537 = arith.addi %parallel_loop3A_535, %parallel_loop3A_536 : i32
        %parallel_loop3A_538 = arith.index_cast %parallel_loop3A_537 : i32 to index
        %parallel_loop3A_539 = arith.constant 80 : index
        %parallel_loop3A_540 = tpu.vector_load %arg7[%parallel_loop3A_538, %parallel_loop3A_539] {strides = array<i32>} : memref<256x128xf32, #tpu.memory_space<vmem>>, vector<1x16xf32>,
        %parallel_loop3A_541 = vector.shape_cast %parallel_loop3A_540 : vector<1x16xf32> to vector<16xf32>
        %parallel_loop3A_542 = arith.addf %parallel_loop3A_533, %parallel_loop3A_541 : vector<16xf32>
        %parallel_loop3A_543 = arith.addf %parallel_loop3A_491, %parallel_loop3A_508 : vector<16xf32>
        %parallel_loop3A_544 = arith.addf %parallel_loop3A_525, %parallel_loop3A_542 : vector<16xf32>
        %parallel_loop3A_545 = arith.addf %parallel_loop3A_543, %parallel_loop3A_544 : vector<16xf32>
        %parallel_loop3A_546 = arith.index_cast %parallel_loop3A_94 : i32 to index
        %parallel_loop3A_547 = arith.constant 80 : index
        %parallel_loop3A_548 = tpu.vector_load %arg9[%parallel_loop3A_546, %parallel_loop3A_547] {strides = array<i32>} : memref<32x128xf32, #tpu.memory_space<vmem>>, vector<1x16xf32>,
        %parallel_loop3A_549 = vector.shape_cast %parallel_loop3A_548 : vector<1x16xf32> to vector<16xf32>
        %parallel_loop3A_550 = vector.shape_cast %parallel_loop3A_545 : vector<16xf32> to vector<1x16xf32>
        tpu.vector_store %arg9[%parallel_loop3A_546, %parallel_loop3A_547], %parallel_loop3A_550 {strides = array<i32>} : memref<32x128xf32, #tpu.memory_space<vmem>>, vector<1x16xf32>,
        %parallel_loop3A_551 = arith.constant 8 : i32
        %parallel_loop3A_552 = arith.muli %parallel_loop3A_94, %parallel_loop3A_551 : i32
        %parallel_loop3A_553 = arith.constant 0 : i32
        %parallel_loop3A_554 = arith.addi %parallel_loop3A_552, %parallel_loop3A_553 : i32
        %parallel_loop3A_555 = arith.index_cast %parallel_loop3A_554 : i32 to index
        %parallel_loop3A_556 = arith.constant 96 : index
        %parallel_loop3A_557 = tpu.vector_load %arg7[%parallel_loop3A_555, %parallel_loop3A_556] {strides = array<i32>} : memref<256x128xf32, #tpu.memory_space<vmem>>, vector<1x16xf32>,
        %parallel_loop3A_558 = vector.shape_cast %parallel_loop3A_557 : vector<1x16xf32> to vector<16xf32>
        %parallel_loop3A_559 = arith.constant 8 : i32
        %parallel_loop3A_560 = arith.muli %parallel_loop3A_94, %parallel_loop3A_559 : i32
        %parallel_loop3A_561 = arith.constant 1 : i32
        %parallel_loop3A_562 = arith.addi %parallel_loop3A_560, %parallel_loop3A_561 : i32
        %parallel_loop3A_563 = arith.index_cast %parallel_loop3A_562 : i32 to index
        %parallel_loop3A_564 = arith.constant 96 : index
        %parallel_loop3A_565 = tpu.vector_load %arg7[%parallel_loop3A_563, %parallel_loop3A_564] {strides = array<i32>} : memref<256x128xf32, #tpu.memory_space<vmem>>, vector<1x16xf32>,
        %parallel_loop3A_566 = vector.shape_cast %parallel_loop3A_565 : vector<1x16xf32> to vector<16xf32>
        %parallel_loop3A_567 = arith.addf %parallel_loop3A_558, %parallel_loop3A_566 : vector<16xf32>
        %parallel_loop3A_568 = arith.constant 8 : i32
        %parallel_loop3A_569 = arith.muli %parallel_loop3A_94, %parallel_loop3A_568 : i32
        %parallel_loop3A_570 = arith.constant 2 : i32
        %parallel_loop3A_571 = arith.addi %parallel_loop3A_569, %parallel_loop3A_570 : i32
        %parallel_loop3A_572 = arith.index_cast %parallel_loop3A_571 : i32 to index
        %parallel_loop3A_573 = arith.constant 96 : index
        %parallel_loop3A_574 = tpu.vector_load %arg7[%parallel_loop3A_572, %parallel_loop3A_573] {strides = array<i32>} : memref<256x128xf32, #tpu.memory_space<vmem>>, vector<1x16xf32>,
        %parallel_loop3A_575 = vector.shape_cast %parallel_loop3A_574 : vector<1x16xf32> to vector<16xf32>
        %parallel_loop3A_576 = arith.constant 8 : i32
        %parallel_loop3A_577 = arith.muli %parallel_loop3A_94, %parallel_loop3A_576 : i32
        %parallel_loop3A_578 = arith.constant 3 : i32
        %parallel_loop3A_579 = arith.addi %parallel_loop3A_577, %parallel_loop3A_578 : i32
        %parallel_loop3A_580 = arith.index_cast %parallel_loop3A_579 : i32 to index
        %parallel_loop3A_581 = arith.constant 96 : index
        %parallel_loop3A_582 = tpu.vector_load %arg7[%parallel_loop3A_580, %parallel_loop3A_581] {strides = array<i32>} : memref<256x128xf32, #tpu.memory_space<vmem>>, vector<1x16xf32>,
        %parallel_loop3A_583 = vector.shape_cast %parallel_loop3A_582 : vector<1x16xf32> to vector<16xf32>
        %parallel_loop3A_584 = arith.addf %parallel_loop3A_575, %parallel_loop3A_583 : vector<16xf32>
        %parallel_loop3A_585 = arith.constant 8 : i32
        %parallel_loop3A_586 = arith.muli %parallel_loop3A_94, %parallel_loop3A_585 : i32
        %parallel_loop3A_587 = arith.constant 4 : i32
        %parallel_loop3A_588 = arith.addi %parallel_loop3A_586, %parallel_loop3A_587 : i32
        %parallel_loop3A_589 = arith.index_cast %parallel_loop3A_588 : i32 to index
        %parallel_loop3A_590 = arith.constant 96 : index
        %parallel_loop3A_591 = tpu.vector_load %arg7[%parallel_loop3A_589, %parallel_loop3A_590] {strides = array<i32>} : memref<256x128xf32, #tpu.memory_space<vmem>>, vector<1x16xf32>,
        %parallel_loop3A_592 = vector.shape_cast %parallel_loop3A_591 : vector<1x16xf32> to vector<16xf32>
        %parallel_loop3A_593 = arith.constant 8 : i32
        %parallel_loop3A_594 = arith.muli %parallel_loop3A_94, %parallel_loop3A_593 : i32
        %parallel_loop3A_595 = arith.constant 5 : i32
        %parallel_loop3A_596 = arith.addi %parallel_loop3A_594, %parallel_loop3A_595 : i32
        %parallel_loop3A_597 = arith.index_cast %parallel_loop3A_596 : i32 to index
        %parallel_loop3A_598 = arith.constant 96 : index
        %parallel_loop3A_599 = tpu.vector_load %arg7[%parallel_loop3A_597, %parallel_loop3A_598] {strides = array<i32>} : memref<256x128xf32, #tpu.memory_space<vmem>>, vector<1x16xf32>,
        %parallel_loop3A_600 = vector.shape_cast %parallel_loop3A_599 : vector<1x16xf32> to vector<16xf32>
        %parallel_loop3A_601 = arith.addf %parallel_loop3A_592, %parallel_loop3A_600 : vector<16xf32>
        %parallel_loop3A_602 = arith.constant 8 : i32
        %parallel_loop3A_603 = arith.muli %parallel_loop3A_94, %parallel_loop3A_602 : i32
        %parallel_loop3A_604 = arith.constant 6 : i32
        %parallel_loop3A_605 = arith.addi %parallel_loop3A_603, %parallel_loop3A_604 : i32
        %parallel_loop3A_606 = arith.index_cast %parallel_loop3A_605 : i32 to index
        %parallel_loop3A_607 = arith.constant 96 : index
        %parallel_loop3A_608 = tpu.vector_load %arg7[%parallel_loop3A_606, %parallel_loop3A_607] {strides = array<i32>} : memref<256x128xf32, #tpu.memory_space<vmem>>, vector<1x16xf32>,
        %parallel_loop3A_609 = vector.shape_cast %parallel_loop3A_608 : vector<1x16xf32> to vector<16xf32>
        %parallel_loop3A_610 = arith.constant 8 : i32
        %parallel_loop3A_611 = arith.muli %parallel_loop3A_94, %parallel_loop3A_610 : i32
        %parallel_loop3A_612 = arith.constant 7 : i32
        %parallel_loop3A_613 = arith.addi %parallel_loop3A_611, %parallel_loop3A_612 : i32
        %parallel_loop3A_614 = arith.index_cast %parallel_loop3A_613 : i32 to index
        %parallel_loop3A_615 = arith.constant 96 : index
        %parallel_loop3A_616 = tpu.vector_load %arg7[%parallel_loop3A_614, %parallel_loop3A_615] {strides = array<i32>} : memref<256x128xf32, #tpu.memory_space<vmem>>, vector<1x16xf32>,
        %parallel_loop3A_617 = vector.shape_cast %parallel_loop3A_616 : vector<1x16xf32> to vector<16xf32>
        %parallel_loop3A_618 = arith.addf %parallel_loop3A_609, %parallel_loop3A_617 : vector<16xf32>
        %parallel_loop3A_619 = arith.addf %parallel_loop3A_567, %parallel_loop3A_584 : vector<16xf32>
        %parallel_loop3A_620 = arith.addf %parallel_loop3A_601, %parallel_loop3A_618 : vector<16xf32>
        %parallel_loop3A_621 = arith.addf %parallel_loop3A_619, %parallel_loop3A_620 : vector<16xf32>
        %parallel_loop3A_622 = arith.index_cast %parallel_loop3A_94 : i32 to index
        %parallel_loop3A_623 = arith.constant 96 : index
        %parallel_loop3A_624 = tpu.vector_load %arg9[%parallel_loop3A_622, %parallel_loop3A_623] {strides = array<i32>} : memref<32x128xf32, #tpu.memory_space<vmem>>, vector<1x16xf32>,
        %parallel_loop3A_625 = vector.shape_cast %parallel_loop3A_624 : vector<1x16xf32> to vector<16xf32>
        %parallel_loop3A_626 = vector.shape_cast %parallel_loop3A_621 : vector<16xf32> to vector<1x16xf32>
        tpu.vector_store %arg9[%parallel_loop3A_622, %parallel_loop3A_623], %parallel_loop3A_626 {strides = array<i32>} : memref<32x128xf32, #tpu.memory_space<vmem>>, vector<1x16xf32>,
        %parallel_loop3A_627 = arith.constant 8 : i32
        %parallel_loop3A_628 = arith.muli %parallel_loop3A_94, %parallel_loop3A_627 : i32
        %parallel_loop3A_629 = arith.constant 0 : i32
        %parallel_loop3A_630 = arith.addi %parallel_loop3A_628, %parallel_loop3A_629 : i32
        %parallel_loop3A_631 = arith.index_cast %parallel_loop3A_630 : i32 to index
        %parallel_loop3A_632 = arith.constant 112 : index
        %parallel_loop3A_633 = tpu.vector_load %arg7[%parallel_loop3A_631, %parallel_loop3A_632] {strides = array<i32>} : memref<256x128xf32, #tpu.memory_space<vmem>>, vector<1x16xf32>,
        %parallel_loop3A_634 = vector.shape_cast %parallel_loop3A_633 : vector<1x16xf32> to vector<16xf32>
        %parallel_loop3A_635 = arith.constant 8 : i32
        %parallel_loop3A_636 = arith.muli %parallel_loop3A_94, %parallel_loop3A_635 : i32
        %parallel_loop3A_637 = arith.constant 1 : i32
        %parallel_loop3A_638 = arith.addi %parallel_loop3A_636, %parallel_loop3A_637 : i32
        %parallel_loop3A_639 = arith.index_cast %parallel_loop3A_638 : i32 to index
        %parallel_loop3A_640 = arith.constant 112 : index
        %parallel_loop3A_641 = tpu.vector_load %arg7[%parallel_loop3A_639, %parallel_loop3A_640] {strides = array<i32>} : memref<256x128xf32, #tpu.memory_space<vmem>>, vector<1x16xf32>,
        %parallel_loop3A_642 = vector.shape_cast %parallel_loop3A_641 : vector<1x16xf32> to vector<16xf32>
        %parallel_loop3A_643 = arith.addf %parallel_loop3A_634, %parallel_loop3A_642 : vector<16xf32>
        %parallel_loop3A_644 = arith.constant 8 : i32
        %parallel_loop3A_645 = arith.muli %parallel_loop3A_94, %parallel_loop3A_644 : i32
        %parallel_loop3A_646 = arith.constant 2 : i32
        %parallel_loop3A_647 = arith.addi %parallel_loop3A_645, %parallel_loop3A_646 : i32
        %parallel_loop3A_648 = arith.index_cast %parallel_loop3A_647 : i32 to index
        %parallel_loop3A_649 = arith.constant 112 : index
        %parallel_loop3A_650 = tpu.vector_load %arg7[%parallel_loop3A_648, %parallel_loop3A_649] {strides = array<i32>} : memref<256x128xf32, #tpu.memory_space<vmem>>, vector<1x16xf32>,
        %parallel_loop3A_651 = vector.shape_cast %parallel_loop3A_650 : vector<1x16xf32> to vector<16xf32>
        %parallel_loop3A_652 = arith.constant 8 : i32
        %parallel_loop3A_653 = arith.muli %parallel_loop3A_94, %parallel_loop3A_652 : i32
        %parallel_loop3A_654 = arith.constant 3 : i32
        %parallel_loop3A_655 = arith.addi %parallel_loop3A_653, %parallel_loop3A_654 : i32
        %parallel_loop3A_656 = arith.index_cast %parallel_loop3A_655 : i32 to index
        %parallel_loop3A_657 = arith.constant 112 : index
        %parallel_loop3A_658 = tpu.vector_load %arg7[%parallel_loop3A_656, %parallel_loop3A_657] {strides = array<i32>} : memref<256x128xf32, #tpu.memory_space<vmem>>, vector<1x16xf32>,
        %parallel_loop3A_659 = vector.shape_cast %parallel_loop3A_658 : vector<1x16xf32> to vector<16xf32>
        %parallel_loop3A_660 = arith.addf %parallel_loop3A_651, %parallel_loop3A_659 : vector<16xf32>
        %parallel_loop3A_661 = arith.constant 8 : i32
        %parallel_loop3A_662 = arith.muli %parallel_loop3A_94, %parallel_loop3A_661 : i32
        %parallel_loop3A_663 = arith.constant 4 : i32
        %parallel_loop3A_664 = arith.addi %parallel_loop3A_662, %parallel_loop3A_663 : i32
        %parallel_loop3A_665 = arith.index_cast %parallel_loop3A_664 : i32 to index
        %parallel_loop3A_666 = arith.constant 112 : index
        %parallel_loop3A_667 = tpu.vector_load %arg7[%parallel_loop3A_665, %parallel_loop3A_666] {strides = array<i32>} : memref<256x128xf32, #tpu.memory_space<vmem>>, vector<1x16xf32>,
        %parallel_loop3A_668 = vector.shape_cast %parallel_loop3A_667 : vector<1x16xf32> to vector<16xf32>
        %parallel_loop3A_669 = arith.constant 8 : i32
        %parallel_loop3A_670 = arith.muli %parallel_loop3A_94, %parallel_loop3A_669 : i32
        %parallel_loop3A_671 = arith.constant 5 : i32
        %parallel_loop3A_672 = arith.addi %parallel_loop3A_670, %parallel_loop3A_671 : i32
        %parallel_loop3A_673 = arith.index_cast %parallel_loop3A_672 : i32 to index
        %parallel_loop3A_674 = arith.constant 112 : index
        %parallel_loop3A_675 = tpu.vector_load %arg7[%parallel_loop3A_673, %parallel_loop3A_674] {strides = array<i32>} : memref<256x128xf32, #tpu.memory_space<vmem>>, vector<1x16xf32>,
        %parallel_loop3A_676 = vector.shape_cast %parallel_loop3A_675 : vector<1x16xf32> to vector<16xf32>
        %parallel_loop3A_677 = arith.addf %parallel_loop3A_668, %parallel_loop3A_676 : vector<16xf32>
        %parallel_loop3A_678 = arith.constant 8 : i32
        %parallel_loop3A_679 = arith.muli %parallel_loop3A_94, %parallel_loop3A_678 : i32
        %parallel_loop3A_680 = arith.constant 6 : i32
        %parallel_loop3A_681 = arith.addi %parallel_loop3A_679, %parallel_loop3A_680 : i32
        %parallel_loop3A_682 = arith.index_cast %parallel_loop3A_681 : i32 to index
        %parallel_loop3A_683 = arith.constant 112 : index
        %parallel_loop3A_684 = tpu.vector_load %arg7[%parallel_loop3A_682, %parallel_loop3A_683] {strides = array<i32>} : memref<256x128xf32, #tpu.memory_space<vmem>>, vector<1x16xf32>,
        %parallel_loop3A_685 = vector.shape_cast %parallel_loop3A_684 : vector<1x16xf32> to vector<16xf32>
        %parallel_loop3A_686 = arith.constant 8 : i32
        %parallel_loop3A_687 = arith.muli %parallel_loop3A_94, %parallel_loop3A_686 : i32
        %parallel_loop3A_688 = arith.constant 7 : i32
        %parallel_loop3A_689 = arith.addi %parallel_loop3A_687, %parallel_loop3A_688 : i32
        %parallel_loop3A_690 = arith.index_cast %parallel_loop3A_689 : i32 to index
        %parallel_loop3A_691 = arith.constant 112 : index
        %parallel_loop3A_692 = tpu.vector_load %arg7[%parallel_loop3A_690, %parallel_loop3A_691] {strides = array<i32>} : memref<256x128xf32, #tpu.memory_space<vmem>>, vector<1x16xf32>,
        %parallel_loop3A_693 = vector.shape_cast %parallel_loop3A_692 : vector<1x16xf32> to vector<16xf32>
        %parallel_loop3A_694 = arith.addf %parallel_loop3A_685, %parallel_loop3A_693 : vector<16xf32>
        %parallel_loop3A_695 = arith.addf %parallel_loop3A_643, %parallel_loop3A_660 : vector<16xf32>
        %parallel_loop3A_696 = arith.addf %parallel_loop3A_677, %parallel_loop3A_694 : vector<16xf32>
        %parallel_loop3A_697 = arith.addf %parallel_loop3A_695, %parallel_loop3A_696 : vector<16xf32>
        %parallel_loop3A_698 = arith.index_cast %parallel_loop3A_94 : i32 to index
        %parallel_loop3A_699 = arith.constant 112 : index
        %parallel_loop3A_700 = tpu.vector_load %arg9[%parallel_loop3A_698, %parallel_loop3A_699] {strides = array<i32>} : memref<32x128xf32, #tpu.memory_space<vmem>>, vector<1x16xf32>,
        %parallel_loop3A_701 = vector.shape_cast %parallel_loop3A_700 : vector<1x16xf32> to vector<16xf32>
        %parallel_loop3A_702 = vector.shape_cast %parallel_loop3A_697 : vector<16xf32> to vector<1x16xf32>
        tpu.vector_store %arg9[%parallel_loop3A_698, %parallel_loop3A_699], %parallel_loop3A_702 {strides = array<i32>} : memref<32x128xf32, #tpu.memory_space<vmem>>, vector<1x16xf32>,
      } {sc.loop_unroll_factor = 8 : i64, sc.parallel_access}
      %add3A_80 = arith.constant 2 : i32
      %add3A_81 = arith.addi %add3A_63, %add3A_80 : i32
      %lt3A_82 = arith.constant 8 : i32
      %lt3A_83 = arith.cmpi slt, %add3A_81, %lt3A_82 : i32
      %convert_element_type3A_84 = arith.extui %lt3A_83 : i1 to i32
      %cond3A_85 = arith.constant 0 : i32
      %cond3A_86 = arith.cmpi ne, %convert_element_type3A_84, %cond3A_85 : i32
      scf.if %cond3A_86 {
        %add3A_94 = arith.constant 2 : i32
        %add3A_95 = arith.addi %add3A_63, %add3A_94 : i32
        %mul3A_96 = arith.constant 32 : i32
        %mul3A_97 = arith.muli %add3A_95, %mul3A_96 : i32
        %mul3A_98 = arith.constant 8 : i32
        %mul3A_99 = arith.muli %mul3A_97, %mul3A_98 : i32
        %dma_start3A_100 = tpu.memref_slice %arg5[%mul3A_99] : memref<2048xi32, #tpu.memory_space<vmem>> -> memref<256xi32, #tpu.memory_space<vmem>>
        %dma_start3A_101 = arith.constant 0 : i32
        %dma_start3A_102 = arith.constant 0 : i32
        %dma_start3A_103 = tpu.memref_slice %arg3[%dma_start3A_101, %dma_start3A_102] : memref<100000x128xf32, #tpu.memory_space<hbm>> -> memref<100000x128xf32, #tpu.memory_space<hbm>>
        tpu.enqueue_indirect_dma source(%dma_start3A_103 : memref<100000x128xf32, #tpu.memory_space<hbm>>) target(%arg7 : memref<256x128xf32, #tpu.memory_space<vmem>>) offsets(%dma_start3A_100 : memref<256xi32, #tpu.memory_space<vmem>>) semaphore(%arg11 : memref<!tpu.dma_semaphore, #tpu.memory_space<semaphore_mem>>)
      } else {
      }
      %mul3A_87 = arith.constant 32 : i32
      %mul3A_88 = arith.muli %add3A_63, %mul3A_87 : i32
      %add3A_89 = arith.addi %mul3A_2, %mul3A_88 : i32
      %dma_start3A_90 = arith.constant 0 : i32
      %dma_start3A_91 = tpu.memref_slice %arg4[%add3A_89, %dma_start3A_90] : memref<8192x128xf32, #tpu.memory_space<hbm>> -> memref<32x128xf32, #tpu.memory_space<hbm>>
      %dma_start3A_92 = arith.constant 0 : i32
      %dma_start3A_93 = tpu.memref_slice %arg4[%add3A_89, %dma_start3A_92] : memref<8192x128xf32, #tpu.memory_space<hbm>> -> memref<32x128xf32, #tpu.memory_space<hbm>>
      tpu.enqueue_dma source(%arg9 : memref<32x128xf32, #tpu.memory_space<vmem>>) target(%dma_start3A_93 : memref<32x128xf32, #tpu.memory_space<hbm>>) target_semaphore(%arg13 : memref<!tpu.dma_semaphore, #tpu.memory_space<semaphore_mem>>)
    }
    %scan3A_18 = arith.constant 4 : i32
    %add3A_19 = arith.constant 192 : i32
    %add3A_20 = arith.addi %mul3A_2, %add3A_19 : i32
    %dma_wait3A = arith.constant 0 : i32
    %dma_wait3A_21 = tpu.memref_slice %arg4[%add3A_20, %dma_wait3A] : memref<8192x128xf32, #tpu.memory_space<hbm>> -> memref<32x128xf32, #tpu.memory_space<hbm>>
    %dma_wait3A_22 = arith.constant 0 : i32
    %dma_wait3A_23 = tpu.memref_slice %arg4[%add3A_20, %dma_wait3A_22] : memref<8192x128xf32, #tpu.memory_space<hbm>> -> memref<32x128xf32, #tpu.memory_space<hbm>>
    tpu.wait_dma2 semaphore(%arg12 : memref<!tpu.dma_semaphore, #tpu.memory_space<semaphore_mem>>) src(%arg8 : memref<32x128xf32, #tpu.memory_space<vmem>>) dst(%dma_wait3A_23 : memref<32x128xf32, #tpu.memory_space<hbm>>)
    %add3A_24 = arith.constant 224 : i32
    %add3A_25 = arith.addi %mul3A_2, %add3A_24 : i32
    %dma_wait3A_26 = arith.constant 0 : i32
    %dma_wait3A_27 = tpu.memref_slice %arg4[%add3A_25, %dma_wait3A_26] : memref<8192x128xf32, #tpu.memory_space<hbm>> -> memref<32x128xf32, #tpu.memory_space<hbm>>
    %dma_wait3A_28 = arith.constant 0 : i32
    %dma_wait3A_29 = tpu.memref_slice %arg4[%add3A_25, %dma_wait3A_28] : memref<8192x128xf32, #tpu.memory_space<hbm>> -> memref<32x128xf32, #tpu.memory_space<hbm>>
    tpu.wait_dma2 semaphore(%arg13 : memref<!tpu.dma_semaphore, #tpu.memory_space<semaphore_mem>>) src(%arg9 : memref<32x128xf32, #tpu.memory_space<vmem>>) dst(%dma_wait3A_29 : memref<32x128xf32, #tpu.memory_space<hbm>>)
    return
  }
}

module attributes {stable_mosaic.version = 14 : i64} {
  func.func @_mlp_kernel(%arg0: i32, %arg1: memref<8192x128xf32, #tpu.memory_space<vmem>>, %arg2: memref<288x384xf32, #tpu.memory_space<vmem>>, %arg3: memref<1x288xf32, #tpu.memory_space<vmem>>, %arg4: memref<96x288xf32, #tpu.memory_space<vmem>>, %arg5: memref<1x96xf32, #tpu.memory_space<vmem>>, %arg6: memref<1x97xf32, #tpu.memory_space<vmem>>, %arg7: memref<1x1xf32, #tpu.memory_space<vmem>>, %arg8: memref<4096x1xf32, #tpu.memory_space<vmem>>) attributes {dimension_semantics = [#tpu.dimension_semantics<arbitrary>], iteration_bounds = array<i64: 1>, scalar_prefetch = 0 : i64, scratch_operands = 0 : i64, tpu.core_type = #tpu.core_type<tc>, window_params = [{pipeline_mode = #tpu.pipeline_mode<synchronous>, transform_indices = @transform_0, window_bounds = array<i64: 8192, 128>}, {pipeline_mode = #tpu.pipeline_mode<synchronous>, transform_indices = @transform_1, window_bounds = array<i64: 288, 384>}, {pipeline_mode = #tpu.pipeline_mode<synchronous>, transform_indices = @transform_2, window_bounds = array<i64: 1, 288>}, {pipeline_mode = #tpu.pipeline_mode<synchronous>, transform_indices = @transform_3, window_bounds = array<i64: 96, 288>}, {pipeline_mode = #tpu.pipeline_mode<synchronous>, transform_indices = @transform_4, window_bounds = array<i64: 1, 96>}, {pipeline_mode = #tpu.pipeline_mode<synchronous>, transform_indices = @transform_5, window_bounds = array<i64: 1, 97>}, {pipeline_mode = #tpu.pipeline_mode<synchronous>, transform_indices = @transform_6, window_bounds = array<i64: 1, 1>}, {transform_indices = @transform_7, window_bounds = array<i64: 4096, 1>}]} {
    %get3A = arith.constant 0 : index
    %get3A_0 = arith.constant 0 : index
    %get3A_1 = vector.load %arg1[%get3A, %get3A_0] : memref<8192x128xf32, #tpu.memory_space<vmem>>, vector<4096x128xf32>
    %get3A_2 = arith.constant 4096 : index
    %get3A_3 = arith.constant 0 : index
    %get3A_4 = vector.load %arg1[%get3A_2, %get3A_3] : memref<8192x128xf32, #tpu.memory_space<vmem>>, vector<4096x128xf32>
    %mul3A = arith.mulf %get3A_1, %get3A_1 : vector<4096x128xf32>
    %reduce_sum3A = arith.constant dense<0.000000e+00> : vector<4096xf32>
    %reduce_sum3A_5 = vector.multi_reduction <add>, %mul3A, %reduce_sum3A [1] : vector<4096x128xf32> to vector<4096xf32>
    %broadcast_in_dim3A = vector.shape_cast %reduce_sum3A_5 : vector<4096xf32> to vector<4096x1xf32>
    %sqrt3A = math.sqrt %broadcast_in_dim3A : vector<4096x1xf32>
    %mul3A_6 = arith.mulf %get3A_4, %get3A_4 : vector<4096x128xf32>
    %reduce_sum3A_7 = arith.constant dense<0.000000e+00> : vector<4096xf32>
    %reduce_sum3A_8 = vector.multi_reduction <add>, %mul3A_6, %reduce_sum3A_7 [1] : vector<4096x128xf32> to vector<4096xf32>
    %broadcast_in_dim3A_9 = vector.shape_cast %reduce_sum3A_8 : vector<4096xf32> to vector<4096x1xf32>
    %sqrt3A_10 = math.sqrt %broadcast_in_dim3A_9 : vector<4096x1xf32>
    %max3A = arith.constant 9.99999996E-13 : f32
    %max3A_11 = vector.broadcast %max3A : f32 to vector<4096x1xf32>
    %max3A_12 = arith.maximumf %sqrt3A, %max3A_11 : vector<4096x1xf32>
    %div3A = vector.broadcast %max3A_12 : vector<4096x1xf32> to vector<4096x128xf32>
    %div3A_13 = arith.divf %get3A_1, %div3A : vector<4096x128xf32>
    %max3A_14 = arith.constant 9.99999996E-13 : f32
    %max3A_15 = vector.broadcast %max3A_14 : f32 to vector<4096x1xf32>
    %max3A_16 = arith.maximumf %sqrt3A_10, %max3A_15 : vector<4096x1xf32>
    %div3A_17 = vector.broadcast %max3A_16 : vector<4096x1xf32> to vector<4096x128xf32>
    %div3A_18 = arith.divf %get3A_4, %div3A_17 : vector<4096x128xf32>
    %mul3A_19 = arith.mulf %div3A_13, %div3A_13 : vector<4096x128xf32>
    %reduce_sum3A_20 = arith.constant dense<0.000000e+00> : vector<4096xf32>
    %reduce_sum3A_21 = vector.multi_reduction <add>, %mul3A_19, %reduce_sum3A_20 [1] : vector<4096x128xf32> to vector<4096xf32>
    %broadcast_in_dim3A_22 = vector.shape_cast %reduce_sum3A_21 : vector<4096xf32> to vector<4096x1xf32>
    %sqrt3A_23 = math.sqrt %broadcast_in_dim3A_22 : vector<4096x1xf32>
    %mul3A_24 = arith.mulf %div3A_18, %div3A_18 : vector<4096x128xf32>
    %reduce_sum3A_25 = arith.constant dense<0.000000e+00> : vector<4096xf32>
    %reduce_sum3A_26 = vector.multi_reduction <add>, %mul3A_24, %reduce_sum3A_25 [1] : vector<4096x128xf32> to vector<4096xf32>
    %broadcast_in_dim3A_27 = vector.shape_cast %reduce_sum3A_26 : vector<4096xf32> to vector<4096x1xf32>
    %sqrt3A_28 = math.sqrt %broadcast_in_dim3A_27 : vector<4096x1xf32>
    %mul3A_29 = arith.mulf %div3A_13, %div3A_18 : vector<4096x128xf32>
    %reduce_sum3A_30 = arith.constant dense<0.000000e+00> : vector<4096xf32>
    %reduce_sum3A_31 = vector.multi_reduction <add>, %mul3A_29, %reduce_sum3A_30 [1] : vector<4096x128xf32> to vector<4096xf32>
    %broadcast_in_dim3A_32 = vector.shape_cast %reduce_sum3A_31 : vector<4096xf32> to vector<4096x1xf32>
    %max3A_33 = arith.constant 9.99999993E-9 : f32
    %max3A_34 = vector.broadcast %max3A_33 : f32 to vector<4096x1xf32>
    %max3A_35 = arith.maximumf %sqrt3A_23, %max3A_34 : vector<4096x1xf32>
    %max3A_36 = arith.constant 9.99999993E-9 : f32
    %max3A_37 = vector.broadcast %max3A_36 : f32 to vector<4096x1xf32>
    %max3A_38 = arith.maximumf %sqrt3A_28, %max3A_37 : vector<4096x1xf32>
    %mul3A_39 = arith.mulf %max3A_35, %max3A_38 : vector<4096x1xf32>
    %div3A_40 = arith.divf %broadcast_in_dim3A_32, %mul3A_39 : vector<4096x1xf32>
    %sub3A = arith.subf %div3A_13, %div3A_18 : vector<4096x128xf32>
    %abs3A = math.absf %sub3A : vector<4096x128xf32>
    %concatenate3A = tpu.concatenate %div3A_13, %div3A_18, %abs3A in 1 : vector<4096x128xf32>, vector<4096x128xf32>, vector<4096x128xf32> -> vector<4096x384xf32>
    %get3A_41 = arith.constant 0 : index
    %get3A_42 = arith.constant 0 : index
    %get3A_43 = vector.load %arg2[%get3A_41, %get3A_42] : memref<288x384xf32, #tpu.memory_space<vmem>>, vector<288x384xf32>
    %dot_general3A = arith.constant dense<0.000000e+00> : vector<4096x288xf32>
    %dot_general3A_44 = tpu.matmul %concatenate3A, %get3A_43, %dot_general3A {dimension_numbers = #tpu.dot_dimension_numbers<[1], [1], [0], [0], [0, 0, 1, 0], [], []>, transpose_lhs_hint = false} : vector<4096x384xf32>, vector<288x384xf32>, vector<4096x288xf32> -> vector<4096x288xf32>
    %get3A_45 = arith.constant 0 : index
    %get3A_46 = arith.constant 0 : index
    %get3A_47 = vector.load %arg3[%get3A_45, %get3A_46] : memref<1x288xf32, #tpu.memory_space<vmem>>, vector<1x288xf32>
    %add3A = vector.broadcast %get3A_47 : vector<1x288xf32> to vector<4096x288xf32>
    %add3A_48 = arith.addf %dot_general3A_44, %add3A : vector<4096x288xf32>
    %max3A_49 = arith.constant 0.000000e+00 : f32
    %max3A_50 = vector.broadcast %max3A_49 : f32 to vector<4096x288xf32>
    %max3A_51 = arith.maximumf %add3A_48, %max3A_50 : vector<4096x288xf32>
    %get3A_52 = arith.constant 0 : index
    %get3A_53 = arith.constant 0 : index
    %get3A_54 = vector.load %arg4[%get3A_52, %get3A_53] : memref<96x288xf32, #tpu.memory_space<vmem>>, vector<96x288xf32>
    %dot_general3A_55 = arith.constant dense<0.000000e+00> : vector<4096x96xf32>
    %dot_general3A_56 = tpu.matmul %max3A_51, %get3A_54, %dot_general3A_55 {dimension_numbers = #tpu.dot_dimension_numbers<[1], [1], [0], [0], [0, 0, 1, 0], [], []>, transpose_lhs_hint = false} : vector<4096x288xf32>, vector<96x288xf32>, vector<4096x96xf32> -> vector<4096x96xf32>
    %get3A_57 = arith.constant 0 : index
    %get3A_58 = arith.constant 0 : index
    %get3A_59 = vector.load %arg5[%get3A_57, %get3A_58] : memref<1x96xf32, #tpu.memory_space<vmem>>, vector<1x96xf32>
    %add3A_60 = vector.broadcast %get3A_59 : vector<1x96xf32> to vector<4096x96xf32>
    %add3A_61 = arith.addf %dot_general3A_56, %add3A_60 : vector<4096x96xf32>
    %max3A_62 = arith.constant 0.000000e+00 : f32
    %max3A_63 = vector.broadcast %max3A_62 : f32 to vector<4096x96xf32>
    %max3A_64 = arith.maximumf %add3A_61, %max3A_63 : vector<4096x96xf32>
    %get3A_65 = arith.constant 0 : index
    %get3A_66 = arith.constant 0 : index
    %get3A_67 = vector.load %arg6[%get3A_65, %get3A_66] : memref<1x97xf32, #tpu.memory_space<vmem>>, vector<1x97xf32>
    %slice3A = vector.extract_strided_slice %get3A_67 {offsets = [0, 0], sizes = [1, 96], strides = [1, 1]} : vector<1x97xf32> to vector<1x96xf32>
    %mul3A_68 = vector.broadcast %slice3A : vector<1x96xf32> to vector<4096x96xf32>
    %mul3A_69 = arith.mulf %max3A_64, %mul3A_68 : vector<4096x96xf32>
    %reduce_sum3A_70 = arith.constant dense<0.000000e+00> : vector<4096xf32>
    %reduce_sum3A_71 = vector.multi_reduction <add>, %mul3A_69, %reduce_sum3A_70 [1] : vector<4096x96xf32> to vector<4096xf32>
    %broadcast_in_dim3A_72 = vector.shape_cast %reduce_sum3A_71 : vector<4096xf32> to vector<4096x1xf32>
    %slice3A_73 = vector.extract_strided_slice %get3A_67 {offsets = [0, 96], sizes = [1, 1], strides = [1, 1]} : vector<1x97xf32> to vector<1x1xf32>
    %mul3A_74 = vector.broadcast %slice3A_73 : vector<1x1xf32> to vector<4096x1xf32>
    %mul3A_75 = arith.mulf %div3A_40, %mul3A_74 : vector<4096x1xf32>
    %add3A_76 = arith.addf %broadcast_in_dim3A_72, %mul3A_75 : vector<4096x1xf32>
    %get3A_77 = arith.constant 0 : index
    %get3A_78 = arith.constant 0 : index
    %get3A_79 = vector.load %arg7[%get3A_77, %get3A_78] : memref<1x1xf32, #tpu.memory_space<vmem>>, vector<1x1xf32>
    %add3A_80 = vector.broadcast %get3A_79 : vector<1x1xf32> to vector<4096x1xf32>
    %add3A_81 = arith.addf %add3A_76, %add3A_80 : vector<4096x1xf32>
    %swap3A = arith.constant 0 : index
    %swap3A_82 = arith.constant 0 : index
    %swap3A_83 = vector.load %arg8[%swap3A, %swap3A_82] : memref<4096x1xf32, #tpu.memory_space<vmem>>, vector<4096x1xf32>
    tpu.vector_store %arg8[%swap3A, %swap3A_82], %add3A_81 {strides = array<i32>} : memref<4096x1xf32, #tpu.memory_space<vmem>>, vector<4096x1xf32>,
    return
  }
  func.func @transform_0(%arg0: i32) -> (i32, i32) {
    %c0_i32 = arith.constant 0 : i32
    %c0_i32_0 = arith.constant 0 : i32
    %c0_i32_1 = arith.constant 0 : i32
    return %c0_i32, %c0_i32_0 : i32, i32
  }
  func.func @transform_1(%arg0: i32) -> (i32, i32) {
    %c0_i32 = arith.constant 0 : i32
    %c0_i32_0 = arith.constant 0 : i32
    %c0_i32_1 = arith.constant 0 : i32
    return %c0_i32, %c0_i32_0 : i32, i32
  }
  func.func @transform_2(%arg0: i32) -> (i32, i32) {
    %c0_i32 = arith.constant 0 : i32
    %c0_i32_0 = arith.constant 0 : i32
    %c0_i32_1 = arith.constant 0 : i32
    return %c0_i32, %c0_i32_0 : i32, i32
  }
  func.func @transform_3(%arg0: i32) -> (i32, i32) {
    %c0_i32 = arith.constant 0 : i32
    %c0_i32_0 = arith.constant 0 : i32
    %c0_i32_1 = arith.constant 0 : i32
    return %c0_i32, %c0_i32_0 : i32, i32
  }
  func.func @transform_4(%arg0: i32) -> (i32, i32) {
    %c0_i32 = arith.constant 0 : i32
    %c0_i32_0 = arith.constant 0 : i32
    %c0_i32_1 = arith.constant 0 : i32
    return %c0_i32, %c0_i32_0 : i32, i32
  }
  func.func @transform_5(%arg0: i32) -> (i32, i32) {
    %c0_i32 = arith.constant 0 : i32
    %c0_i32_0 = arith.constant 0 : i32
    %c0_i32_1 = arith.constant 0 : i32
    return %c0_i32, %c0_i32_0 : i32, i32
  }
  func.func @transform_6(%arg0: i32) -> (i32, i32) {
    %c0_i32 = arith.constant 0 : i32
    %c0_i32_0 = arith.constant 0 : i32
    %c0_i32_1 = arith.constant 0 : i32
    return %c0_i32, %c0_i32_0 : i32, i32
  }
  func.func @transform_7(%arg0: i32) -> (i32, i32) {
    %c0_i32 = arith.constant 0 : i32
    %c0_i32_0 = arith.constant 0 : i32
    return %arg0, %c0_i32 : i32, i32
  }
}

</mosaic_0001>

<sc_bundles>
// kernel: kernel.4.cloned.1.call-start
scs
__scs_entry_jumppad:
0x0: {  	(pc) =	sbr.rel $0x88, $3  }
0x1: {  	(tag) =	ssettag $0x0;
	lr =	simm.s32 $0x1  }
0x2: {  	[smem:$0x3F98] =	sst lr;
	_ =	strace $0xD0000000  }
0x3: {  	_ = 	snop  }
0x4: {  	_ = 	snop  }
0x5: {  	_ = 	snop  }
0x6: {  	_ = 	snop  }
0x7: {  	_ = 	snop  }
__scs_overlays_trampoline_lowered:
0x8: {  	[smem:$0x3FA7] =	sst s0  }
0x9: {  	[smem:$0x3FA8] =	sst s1  }
0xa: {  	[smem:$0x3FA9] =	sst s2  }
0xb: {  	[smem:$0x3FAA] =	sst s3  }
0xc: {  	[smem:$0x3FAB] =	sst s4  }
0xd: {  	[smem:$0x3FAC] =	sst s5  }
0xe: {  	[smem:$0x3FAD] =	sst s6  }
0xf: {  	[smem:$0x3FAE] =	sst s7  }
0x10: {  	[smem:$0x3FAF] =	sst s8  }
0x11: {  	[smem:$0x3FB0] =	sst s9;
	s0 =	simm.s32 @!p0 $0x0  }
0x12: {  	s1 =	sld [smem:$0x3F96];
	s0 =	simm.s32 @p0 $0x1  }
0x13: {  	[smem:$0x3FB1] =	sst s0;
	s0 =	simm.s32 @!p1 $0x0  }
0x14: {  	s2 =	sld [smem:$0x3F95];
	s0 =	simm.s32 @p1 $0x1  }
0x15: {  	[smem:$0x3FB2] =	sst s0;
	s0 =	simm.s32 @!p2 $0x0  }
0x16: {  	s3 =	sld [smem:$0x3FDB];
	s0 =	simm.s32 @p2 $0x1  }
0x17: {  	s4 =	simm.s32 $0x1BF5;
	[smem:$0x3FB4] =	sst s0  }
0x18: {  	s0 =	sld [smem:$0x3F97];
	_ =	swait.ge [sflag:s4], $0x0  }
0x19: {  	s7 =	sld [smem:$0x3F98]  }
0x1a: {  	s8 =	sadd.s32 $0xFFFFE003, lr  }
0x1b: {  	s9 =	sadd.s32 $0xFFFFFEF7, lr;
	s5 =	simm.s32 $0xFFFFFFFF;
	p2 =	slt.u32 s8, $0xFFFFF086  }
0x1c: {  	p1 =	slt.u32 s9, $0xF7A;
	s5 =	simm.s32 @!p2 $0x0  }
0x1d: {  	s5 =	simm.s32 @p1 $0x1;
	p0 =	seq.s32 s7, s2  }
0x1e: {  	s7 =	smul.u32 @!p0 $0xF7A, s2;
	p2 =	seq.s32 @!p0 s5, $0x0  }
0x1f: {  	s9 =	smul.u32 $0xF7A, s1;
	s8 =	simm.s32 @!p0 $0x1BF5;
	p2 =	por !p2, p0  }
0x20: {  	[sflag:s8] =	ssyncset.s32 @!p0 $0xFFFFF086;
	s6 =	sadd.s32 @!p0 s3, s7;
	s7 =	simm.s32 @!p0 $0x108  }
0x21: {  	s3 =	sadd.s32 s3, s9;
	s6 =	sadd.s32 @!p0 $0x88, s6;
	s7 =	simm.s32 @p2 $0x1082  }
0x22: {  	[simem:s7], [sflag:s8] =	dma.local @!p0 [hbm:s6], $0xF7A  }
0x23: {  	s9 =	sor.u32 $0xD0000000, s2;
	s6 =	simm.s32 $0x108;
	_ =	swait.ge @!p0 [sflag:s8], $0x0  }
0x24: {  	s3 =	sadd.s32 $0x88, s3;
	s6 =	simm.s32 @!p1 $0x1082;
	[sflag:s4] =	ssyncset.s32 $0xFFFFF086  }
0x25: {  	[simem:s6], [sflag:s4] =	dma.local [hbm:s3], $0xF7A  }
0x26: {  	[smem:$0x3F98] =	sst s1;
	(tag) =	ssettag s2;
	_ =	strace s9  }
0x27: {  	s1 =	sld [smem:$0x3FA8]  }
0x28: {  	s2 =	sld [smem:$0x3FA9]  }
0x29: {  	s4 =	sld [smem:$0x3FAB]  }
0x2a: {  	p0 =	seq.s32 s5, $0x0;
	s5 =	sld [smem:$0x3FAC]  }
0x2b: {  	s6 =	sld [smem:$0x3FAD]  }
0x2c: {  	s7 =	sld [smem:$0x3FAE]  }
0x2d: {  	s3 =	simm.s32 $0x108;
	s8 =	sld [smem:$0x3FAF]  }
0x2e: {  	s3 =	simm.s32 @!p0 $0x1082;
	s9 =	sld [smem:$0x3FB0]  }
0x2f: {  	lr =	sadd.s32 s0, s3;
	s0 =	sld [smem:$0x3FA7]  }
0x30: {  	s3 =	sld [smem:$0x3FAA]  }
0x31: {  	[smem:$0x3FB3] =	sst s10  }
0x32: {  	s10 =	sld [smem:$0x3FB1];
	_ =	sdelay $0x3  }
0x33: {  	p0 =	seq.s32 s10, $0x1;
	s10 =	sld [smem:$0x3FB3];
	_ =	sdelay $0x3  }
0x34: {  	[smem:$0x3FB3] =	sst s10  }
0x35: {  	s10 =	sld [smem:$0x3FB2];
	_ =	sdelay $0x3  }
0x36: {  	p1 =	seq.s32 s10, $0x1;
	s10 =	sld [smem:$0x3FB3];
	_ =	sdelay $0x3  }
0x37: {  	[smem:$0x3FB3] =	sst s10  }
0x38: {  	s10 =	sld [smem:$0x3FB4]  }
0x39: {  	_ = 	snop;
	(pc) =	sbr.ind lr, $3  }
0x3a: {  	_ = 	snop  }
0x3b: {  	_ = 	snop  }
0x3c: {  	p2 =	seq.s32 s10, $0x1;
	s10 =	sld [smem:$0x3FB3]  }
0x3d: {  	_ =	shalt  }
0x3e: {  	_ =	shalt  }
0x3f: {  	_ =	shalt  }
0x40: {  	_ =	shalt  }
0x41: {  	_ =	shalt  }
0x42: {  	_ =	shalt  }
0x43: {  	_ =	shalt  }
0x44: {  	_ =	shalt  }
0x45: {  	_ =	shalt  }
0x46: {  	_ =	shalt  }
0x47: {  	_ =	shalt  }
0x48: {  	_ =	shalt  }
0x49: {  	_ =	shalt  }
0x4a: {  	_ =	shalt  }
0x4b: {  	_ =	shalt  }
0x4c: {  	_ =	shalt  }
0x4d: {  	_ =	shalt  }
0x4e: {  	_ =	shalt  }
0x4f: {  	_ =	shalt  }
0x50: {  	_ =	shalt  }
0x51: {  	_ =	shalt  }
0x52: {  	_ =	shalt  }
0x53: {  	_ =	shalt  }
0x54: {  	_ =	shalt  }
0x55: {  	_ =	shalt  }
0x56: {  	_ =	shalt  }
0x57: {  	_ =	shalt  }
0x58: {  	_ =	shalt  }
0x59: {  	_ =	shalt  }
0x5a: {  	_ =	shalt  }
0x5b: {  	_ =	shalt  }
0x5c: {  	_ =	shalt  }
0x5d: {  	_ =	shalt  }
0x5e: {  	_ =	shalt  }
0x5f: {  	_ =	shalt  }
0x60: {  	_ =	shalt  }
0x61: {  	_ =	shalt  }
0x62: {  	_ =	shalt  }
0x63: {  	_ =	shalt  }
0x64: {  	_ =	shalt  }
0x65: {  	_ =	shalt  }
0x66: {  	_ =	shalt  }
0x67: {  	_ =	shalt  }
0x68: {  	_ =	shalt  }
0x69: {  	_ =	shalt  }
0x6a: {  	_ =	shalt  }
0x6b: {  	_ =	shalt  }
0x6c: {  	_ =	shalt  }
0x6d: {  	_ =	shalt  }
0x6e: {  	_ =	shalt  }
0x6f: {  	_ =	shalt  }
0x70: {  	_ =	shalt  }
0x71: {  	_ =	shalt  }
0x72: {  	_ =	shalt  }
0x73: {  	_ =	shalt  }
0x74: {  	_ =	shalt  }
0x75: {  	_ =	shalt  }
0x76: {  	_ =	shalt  }
0x77: {  	_ =	shalt  }
0x78: {  	_ =	shalt  }
0x79: {  	_ =	shalt  }
0x7a: {  	_ =	shalt  }
0x7b: {  	_ =	shalt  }
0x7c: {  	_ =	shalt  }
0x7d: {  	_ =	shalt  }
0x7e: {  	_ =	shalt  }
0x7f: {  	_ =	shalt  }
0x80: {  	_ =	shalt  }
0x81: {  	_ =	shalt  }
0x82: {  	_ =	shalt  }
0x83: {  	_ =	shalt  }
0x84: {  	_ =	shalt  }
0x85: {  	_ =	shalt  }
0x86: {  	_ =	shalt  }
0x87: {  	_ =	shalt  }
.Lfunc_end0:
.L_simem_size_0:
called_computation_lowered:
.L_overlay_start_0:
0x88: {  	s2 =	sld [smem:$0x3FD9]  }
0x89: {  	s3 =	sld [smem:$0x3FFE];
	_ =	sdelay $0x1  }
0x8a: {  	s1 =	srdreg.scid  }
0x8b: {  	s0 =	sand.u32 $0x1, s1  }
0x8c: {  	s17 =	sshll.u32 s0, $0xA;
	s2 =	sadd.s32 s3, s2  }
0x8d: {  	s2 =	sadd.s32 s2, s17  }
0x8e: {  	[smem:$0x3FBF] =	sst s2  }
0x8f: {  	_ = 	snop  }
0x90: {  	s2 =	sld [smem:$0x3FC7];
	(tm) =	ssettm $0x1  }
0x91: {  	s18 =	sld [smem:$0x3FFB];
	_ =	sdelay $0x3  }
0x92: {  	_ =	strace s18  }
0x93: {  	s3 =	sld [smem:$0x3FFC];
	_ =	sdelay $0x3  }
0x94: {  	_ =	strace s3  }
0x95: {  	s3 =	sld [smem:$0x3FFD];
	_ =	sdelay $0x3  }
0x96: {  	_ =	strace s3  }
0x97: {  	_ =	strace $0x8FFFFFFF  }
0x98: {  	s19 =	sld [smem:$0x3FDB];
	_ =	sdelay $0x1  }
0x99: {  	s4 =	simm.s32 $_scs_section_size  }
0x9a: {  	s5 =	simm.s32 $_size__tile_overlayer_lowered;
	s6 =	simm.s32 $_tile_overlayer_lowered  }
0x9b: {  	s22 =	simm.s32 $0x1BFF;
	s21 =	sshll.u32 s6, $0x1;
	s3 =	sadd.s32 s4, s19  }
0x9c: {  	s7 =	simm.s32 $0x0;
	s20 =	sshll.u32 s5, $0x1;
	s5 =	sadd.s32 s21, s3  }
0x9d: {  	[timem:s7], [sflag:s22] =	dma.local [hbm:s5], s20  }
0x9e: {  	_ =	swait.ge [sflag:s22], s20  }
0x9f: {  	s4 =	ssub.s32 $0x0, s20;
	[sflag:s22] =	ssyncset.done $0x0  }
0xa0: {  	[sflag:s22] =	ssyncadd.s32 s4;
	_ =	sdelay $0x1  }
0xa1: {  	s23 =	simm.s32 $0x1B8B  }
0xa2: {  	_ =	swait.ge [sflag:s23], $0x1  }
0xa3: {  	[sflag:s23] =	ssyncset.done $0x0  }
0xa4: {  	s25 =	simm.s32 $0x1B8E;
	s24 =	sld [smem:$0x3FFE];
	[sflag:s23] =	ssyncadd.s32 $0xFFFFFFFF  }
0xa5: {  	s26 =	simm.s32 $execute0_lowered;
	[smem:$0x3FD2] =	sst s25  }
0xa6: {  	s5 =	sshll.u32 s26, $0x1;
	_ =	strace $0x80000046;
	[dreg:$0x1] =	wrdreg $0xFFFFFFFF  }
0xa7: {  	s28 =	simm.s32 $_size_execute0_lowered;
	s3 =	sadd.s32 s3, s5;
	[dreg:$0x0] =	wrdreg $0x0  }
0xa8: {  	s5 =	sshll.u32 s28, $0x1;
	[dreg:$0x2] =	wrdreg s3  }
0xa9: {  	[dreg:$0x3] =	wrdreg s5  }
0xaa: {  	[dreg:$0x4] =	wrdreg $0xC0  }
0xab: {  	_ =	task [dreg:s7], $0x5FFFF  }
0xac: {  	[dreg:$0x1] =	wrdreg $0xFFFFFFFF  }
0xad: {  	[dreg:$0x0] =	wrdreg $0x60  }
0xae: {  	[dreg:$0x2] =	wrdreg s24  }
0xaf: {  	[dreg:$0x3] =	wrdreg s2  }
0xb0: {  	[dreg:$0x4] =	wrdreg $0x9  }
0xb1: {  	_ =	task.clear_ibuf [dreg:s7], $0x5FFFF;
	_ =	strace $0x90000046  }
0xb2: {  	s29 =	simm.s32 $0x9;
	_ =	strace $0x80000048  }
0xb3: {  	_ =	swait.ge [sflag:s29], $0x1  }
0xb4: {  	[sflag:s29] =	ssyncadd.s32 $0xFFFFFFFF  }
0xb5: {  	_ =	strace $0x90000048  }
0xb6: {  	_ =	sfence  }
0xb7: {  	s30 =	sld [smem:$0x0];
	_ =	sdelay $0x2  }
0xb8: {  	s31 =	sshll.u32 s1, $0xD;
	s1 =	sshrl.u32 s1, $0x2  }
0xb9: {  	s3 =	sand.u32 $0x4000, s31;
	s1 =	sadd.s32 s1, s30  }
0xba: {  	s0 =	sor.u32 s3, s0;
	s1 =	sshll.u32 s1, $0x11  }
0xbb: {  	s0 =	sor.u32 s1, s0  }
0xbc: {  	s0 =	sadd.s32 $0x8F2B, s0  }
0xbd: {  	[sflag:s0] =	ssyncadd.remote.s32 $0x1  }
0xbe: {  	_ =	sfence.sel $0xFFFF  }
0xbf: {  	[dreg:$0x0] =	wrdreg $0xFFFFFFFF;
	(pc) =	sbr.abs _section_cstart, $3  }
0xc0: {  	[dreg:$0x1] =	wrdreg $0xFFFFFFFF  }
0xc1: {  	_ =	task.clear_ibuf [dreg:s7], $0x2FFFF;
	_ =	strace $0x9FFFFFFF  }
0xc2: {  	(tm) =	ssettm $0x7FFFFFFF  }
0xc3: {  	_ =	shalt  }
tec
execute0_lowered:
.L_overlay_start_1:
0x0: {  	(tag) =	ssettag $0x1  }
0x1: {  	s0 =	rddreg [dreg:$0x0]  }
0x2: {  	s2 =	rddreg [dreg:$0x1];
	s3 =	simm.s32 $0x0  }
0x3: {  	s1 =	srdreg.scid;
	s4 =	stileid.u32;
	s7 =	simm.s32 $0x5  }
0x4: {  	s8 =	simm.s32 $0x100;
	s10 =	simm.s32 $0x8800;
	s11 =	simm.s32 $0x1  }
0x5: {  	s12 =	simm.s32 $0x10800;
	s13 =	simm.s32 $0x2;
	s14 =	simm.s32 $0x11800  }
0x6: {  	s15 =	simm.s32 $0x3;
	s16 =	simm.s32 $0x4;
	s17 =	simm.s32 $0x0  }
0x7: {  	[smem:$0x7FF] =	sst s3;
	s1 =	sand.u32 $0x1, s1;
	s4 =	sshll.u32 s4, $0x1  }
0x8: {  	_ =	strace $0x80000047;
	s4 =	sor.u32 s1, s4;
	s1 =	ssub.s32 $0x2, s1  }
0x9: {  	s5 =	sshll.u32 s4, $0x8;
	s4 =	sshll.u32 s4, $0xC;
	s31 =	sshrl.u32 s1, $0x1  }
0xa: {  	s5 =	sadd.s32 s5, s0;
	s0 =	sadd.s32 s4, s0;
	s1 =	ssub.s32 s1, s31  }
0xb: {  	s4 =	sadd.s32 $0x1000, s5;
	s5 =	sadd.s32 $0x3000, s0;
	s6 =	smax.u32 s1, $0x1  }
.LBB2_1:
0xc: {  	[tilespmem:s3], [sflag:$0x5] =	stream.linear.gather [hbm4b:s4+s3], $0x800, $0x38;
	[tilespmem:$0x12800] =	vst v63  }
0xd: {  	_ =	swait.ge [sflag:s7], $0x800  }
0xe: {  	[sflag:s7] =	ssyncset.done $0x0  }
0xf: {  	s0 =	simm.s32 $0x800;
	[sflag:s7] =	ssyncadd.s32 $0xFFFFF800  }
0x10: {  	[tilespmem:s0], [sflag:$0x1] =	stream.indirect.gather [hbm4b:s2+s8], $0x80, s3, s8, $0xb8;
	[tilespmem:$0x12800] =	vst v63  }
0x11: {  	s18 =	simm.s32 $0x0  }
0x12: {  	[tilespmem:s10], [sflag:$0x2] =	stream.indirect.gather [hbm4b:s2+s8], $0x80, s8, s8, $0xb8;
	[tilespmem:$0x12800] =	vst v63  }
.LBB2_2:
0x13: {  	_ =	swait.ge [sflag:s11], $0x8000  }
0x14: {  	p0 =	seq.s32 s18, $0x0;
	[sflag:s11] =	ssyncset.done $0x0  }
0x15: {  	s0 =	simm.s32 @!p0 $0x3;
	[sflag:s11] =	ssyncadd.s32 $0xFFFF8000  }
0x16: {  	_ =	swait.ge @!p0 [sflag:s0], $0x1000  }
0x17: {  	[sflag:s0] =	ssyncset.done @!p0 $0x0  }
0x18: {  	s19 =	sshll.u32 s18, $0xB;
	s20 =	simm.s32 $0x0;
	[sflag:s0] =	ssyncadd.s32 @!p0 $0xFFFFF000  }
.LBB2_3:
0x19: {  	s0 =	sshll.u32 s20, $0xA  }
0x1a: {  	s0 =	sand.u32 $0x3FFFFC00, s0  }
0x1b: {  	v0 =	vld [tilespmem:s0+$0x800]  }
0x1c: {  	v1 =	vld [tilespmem:s0+$0x880]  }
0x1d: {  	v2 =	vld [tilespmem:s0+$0x900]  }
0x1e: {  	v3 =	vld [tilespmem:s0+$0x980]  }
0x1f: {  	v4 =	vld [tilespmem:s0+$0xA00]  }
0x20: {  	v5 =	vld [tilespmem:s0+$0xA80]  }
0x21: {  	v6 =	vld [tilespmem:s0+$0xB00]  }
0x22: {  	v7 =	vld [tilespmem:s0+$0xB80];
	_ =	sdelay $0x3  }
0x23: {  	v0 =	vadd.f32 v1, v0;
	v30 =	vadd.f32 v3, v2  }
0x24: {  	v31 =	vadd.f32 v5, v4;
	v32 =	vadd.f32 v7, v6;
	_ =	sdelay $0x1  }
0x25: {  	v0 =	vadd.f32 v30, v0;
	v33 =	vadd.f32 v32, v31;
	_ =	sdelay $0x1  }
0x26: {  	s1 =	sshll.u32 s20, $0x7;
	v0 =	vadd.f32 v33, v0  }
0x27: {  	s1 =	sand.u32 $0x3FFFFF80, s1  }
0x28: {  	[tilespmem:s1+$0x10800] =	vst v0  }
0x29: {  	v0 =	vld [tilespmem:s0+$0x810]  }
0x2a: {  	v34 =	vld [tilespmem:s0+$0x890]  }
0x2b: {  	v35 =	vld [tilespmem:s0+$0x910]  }
0x2c: {  	v36 =	vld [tilespmem:s0+$0x990]  }
0x2d: {  	v37 =	vld [tilespmem:s0+$0xA10]  }
0x2e: {  	v38 =	vld [tilespmem:s0+$0xA90]  }
0x2f: {  	v39 =	vld [tilespmem:s0+$0xB10]  }
0x30: {  	v40 =	vld [tilespmem:s0+$0xB90];
	_ =	sdelay $0x3  }
0x31: {  	v0 =	vadd.f32 v34, v0;
	v41 =	vadd.f32 v36, v35  }
0x32: {  	v42 =	vadd.f32 v38, v37;
	v43 =	vadd.f32 v40, v39;
	_ =	sdelay $0x1  }
0x33: {  	v0 =	vadd.f32 v41, v0;
	v44 =	vadd.f32 v43, v42;
	_ =	sdelay $0x1  }
0x34: {  	v0 =	vadd.f32 v44, v0;
	_ =	sdelay $0x1  }
0x35: {  	[tilespmem:s1+$0x10810] =	vst v0  }
0x36: {  	v0 =	vld [tilespmem:s0+$0x820]  }
0x37: {  	v45 =	vld [tilespmem:s0+$0x8A0]  }
0x38: {  	v46 =	vld [tilespmem:s0+$0x920]  }
0x39: {  	v47 =	vld [tilespmem:s0+$0x9A0]  }
0x3a: {  	v48 =	vld [tilespmem:s0+$0xA20]  }
0x3b: {  	v49 =	vld [tilespmem:s0+$0xAA0]  }
0x3c: {  	v50 =	vld [tilespmem:s0+$0xB20]  }
0x3d: {  	v51 =	vld [tilespmem:s0+$0xBA0];
	_ =	sdelay $0x3  }
0x3e: {  	v0 =	vadd.f32 v45, v0;
	v52 =	vadd.f32 v47, v46  }
0x3f: {  	v53 =	vadd.f32 v49, v48;
	v54 =	vadd.f32 v51, v50;
	_ =	sdelay $0x1  }
0x40: {  	v0 =	vadd.f32 v52, v0;
	v55 =	vadd.f32 v54, v53;
	_ =	sdelay $0x1  }
0x41: {  	v0 =	vadd.f32 v55, v0;
	_ =	sdelay $0x1  }
0x42: {  	[tilespmem:s1+$0x10820] =	vst v0  }
0x43: {  	v0 =	vld [tilespmem:s0+$0x830]  }
0x44: {  	v56 =	vld [tilespmem:s0+$0x8B0]  }
0x45: {  	v57 =	vld [tilespmem:s0+$0x930]  }
0x46: {  	v58 =	vld [tilespmem:s0+$0x9B0]  }
0x47: {  	v59 =	vld [tilespmem:s0+$0xA30]  }
0x48: {  	v60 =	vld [tilespmem:s0+$0xAB0]  }
0x49: {  	v61 =	vld [tilespmem:s0+$0xB30]  }
0x4a: {  	v62 =	vld [tilespmem:s0+$0xBB0];
	_ =	sdelay $0x3  }
0x4b: {  	v0 =	vadd.f32 v56, v0;
	v63 =	vadd.f32 v58, v57  }
0x4c: {  	v8 =	vadd.f32 v60, v59;
	v9 =	vadd.f32 v62, v61;
	_ =	sdelay $0x1  }
0x4d: {  	v0 =	vadd.f32 v63, v0;
	v10 =	vadd.f32 v9, v8;
	_ =	sdelay $0x1  }
0x4e: {  	v0 =	vadd.f32 v10, v0;
	_ =	sdelay $0x1  }
0x4f: {  	[tilespmem:s1+$0x10830] =	vst v0  }
0x50: {  	v0 =	vld [tilespmem:s0+$0x840]  }
0x51: {  	v11 =	vld [tilespmem:s0+$0x8C0]  }
0x52: {  	v12 =	vld [tilespmem:s0+$0x940]  }
0x53: {  	v13 =	vld [tilespmem:s0+$0x9C0]  }
0x54: {  	v14 =	vld [tilespmem:s0+$0xA40]  }
0x55: {  	v15 =	vld [tilespmem:s0+$0xAC0]  }
0x56: {  	v16 =	vld [tilespmem:s0+$0xB40]  }
0x57: {  	v17 =	vld [tilespmem:s0+$0xBC0];
	_ =	sdelay $0x3  }
0x58: {  	v0 =	vadd.f32 v11, v0;
	v18 =	vadd.f32 v13, v12  }
0x59: {  	v19 =	vadd.f32 v15, v14;
	v20 =	vadd.f32 v17, v16;
	_ =	sdelay $0x1  }
0x5a: {  	v0 =	vadd.f32 v18, v0;
	v21 =	vadd.f32 v20, v19;
	_ =	sdelay $0x1  }
0x5b: {  	v0 =	vadd.f32 v21, v0;
	_ =	sdelay $0x1  }
0x5c: {  	[tilespmem:s1+$0x10840] =	vst v0  }
0x5d: {  	v0 =	vld [tilespmem:s0+$0x850]  }
0x5e: {  	v22 =	vld [tilespmem:s0+$0x8D0]  }
0x5f: {  	v23 =	vld [tilespmem:s0+$0x950]  }
0x60: {  	v24 =	vld [tilespmem:s0+$0x9D0]  }
0x61: {  	v25 =	vld [tilespmem:s0+$0xA50]  }
0x62: {  	v26 =	vld [tilespmem:s0+$0xAD0]  }
0x63: {  	v27 =	vld [tilespmem:s0+$0xB50]  }
0x64: {  	v28 =	vld [tilespmem:s0+$0xBD0];
	_ =	sdelay $0x3  }
0x65: {  	v0 =	vadd.f32 v22, v0;
	v29 =	vadd.f32 v24, v23  }
0x66: {  	v30 =	vadd.f32 v26, v25;
	v31 =	vadd.f32 v28, v27;
	_ =	sdelay $0x1  }
0x67: {  	v0 =	vadd.f32 v29, v0;
	v32 =	vadd.f32 v31, v30;
	_ =	sdelay $0x1  }
0x68: {  	v0 =	vadd.f32 v32, v0;
	_ =	sdelay $0x1  }
0x69: {  	[tilespmem:s1+$0x10850] =	vst v0  }
0x6a: {  	v0 =	vld [tilespmem:s0+$0x860]  }
0x6b: {  	v33 =	vld [tilespmem:s0+$0x8E0]  }
0x6c: {  	v34 =	vld [tilespmem:s0+$0x960]  }
0x6d: {  	v35 =	vld [tilespmem:s0+$0x9E0]  }
0x6e: {  	v36 =	vld [tilespmem:s0+$0xA60]  }
0x6f: {  	v37 =	vld [tilespmem:s0+$0xAE0]  }
0x70: {  	v38 =	vld [tilespmem:s0+$0xB60]  }
0x71: {  	v39 =	vld [tilespmem:s0+$0xBE0];
	_ =	sdelay $0x3  }
0x72: {  	v0 =	vadd.f32 v33, v0;
	v40 =	vadd.f32 v35, v34  }
0x73: {  	v41 =	vadd.f32 v37, v36;
	v42 =	vadd.f32 v39, v38;
	_ =	sdelay $0x1  }
0x74: {  	v0 =	vadd.f32 v40, v0;
	v43 =	vadd.f32 v42, v41;
	_ =	sdelay $0x1  }
0x75: {  	v0 =	vadd.f32 v43, v0;
	_ =	sdelay $0x1  }
0x76: {  	[tilespmem:s1+$0x10860] =	vst v0  }
0x77: {  	v0 =	vld [tilespmem:s0+$0x870]  }
0x78: {  	v44 =	vld [tilespmem:s0+$0x8F0]  }
0x79: {  	v45 =	vld [tilespmem:s0+$0x970]  }
0x7a: {  	v46 =	vld [tilespmem:s0+$0x9F0]  }
0x7b: {  	v47 =	vld [tilespmem:s0+$0xA70]  }
0x7c: {  	v48 =	vld [tilespmem:s0+$0xAF0]  }
0x7d: {  	v49 =	vld [tilespmem:s0+$0xB70]  }
0x7e: {  	v50 =	vld [tilespmem:s0+$0xBF0];
	_ =	sdelay $0x3  }
0x7f: {  	v0 =	vadd.f32 v44, v0;
	v51 =	vadd.f32 v46, v45  }
0x80: {  	s21 =	sor.u32 $0x1, s20;
	v52 =	vadd.f32 v48, v47;
	v53 =	vadd.f32 v50, v49  }
0x81: {  	s29 =	sshll.u32 s21, $0xA  }
0x82: {  	s0 =	sand.u32 $0x3FFFFC00, s29;
	v0 =	vadd.f32 v51, v0;
	v54 =	vadd.f32 v53, v52  }
0x83: {  	v55 =	vld [tilespmem:s0+$0x800]  }
0x84: {  	v56 =	vld [tilespmem:s0+$0x880];
	v0 =	vadd.f32 v54, v0  }
0x85: {  	v57 =	vld [tilespmem:s0+$0x900]  }
0x86: {  	v58 =	vld [tilespmem:s0+$0x980];
	[tilespmem:s1+$0x10870] =	vst v0  }
0x87: {  	v59 =	vld [tilespmem:s0+$0xA00]  }
0x88: {  	v60 =	vld [tilespmem:s0+$0xA80]  }
0x89: {  	v61 =	vld [tilespmem:s0+$0xB00]  }
0x8a: {  	v62 =	vld [tilespmem:s0+$0xB80];
	_ =	sdelay $0x3  }
0x8b: {  	v1 =	vadd.f32 v56, v55;
	v0 =	vadd.f32 v58, v57  }
0x8c: {  	v63 =	vadd.f32 v60, v59;
	v8 =	vadd.f32 v62, v61;
	_ =	sdelay $0x1  }
0x8d: {  	v0 =	vadd.f32 v0, v1;
	v9 =	vadd.f32 v8, v63;
	_ =	sdelay $0x1  }
0x8e: {  	s30 =	sshll.u32 s21, $0x7;
	v0 =	vadd.f32 v9, v0  }
0x8f: {  	s21 =	sand.u32 $0x3FFFFF80, s30  }
0x90: {  	[tilespmem:s21+$0x10800] =	vst v0  }
0x91: {  	v0 =	vld [tilespmem:s0+$0x810]  }
0x92: {  	v10 =	vld [tilespmem:s0+$0x890]  }
0x93: {  	v11 =	vld [tilespmem:s0+$0x910]  }
0x94: {  	v12 =	vld [tilespmem:s0+$0x990]  }
0x95: {  	v13 =	vld [tilespmem:s0+$0xA10]  }
0x96: {  	v14 =	vld [tilespmem:s0+$0xA90]  }
0x97: {  	v15 =	vld [tilespmem:s0+$0xB10]  }
0x98: {  	v16 =	vld [tilespmem:s0+$0xB90];
	_ =	sdelay $0x3  }
0x99: {  	v0 =	vadd.f32 v10, v0;
	v17 =	vadd.f32 v12, v11  }
0x9a: {  	v18 =	vadd.f32 v14, v13;
	v19 =	vadd.f32 v16, v15;
	_ =	sdelay $0x1  }
0x9b: {  	v0 =	vadd.f32 v17, v0;
	v20 =	vadd.f32 v19, v18;
	_ =	sdelay $0x1  }
0x9c: {  	v0 =	vadd.f32 v20, v0;
	_ =	sdelay $0x1  }
0x9d: {  	[tilespmem:s21+$0x10810] =	vst v0  }
0x9e: {  	v0 =	vld [tilespmem:s0+$0x820]  }
0x9f: {  	v21 =	vld [tilespmem:s0+$0x8A0]  }
0xa0: {  	v22 =	vld [tilespmem:s0+$0x920]  }
0xa1: {  	v23 =	vld [tilespmem:s0+$0x9A0]  }
0xa2: {  	v24 =	vld [tilespmem:s0+$0xA20]  }
0xa3: {  	s31 =	sor.u32 $0x2, s20;
	v25 =	vld [tilespmem:s0+$0xAA0]  }
0xa4: {  	s22 =	sshll.u32 s31, $0xA;
	v26 =	vld [tilespmem:s0+$0xB20]  }
0xa5: {  	s25 =	sand.u32 $0x3FFFFC00, s22;
	v27 =	vld [tilespmem:s0+$0xBA0]  }
0xa6: {  	v29 =	vld [tilespmem:s25+$0x980]  }
0xa7: {  	v32 =	vld [tilespmem:s25+$0xA00]  }
0xa8: {  	v33 =	vld [tilespmem:s25+$0xA80]  }
0xa9: {  	v35 =	vld [tilespmem:s25+$0xB00];
	v0 =	vadd.f32 v21, v0;
	v28 =	vadd.f32 v23, v22  }
0xaa: {  	v36 =	vld [tilespmem:s25+$0xB80];
	v30 =	vadd.f32 v25, v24;
	v31 =	vadd.f32 v27, v26  }
0xab: {  	v8 =	vld [tilespmem:s25+$0x800]  }
0xac: {  	v9 =	vld [tilespmem:s25+$0x880];
	v0 =	vadd.f32 v28, v0;
	v34 =	vadd.f32 v31, v30  }
0xad: {  	v10 =	vld [tilespmem:s25+$0x900]  }
0xae: {  	v0 =	vadd.f32 v34, v0;
	_ =	sdelay $0x1  }
0xaf: {  	[tilespmem:s21+$0x10820] =	vst v0  }
0xb0: {  	v5 =	vadd.f32 v33, v32;
	v3 =	vadd.f32 v36, v35;
	v0 =	vld [tilespmem:s0+$0x830]  }
0xb1: {  	v37 =	vadd.f32 v9, v8;
	v2 =	vadd.f32 v29, v10;
	v38 =	vld [tilespmem:s0+$0x8B0]  }
0xb2: {  	v39 =	vld [tilespmem:s0+$0x930]  }
0xb3: {  	v41 =	vadd.f32 v3, v5;
	v1 =	vadd.f32 v2, v37;
	v40 =	vld [tilespmem:s0+$0x9B0]  }
0xb4: {  	v42 =	vld [tilespmem:s0+$0xA30]  }
0xb5: {  	s1 =	sshll.u32 s31, $0x7;
	v1 =	vadd.f32 v41, v1;
	v43 =	vld [tilespmem:s0+$0xAB0]  }
0xb6: {  	s22 =	sand.u32 $0x3FFFFF80, s1;
	v44 =	vld [tilespmem:s0+$0xB30]  }
0xb7: {  	[tilespmem:s22+$0x10800] =	vst v1;
	v45 =	vld [tilespmem:s0+$0xBB0]  }
0xb8: {  	v1 =	vld [tilespmem:s25+$0x810]  }
0xb9: {  	v46 =	vld [tilespmem:s25+$0x890]  }
0xba: {  	v47 =	vld [tilespmem:s25+$0x910]  }
0xbb: {  	v48 =	vld [tilespmem:s25+$0x990];
	v0 =	vadd.f32 v38, v0;
	v4 =	vadd.f32 v40, v39  }
0xbc: {  	v49 =	vld [tilespmem:s25+$0xA10];
	v3 =	vadd.f32 v43, v42;
	v2 =	vadd.f32 v45, v44  }
0xbd: {  	v50 =	vld [tilespmem:s25+$0xA90]  }
0xbe: {  	v51 =	vld [tilespmem:s25+$0xB10];
	v0 =	vadd.f32 v4, v0;
	v2 =	vadd.f32 v2, v3  }
0xbf: {  	v52 =	vld [tilespmem:s25+$0xB90]  }
0xc0: {  	v0 =	vadd.f32 v2, v0;
	_ =	sdelay $0x1  }
0xc1: {  	[tilespmem:s21+$0x10830] =	vst v0  }
0xc2: {  	v1 =	vadd.f32 v46, v1;
	v53 =	vadd.f32 v48, v47;
	v0 =	vld [tilespmem:s0+$0x840]  }
0xc3: {  	v5 =	vadd.f32 v50, v49;
	v3 =	vadd.f32 v52, v51;
	v54 =	vld [tilespmem:s0+$0x8C0]  }
0xc4: {  	v55 =	vld [tilespmem:s0+$0x940]  }
0xc5: {  	v1 =	vadd.f32 v53, v1;
	v57 =	vadd.f32 v3, v5;
	v56 =	vld [tilespmem:s0+$0x9C0]  }
0xc6: {  	v58 =	vld [tilespmem:s0+$0xA40]  }
0xc7: {  	v1 =	vadd.f32 v57, v1;
	v59 =	vld [tilespmem:s0+$0xAC0]  }
0xc8: {  	v60 =	vld [tilespmem:s0+$0xB40]  }
0xc9: {  	v61 =	vld [tilespmem:s0+$0xBC0];
	[tilespmem:s22+$0x10810] =	vst v1  }
0xca: {  	v1 =	vld [tilespmem:s25+$0x820]  }
0xcb: {  	v62 =	vld [tilespmem:s25+$0x8A0]  }
0xcc: {  	v63 =	vld [tilespmem:s25+$0x920]  }
0xcd: {  	v11 =	vld [tilespmem:s25+$0x9A0]  }
0xce: {  	v12 =	vld [tilespmem:s25+$0xA20];
	v0 =	vadd.f32 v54, v0;
	v4 =	vadd.f32 v56, v55  }
0xcf: {  	v13 =	vld [tilespmem:s25+$0xAA0];
	v3 =	vadd.f32 v59, v58;
	v2 =	vadd.f32 v61, v60  }
0xd0: {  	v14 =	vld [tilespmem:s25+$0xB20]  }
0xd1: {  	v15 =	vld [tilespmem:s25+$0xBA0];
	v0 =	vadd.f32 v4, v0;
	v2 =	vadd.f32 v2, v3;
	_ =	sdelay $0x1  }
0xd2: {  	v0 =	vadd.f32 v2, v0;
	_ =	sdelay $0x1  }
0xd3: {  	v1 =	vadd.f32 v62, v1;
	v16 =	vadd.f32 v11, v63;
	[tilespmem:s21+$0x10840] =	vst v0  }
0xd4: {  	v5 =	vadd.f32 v13, v12;
	v3 =	vadd.f32 v15, v14;
	v0 =	vld [tilespmem:s0+$0x850]  }
0xd5: {  	v17 =	vld [tilespmem:s0+$0x8D0]  }
0xd6: {  	v1 =	vadd.f32 v16, v1;
	v20 =	vadd.f32 v3, v5;
	v18 =	vld [tilespmem:s0+$0x950]  }
0xd7: {  	v19 =	vld [tilespmem:s0+$0x9D0]  }
0xd8: {  	v1 =	vadd.f32 v20, v1;
	v21 =	vld [tilespmem:s0+$0xA50]  }
0xd9: {  	v22 =	vld [tilespmem:s0+$0xAD0]  }
0xda: {  	v23 =	vld [tilespmem:s0+$0xB50];
	[tilespmem:s22+$0x10820] =	vst v1  }
0xdb: {  	v1 =	vld [tilespmem:s25+$0x830]  }
0xdc: {  	v25 =	vld [tilespmem:s25+$0x8B0]  }
0xdd: {  	v26 =	vld [tilespmem:s25+$0x930]  }
0xde: {  	v11 =	vld [tilespmem:s25+$0x9B0]  }
0xdf: {  	v12 =	vld [tilespmem:s25+$0xA30]  }
0xe0: {  	v13 =	vld [tilespmem:s25+$0xAB0]  }
0xe1: {  	s9 =	sor.u32 $0x3, s20;
	v14 =	vld [tilespmem:s25+$0xB30]  }
0xe2: {  	s23 =	sshll.u32 s9, $0xA;
	v27 =	vld [tilespmem:s25+$0xBB0]  }
0xe3: {  	s29 =	sand.u32 $0x3FFFFC00, s23;
	v24 =	vld [tilespmem:s0+$0xBD0]  }
0xe4: {  	v41 =	vld [tilespmem:s29+$0x880]  }
0xe5: {  	v47 =	vld [tilespmem:s29+$0xA00];
	v0 =	vadd.f32 v17, v0;
	v4 =	vadd.f32 v19, v18  }
0xe6: {  	v50 =	vld [tilespmem:s29+$0xB00];
	v1 =	vadd.f32 v25, v1;
	v28 =	vadd.f32 v11, v26  }
0xe7: {  	v51 =	vld [tilespmem:s29+$0xB80];
	v29 =	vadd.f32 v13, v12;
	v30 =	vadd.f32 v27, v14  }
0xe8: {  	v48 =	vld [tilespmem:s29+$0xA80];
	v3 =	vadd.f32 v22, v21;
	v2 =	vadd.f32 v24, v23  }
0xe9: {  	s24 =	sor.u32 $0x4, s20;
	v40 =	vld [tilespmem:s29+$0x800];
	v1 =	vadd.f32 v28, v1;
	v31 =	vadd.f32 v30, v29  }
0xea: {  	s28 =	sshll.u32 s24, $0xA;
	v42 =	vld [tilespmem:s29+$0x900];
	v0 =	vadd.f32 v4, v0;
	v2 =	vadd.f32 v2, v3  }
0xeb: {  	s26 =	sand.u32 $0x3FFFFC00, s28;
	v44 =	vld [tilespmem:s29+$0x980];
	v32 =	vadd.f32 v31, v1  }
0xec: {  	v5 =	vadd.f32 v51, v50;
	v51 =	vld [tilespmem:s26+$0x800];
	v0 =	vadd.f32 v2, v0  }
0xed: {  	v18 =	vld [tilespmem:s26+$0x880];
	[tilespmem:s22+$0x10830] =	vst v32  }
0xee: {  	[tilespmem:s21+$0x10850] =	vst v0;
	v0 =	vld [tilespmem:s25+$0x840]  }
0xef: {  	v33 =	vld [tilespmem:s25+$0x8C0]  }
0xf0: {  	v34 =	vld [tilespmem:s25+$0x940]  }
0xf1: {  	v35 =	vld [tilespmem:s25+$0x9C0]  }
0xf2: {  	v36 =	vld [tilespmem:s25+$0xA40]  }
0xf3: {  	v7 =	vadd.f32 v48, v47;
	v37 =	vld [tilespmem:s25+$0xAC0]  }
0xf4: {  	v10 =	vadd.f32 v41, v40;
	v4 =	vadd.f32 v44, v42;
	v38 =	vld [tilespmem:s25+$0xB40]  }
0xf5: {  	v39 =	vld [tilespmem:s25+$0xBC0]  }
0xf6: {  	v5 =	vadd.f32 v5, v7;
	v19 =	vld [tilespmem:s26+$0x900];
	v4 =	vadd.f32 v4, v10  }
0xf7: {  	v1 =	vld [tilespmem:s0+$0x860]  }
0xf8: {  	s1 =	sshll.u32 s9, $0x7;
	v4 =	vadd.f32 v5, v4;
	v2 =	vld [tilespmem:s0+$0x8E0]  }
0xf9: {  	s23 =	sand.u32 $0x3FFFFF80, s1;
	v52 =	vld [tilespmem:s0+$0x960];
	v0 =	vadd.f32 v33, v0;
	v43 =	vadd.f32 v35, v34  }
0xfa: {  	v53 =	vld [tilespmem:s0+$0x9E0];
	[tilespmem:s23+$0x10800] =	vst v4;
	v45 =	vadd.f32 v37, v36;
	v46 =	vadd.f32 v39, v38  }
0xfb: {  	v4 =	vld [tilespmem:s29+$0x810]  }
0xfc: {  	v62 =	vld [tilespmem:s29+$0x890];
	v0 =	vadd.f32 v43, v0;
	v49 =	vadd.f32 v46, v45  }
0xfd: {  	v15 =	vld [tilespmem:s29+$0x910]  }
0xfe: {  	v63 =	vld [tilespmem:s29+$0x990];
	v0 =	vadd.f32 v49, v0  }
0xff: {  	v20 =	vld [tilespmem:s29+$0xA10]  }
0x100: {  	v21 =	vld [tilespmem:s29+$0xA90];
	[tilespmem:s22+$0x10840] =	vst v0  }
0x101: {  	v0 =	vld [tilespmem:s25+$0x850]  }
0x102: {  	v55 =	vld [tilespmem:s25+$0x8D0]  }
0x103: {  	v56 =	vld [tilespmem:s25+$0x950]  }
0x104: {  	v57 =	vld [tilespmem:s25+$0x9D0]  }
0x105: {  	v22 =	vld [tilespmem:s29+$0xB10]  }
0x106: {  	v23 =	vld [tilespmem:s29+$0xB90]  }
0x107: {  	v54 =	vld [tilespmem:s0+$0xA60]  }
0x108: {  	v24 =	vld [tilespmem:s0+$0xAE0];
	v4 =	vadd.f32 v62, v4;
	v8 =	vadd.f32 v63, v15  }
0x109: {  	v25 =	vld [tilespmem:s0+$0xB60];
	v0 =	vadd.f32 v55, v0;
	v6 =	vadd.f32 v57, v56  }
0x10a: {  	v16 =	vld [tilespmem:s0+$0xBE0];
	v10 =	vadd.f32 v21, v20;
	v33 =	vadd.f32 v53, v52  }
0x10b: {  	v53 =	vld [tilespmem:s26+$0x980];
	v0 =	vadd.f32 v6, v0;
	v6 =	vadd.f32 v23, v22  }
0x10c: {  	v58 =	vld [tilespmem:s25+$0xA50]  }
0x10d: {  	v4 =	vadd.f32 v8, v4;
	v59 =	vld [tilespmem:s25+$0xAD0];
	v6 =	vadd.f32 v6, v10  }
0x10e: {  	v60 =	vld [tilespmem:s25+$0xB50]  }
0x10f: {  	v61 =	vld [tilespmem:s25+$0xBD0];
	v4 =	vadd.f32 v6, v4  }
0x110: {  	v56 =	vld [tilespmem:s26+$0xA00]  }
0x111: {  	v57 =	vld [tilespmem:s26+$0xA80];
	[tilespmem:s23+$0x10810] =	vst v4  }
0x112: {  	v4 =	vld [tilespmem:s29+$0x820]  }
0x113: {  	v17 =	vld [tilespmem:s29+$0x8A0]  }
0x114: {  	v34 =	vld [tilespmem:s29+$0x920]  }
0x115: {  	v7 =	vadd.f32 v59, v58;
	v5 =	vadd.f32 v61, v60;
	v36 =	vld [tilespmem:s29+$0x9A0]  }
0x116: {  	v37 =	vld [tilespmem:s29+$0xA20]  }
0x117: {  	v5 =	vadd.f32 v5, v7;
	v39 =	vld [tilespmem:s29+$0xAA0]  }
0x118: {  	v40 =	vld [tilespmem:s29+$0xB20]  }
0x119: {  	v0 =	vadd.f32 v5, v0;
	v41 =	vld [tilespmem:s29+$0xBA0]  }
0x11a: {  	v35 =	vadd.f32 v24, v54;
	v59 =	vld [tilespmem:s26+$0xB00];
	v5 =	vadd.f32 v16, v25  }
0x11b: {  	v60 =	vld [tilespmem:s26+$0xB80];
	[tilespmem:s22+$0x10850] =	vst v0  }
0x11c: {  	v1 =	vadd.f32 v2, v1;
	v38 =	vadd.f32 v5, v35;
	v0 =	vld [tilespmem:s25+$0x860]  }
0x11d: {  	v26 =	vld [tilespmem:s25+$0x8E0];
	v42 =	vadd.f32 v17, v4;
	v12 =	vadd.f32 v36, v34  }
0x11e: {  	v27 =	vld [tilespmem:s25+$0x960];
	v5 =	vadd.f32 v39, v37;
	v9 =	vadd.f32 v41, v40  }
0x11f: {  	v1 =	vadd.f32 v33, v1;
	v28 =	vld [tilespmem:s25+$0x9E0]  }
0x120: {  	v29 =	vld [tilespmem:s25+$0xA60];
	v43 =	vadd.f32 v12, v42;
	v9 =	vadd.f32 v9, v5  }
0x121: {  	v30 =	vld [tilespmem:s25+$0xAE0];
	v1 =	vadd.f32 v38, v1  }
0x122: {  	v31 =	vld [tilespmem:s25+$0xB60];
	v9 =	vadd.f32 v9, v43  }
0x123: {  	v32 =	vld [tilespmem:s25+$0xBE0];
	[tilespmem:s21+$0x10860] =	vst v1  }
0x124: {  	v1 =	vld [tilespmem:s0+$0x870];
	[tilespmem:s23+$0x10820] =	vst v9  }
0x125: {  	v9 =	vld [tilespmem:s29+$0x830]  }
0x126: {  	v44 =	vld [tilespmem:s29+$0x8B0]  }
0x127: {  	v45 =	vld [tilespmem:s29+$0x930]  }
0x128: {  	v46 =	vld [tilespmem:s29+$0x9B0]  }
0x129: {  	v47 =	vld [tilespmem:s29+$0xA30]  }
0x12a: {  	v48 =	vld [tilespmem:s29+$0xAB0]  }
0x12b: {  	v49 =	vld [tilespmem:s29+$0xB30]  }
0x12c: {  	v0 =	vadd.f32 v26, v0;
	v11 =	vadd.f32 v28, v27;
	v50 =	vld [tilespmem:s29+$0xBB0]  }
0x12d: {  	v2 =	vld [tilespmem:s0+$0x8F0];
	v8 =	vadd.f32 v30, v29;
	v6 =	vadd.f32 v32, v31  }
0x12e: {  	v7 =	vld [tilespmem:s0+$0x9F0]  }
0x12f: {  	s30 =	sor.u32 $0x5, s20;
	v3 =	vld [tilespmem:s0+$0xA70];
	v0 =	vadd.f32 v11, v0;
	v6 =	vadd.f32 v6, v8  }
0x130: {  	s31 =	sshll.u32 s30, $0xA;
	v4 =	vld [tilespmem:s0+$0x970];
	v9 =	vadd.f32 v44, v9;
	v52 =	vadd.f32 v46, v45  }
0x131: {  	s28 =	sand.u32 $0x3FFFFC00, s31;
	v8 =	vld [tilespmem:s0+$0xBF0];
	v54 =	vadd.f32 v48, v47;
	v55 =	vadd.f32 v50, v49  }
0x132: {  	v17 =	vadd.f32 v18, v51;
	v51 =	vld [tilespmem:s28+$0xB00];
	v0 =	vadd.f32 v6, v0  }
0x133: {  	v5 =	vld [tilespmem:s0+$0xAF0];
	v9 =	vadd.f32 v52, v9;
	v58 =	vadd.f32 v55, v54  }
0x134: {  	v6 =	vld [tilespmem:s0+$0xB70]  }
0x135: {  	[tilespmem:s22+$0x10860] =	vst v0;
	v43 =	vld [tilespmem:s28+$0x800];
	v20 =	vadd.f32 v58, v9  }
0x136: {  	v0 =	vld [tilespmem:s25+$0x870]  }
0x137: {  	v11 =	vld [tilespmem:s25+$0x8F0];
	[tilespmem:s23+$0x10830] =	vst v20  }
0x138: {  	v14 =	vadd.f32 v57, v56;
	v20 =	vld [tilespmem:s29+$0x840]  }
0x139: {  	v13 =	vadd.f32 v60, v59;
	v12 =	vadd.f32 v53, v19;
	v61 =	vld [tilespmem:s29+$0x8C0]  }
0x13a: {  	v62 =	vld [tilespmem:s29+$0x940]  }
0x13b: {  	v13 =	vadd.f32 v13, v14;
	v12 =	vadd.f32 v12, v17;
	v63 =	vld [tilespmem:s29+$0x9C0]  }
0x13c: {  	v24 =	vld [tilespmem:s29+$0xA40]  }
0x13d: {  	s0 =	sshll.u32 s24, $0x7;
	v12 =	vadd.f32 v13, v12;
	v25 =	vld [tilespmem:s29+$0xAC0]  }
0x13e: {  	s24 =	sand.u32 $0x3FFFFF80, s0;
	v26 =	vld [tilespmem:s29+$0xB40]  }
0x13f: {  	[tilespmem:s24+$0x10800] =	vst v12;
	v27 =	vld [tilespmem:s29+$0xBC0]  }
0x140: {  	v21 =	vld [tilespmem:s26+$0x810]  }
0x141: {  	v22 =	vld [tilespmem:s26+$0x890]  }
0x142: {  	v23 =	vld [tilespmem:s26+$0x910]  }
0x143: {  	v29 =	vld [tilespmem:s26+$0x990];
	v28 =	vadd.f32 v61, v20;
	v15 =	vadd.f32 v63, v62  }
0x144: {  	v30 =	vld [tilespmem:s26+$0xA10];
	v14 =	vadd.f32 v25, v24;
	v13 =	vadd.f32 v27, v26  }
0x145: {  	v31 =	vld [tilespmem:s26+$0xA90]  }
0x146: {  	v32 =	vld [tilespmem:s26+$0xB10];
	v12 =	vadd.f32 v15, v28;
	v14 =	vadd.f32 v13, v14  }
0x147: {  	v33 =	vld [tilespmem:s26+$0xB90]  }
0x148: {  	v10 =	vld [tilespmem:s25+$0x9F0];
	v34 =	vadd.f32 v14, v12  }
0x149: {  	v44 =	vld [tilespmem:s28+$0x880]  }
0x14a: {  	v45 =	vld [tilespmem:s28+$0x900];
	[tilespmem:s23+$0x10840] =	vst v34  }
0x14b: {  	v21 =	vadd.f32 v22, v21;
	v16 =	vadd.f32 v29, v23;
	v20 =	vld [tilespmem:s29+$0x850]  }
0x14c: {  	v17 =	vadd.f32 v31, v30;
	v15 =	vadd.f32 v33, v32;
	v35 =	vld [tilespmem:s29+$0x8D0]  }
0x14d: {  	v36 =	vld [tilespmem:s29+$0x950]  }
0x14e: {  	v16 =	vadd.f32 v16, v21;
	v15 =	vadd.f32 v15, v17;
	v37 =	vld [tilespmem:s29+$0x9D0]  }
0x14f: {  	v38 =	vld [tilespmem:s29+$0xA50]  }
0x150: {  	v15 =	vadd.f32 v15, v16;
	v39 =	vld [tilespmem:s29+$0xAD0]  }
0x151: {  	v40 =	vld [tilespmem:s29+$0xB50]  }
0x152: {  	v41 =	vld [tilespmem:s29+$0xBD0];
	[tilespmem:s24+$0x10810] =	vst v15  }
0x153: {  	v15 =	vld [tilespmem:s26+$0x820]  }
0x154: {  	v24 =	vld [tilespmem:s26+$0x8A0]  }
0x155: {  	v25 =	vld [tilespmem:s26+$0x920]  }
0x156: {  	v26 =	vld [tilespmem:s26+$0x9A0]  }
0x157: {  	v27 =	vld [tilespmem:s26+$0xA20]  }
0x158: {  	v28 =	vld [tilespmem:s26+$0xAA0]  }
0x159: {  	v29 =	vld [tilespmem:s26+$0xB20]  }
0x15a: {  	v42 =	vld [tilespmem:s26+$0xBA0];
	v20 =	vadd.f32 v35, v20;
	v18 =	vadd.f32 v37, v36  }
0x15b: {  	v47 =	vld [tilespmem:s28+$0x980];
	v17 =	vadd.f32 v39, v38;
	v16 =	vadd.f32 v41, v40  }
0x15c: {  	v49 =	vld [tilespmem:s28+$0xA00]  }
0x15d: {  	v50 =	vld [tilespmem:s28+$0xA80];
	v18 =	vadd.f32 v18, v20;
	v16 =	vadd.f32 v16, v17  }
0x15e: {  	v52 =	vld [tilespmem:s28+$0xB80];
	v15 =	vadd.f32 v24, v15;
	v46 =	vadd.f32 v26, v25  }
0x15f: {  	v9 =	vld [tilespmem:s25+$0x970];
	v48 =	vadd.f32 v28, v27;
	v19 =	vadd.f32 v42, v29  }
0x160: {  	v13 =	vld [tilespmem:s25+$0xA70];
	v16 =	vadd.f32 v16, v18  }
0x161: {  	v14 =	vld [tilespmem:s25+$0xAF0];
	v20 =	vadd.f32 v46, v15;
	v19 =	vadd.f32 v19, v48  }
0x162: {  	v12 =	vld [tilespmem:s25+$0xB70]  }
0x163: {  	v15 =	vld [tilespmem:s25+$0xBF0];
	[tilespmem:s23+$0x10850] =	vst v16;
	v53 =	vadd.f32 v19, v20  }
0x164: {  	v19 =	vld [tilespmem:s29+$0x860]  }
0x165: {  	v20 =	vld [tilespmem:s29+$0x8E0];
	[tilespmem:s24+$0x10820] =	vst v53  }
0x166: {  	v21 =	vadd.f32 v44, v43;
	v55 =	vadd.f32 v52, v51;
	v16 =	vld [tilespmem:s26+$0x830]  }
0x167: {  	v17 =	vadd.f32 v47, v45;
	v18 =	vadd.f32 v50, v49;
	v54 =	vld [tilespmem:s26+$0x8B0]  }
0x168: {  	v56 =	vld [tilespmem:s26+$0x930]  }
0x169: {  	v17 =	vadd.f32 v17, v21;
	v18 =	vadd.f32 v55, v18;
	v57 =	vld [tilespmem:s26+$0x9B0]  }
0x16a: {  	v58 =	vld [tilespmem:s26+$0xA30]  }
0x16b: {  	s0 =	sshll.u32 s30, $0x7;
	v17 =	vadd.f32 v18, v17;
	v59 =	vld [tilespmem:s26+$0xAB0]  }
0x16c: {  	s25 =	sand.u32 $0x3FFFFF80, s0;
	v60 =	vld [tilespmem:s26+$0xB30]  }
0x16d: {  	v61 =	vld [tilespmem:s26+$0xBB0];
	[tilespmem:s25+$0x10800] =	vst v17  }
0x16e: {  	v17 =	vld [tilespmem:s28+$0x810]  }
0x16f: {  	v62 =	vld [tilespmem:s28+$0x890]  }
0x170: {  	v63 =	vld [tilespmem:s28+$0x910]  }
0x171: {  	v32 =	vld [tilespmem:s28+$0x990];
	v16 =	vadd.f32 v54, v16;
	v31 =	vadd.f32 v57, v56  }
0x172: {  	v33 =	vld [tilespmem:s28+$0xA10];
	v21 =	vadd.f32 v59, v58;
	v18 =	vadd.f32 v61, v60  }
0x173: {  	v34 =	vld [tilespmem:s28+$0xA90]  }
0x174: {  	v35 =	vld [tilespmem:s28+$0xB10];
	v16 =	vadd.f32 v31, v16;
	v18 =	vadd.f32 v18, v21  }
0x175: {  	v36 =	vld [tilespmem:s28+$0xB90]  }
0x176: {  	v37 =	vld [tilespmem:s29+$0x960];
	v16 =	vadd.f32 v18, v16  }
0x177: {  	v38 =	vld [tilespmem:s29+$0x9E0]  }
0x178: {  	v39 =	vld [tilespmem:s29+$0xA60];
	[tilespmem:s24+$0x10830] =	vst v16  }
0x179: {  	v17 =	vadd.f32 v62, v17;
	v24 =	vadd.f32 v32, v63;
	v16 =	vld [tilespmem:s26+$0x840]  }
0x17a: {  	v23 =	vadd.f32 v34, v33;
	v21 =	vadd.f32 v36, v35;
	v40 =	vld [tilespmem:s26+$0x8C0]  }
0x17b: {  	v41 =	vld [tilespmem:s26+$0x940]  }
0x17c: {  	v17 =	vadd.f32 v24, v17;
	v21 =	vadd.f32 v21, v23;
	v42 =	vld [tilespmem:s26+$0x9C0]  }
0x17d: {  	v43 =	vld [tilespmem:s26+$0xA40]  }
0x17e: {  	v17 =	vadd.f32 v21, v17;
	v44 =	vld [tilespmem:s26+$0xAC0]  }
0x17f: {  	v45 =	vld [tilespmem:s26+$0xB40]  }
0x180: {  	v46 =	vld [tilespmem:s26+$0xBC0];
	[tilespmem:s25+$0x10810] =	vst v17  }
0x181: {  	v17 =	vld [tilespmem:s28+$0x820]  }
0x182: {  	v30 =	vld [tilespmem:s28+$0x8A0]  }
0x183: {  	v31 =	vld [tilespmem:s28+$0x920]  }
0x184: {  	v47 =	vld [tilespmem:s28+$0x9A0];
	v16 =	vadd.f32 v40, v16;
	v22 =	vadd.f32 v42, v41  }
0x185: {  	v48 =	vld [tilespmem:s28+$0xA20];
	v23 =	vadd.f32 v44, v43;
	v21 =	vadd.f32 v46, v45  }
0x186: {  	v49 =	vld [tilespmem:s28+$0xAA0]  }
0x187: {  	v50 =	vld [tilespmem:s28+$0xB20];
	v16 =	vadd.f32 v22, v16;
	v21 =	vadd.f32 v21, v23  }
0x188: {  	v51 =	vld [tilespmem:s28+$0xBA0]  }
0x189: {  	v52 =	vld [tilespmem:s29+$0xAE0];
	v16 =	vadd.f32 v21, v16  }
0x18a: {  	v53 =	vld [tilespmem:s29+$0xB60]  }
0x18b: {  	v32 =	vld [tilespmem:s29+$0xBE0];
	[tilespmem:s24+$0x10840] =	vst v16  }
0x18c: {  	v17 =	vadd.f32 v30, v17;
	v25 =	vadd.f32 v47, v31;
	v16 =	vld [tilespmem:s26+$0x850]  }
0x18d: {  	v24 =	vadd.f32 v49, v48;
	v22 =	vadd.f32 v51, v50;
	v54 =	vld [tilespmem:s26+$0x8D0]  }
0x18e: {  	v55 =	vld [tilespmem:s26+$0x950]  }
0x18f: {  	v17 =	vadd.f32 v25, v17;
	v22 =	vadd.f32 v22, v24;
	v56 =	vld [tilespmem:s26+$0x9D0]  }
0x190: {  	v57 =	vld [tilespmem:s26+$0xA50]  }
0x191: {  	v17 =	vadd.f32 v22, v17;
	v58 =	vld [tilespmem:s26+$0xAD0]  }
0x192: {  	v59 =	vld [tilespmem:s26+$0xB50]  }
0x193: {  	v60 =	vld [tilespmem:s26+$0xBD0];
	[tilespmem:s25+$0x10820] =	vst v17  }
0x194: {  	v62 =	vld [tilespmem:s28+$0x830]  }
0x195: {  	v63 =	vld [tilespmem:s28+$0x8B0]  }
0x196: {  	v29 =	vld [tilespmem:s28+$0x930]  }
0x197: {  	v19 =	vadd.f32 v20, v19;
	v61 =	vadd.f32 v52, v39;
	v31 =	vld [tilespmem:s28+$0x9B0]  }
0x198: {  	v18 =	vadd.f32 v38, v37;
	v21 =	vadd.f32 v32, v53;
	v32 =	vld [tilespmem:s28+$0xA30]  }
0x199: {  	s31 =	sor.u32 $0x7, s20;
	v33 =	vld [tilespmem:s28+$0xAB0]  }
0x19a: {  	s30 =	sshll.u32 s31, $0xA;
	v18 =	vadd.f32 v18, v19;
	v17 =	vadd.f32 v21, v61;
	v35 =	vld [tilespmem:s28+$0xB30]  }
0x19b: {  	s30 =	sand.u32 $0x3FFFFC00, s30;
	v36 =	vld [tilespmem:s28+$0xBB0]  }
0x19c: {  	v17 =	vadd.f32 v17, v18;
	v30 =	vadd.f32 v56, v55;
	v56 =	vld [tilespmem:s30+$0x980]  }
0x19d: {  	v20 =	vadd.f32 v60, v59;
	v59 =	vld [tilespmem:s30+$0xA00]  }
0x19e: {  	[tilespmem:s23+$0x10860] =	vst v17;
	v60 =	vld [tilespmem:s30+$0xA80]  }
0x19f: {  	v16 =	vadd.f32 v54, v16;
	v24 =	vadd.f32 v58, v57;
	v18 =	vld [tilespmem:s29+$0x8F0]  }
0x1a0: {  	v17 =	vld [tilespmem:s29+$0x970]  }
0x1a1: {  	v28 =	vld [tilespmem:s29+$0xBF0];
	v34 =	vadd.f32 v30, v16;
	v20 =	vadd.f32 v20, v24  }
0x1a2: {  	v16 =	vld [tilespmem:s29+$0x870]  }
0x1a3: {  	v24 =	vld [tilespmem:s29+$0xB70];
	v20 =	vadd.f32 v20, v34  }
0x1a4: {  	v26 =	vadd.f32 v63, v62;
	v62 =	vld [tilespmem:s30+$0xB00]  }
0x1a5: {  	v63 =	vld [tilespmem:s30+$0xB80];
	[tilespmem:s24+$0x10850] =	vst v20  }
0x1a6: {  	v20 =	vld [tilespmem:s26+$0x860]  }
0x1a7: {  	v19 =	vadd.f32 v31, v29;
	v37 =	vld [tilespmem:s26+$0x8E0]  }
0x1a8: {  	v22 =	vadd.f32 v33, v32;
	v21 =	vadd.f32 v36, v35;
	v38 =	vld [tilespmem:s26+$0x960]  }
0x1a9: {  	v39 =	vld [tilespmem:s26+$0x9E0]  }
0x1aa: {  	v19 =	vadd.f32 v19, v26;
	v21 =	vadd.f32 v21, v22;
	v40 =	vld [tilespmem:s26+$0xA60]  }
0x1ab: {  	v41 =	vld [tilespmem:s26+$0xAE0]  }
0x1ac: {  	v19 =	vadd.f32 v21, v19;
	v42 =	vld [tilespmem:s26+$0xB60]  }
0x1ad: {  	v43 =	vld [tilespmem:s26+$0xBE0]  }
0x1ae: {  	[tilespmem:s25+$0x10830] =	vst v19;
	v19 =	vld [tilespmem:s29+$0x9F0]  }
0x1af: {  	v44 =	vld [tilespmem:s28+$0x840]  }
0x1b0: {  	v45 =	vld [tilespmem:s28+$0x8C0]  }
0x1b1: {  	v46 =	vld [tilespmem:s28+$0x940]  }
0x1b2: {  	v47 =	vld [tilespmem:s28+$0x9C0]  }
0x1b3: {  	v48 =	vld [tilespmem:s28+$0xA40]  }
0x1b4: {  	v50 =	vld [tilespmem:s28+$0xAC0]  }
0x1b5: {  	v51 =	vld [tilespmem:s28+$0xB40]  }
0x1b6: {  	v52 =	vld [tilespmem:s28+$0xBC0];
	v20 =	vadd.f32 v37, v20;
	v49 =	vadd.f32 v39, v38  }
0x1b7: {  	v22 =	vadd.f32 v41, v40;
	v21 =	vadd.f32 v43, v42;
	v43 =	vld [tilespmem:s30+$0x800]  }
0x1b8: {  	v23 =	vadd.f32 v49, v20;
	v20 =	vld [tilespmem:s29+$0xA70]  }
0x1b9: {  	s9 =	sor.u32 $0x6, s20;
	v21 =	vadd.f32 v21, v22;
	v22 =	vld [tilespmem:s29+$0xAF0]  }
0x1ba: {  	v29 =	vadd.f32 v45, v44;
	s29 =	sshll.u32 s9, $0xA;
	v44 =	vld [tilespmem:s30+$0x880]  }
0x1bb: {  	v45 =	vld [tilespmem:s30+$0x900];
	s0 =	sand.u32 $0x3FFFFC00, s29  }
0x1bc: {  	v35 =	vld [tilespmem:s0+$0x800]  }
0x1bd: {  	v36 =	vld [tilespmem:s0+$0x880]  }
0x1be: {  	v37 =	vld [tilespmem:s0+$0x900]  }
0x1bf: {  	v38 =	vld [tilespmem:s0+$0x980]  }
0x1c0: {  	v39 =	vld [tilespmem:s0+$0xA00]  }
0x1c1: {  	v21 =	vadd.f32 v21, v23;
	v40 =	vld [tilespmem:s0+$0xA80]  }
0x1c2: {  	v30 =	vadd.f32 v47, v46;
	v41 =	vld [tilespmem:s0+$0xB00]  }
0x1c3: {  	v25 =	vadd.f32 v50, v48;
	v26 =	vadd.f32 v52, v51;
	v42 =	vld [tilespmem:s0+$0xB80];
	[tilespmem:s24+$0x10860] =	vst v21  }
0x1c4: {  	v21 =	vld [tilespmem:s26+$0x870]  }
0x1c5: {  	v53 =	vadd.f32 v30, v29;
	v54 =	vadd.f32 v26, v25;
	v23 =	vld [tilespmem:s26+$0x8F0]  }
0x1c6: {  	v25 =	vld [tilespmem:s26+$0x970]  }
0x1c7: {  	v30 =	vadd.f32 v54, v53;
	v26 =	vld [tilespmem:s26+$0x9F0]  }
0x1c8: {  	v27 =	vld [tilespmem:s26+$0xA70]  }
0x1c9: {  	v29 =	vld [tilespmem:s26+$0xAF0];
	[tilespmem:s25+$0x10840] =	vst v30  }
0x1ca: {  	v30 =	vld [tilespmem:s28+$0x850];
	v35 =	vadd.f32 v36, v35;
	v55 =	vadd.f32 v38, v37  }
0x1cb: {  	v31 =	vld [tilespmem:s28+$0x8D0];
	v57 =	vadd.f32 v40, v39;
	v58 =	vadd.f32 v42, v41  }
0x1cc: {  	v32 =	vld [tilespmem:s28+$0x950]  }
0x1cd: {  	v33 =	vld [tilespmem:s28+$0x9D0];
	v35 =	vadd.f32 v55, v35;
	v61 =	vadd.f32 v58, v57  }
0x1ce: {  	v34 =	vld [tilespmem:s28+$0xA50]  }
0x1cf: {  	s1 =	sshll.u32 s9, $0x7;
	v48 =	vld [tilespmem:s28+$0xAD0];
	v35 =	vadd.f32 v61, v35  }
0x1d0: {  	s29 =	sand.u32 $0x3FFFFF80, s1;
	v49 =	vld [tilespmem:s28+$0xB50]  }
0x1d1: {  	v46 =	vld [tilespmem:s28+$0xBD0];
	[tilespmem:s29+$0x10800] =	vst v35  }
0x1d2: {  	v43 =	vadd.f32 v44, v43;
	v37 =	vadd.f32 v56, v45;
	v35 =	vld [tilespmem:s0+$0x810]  }
0x1d3: {  	v40 =	vadd.f32 v60, v59;
	v38 =	vadd.f32 v63, v62;
	v50 =	vld [tilespmem:s0+$0x890]  }
0x1d4: {  	v51 =	vld [tilespmem:s0+$0x910]  }
0x1d5: {  	v37 =	vadd.f32 v37, v43;
	v38 =	vadd.f32 v38, v40;
	v52 =	vld [tilespmem:s0+$0x990]  }
0x1d6: {  	v53 =	vld [tilespmem:s0+$0xA10]  }
0x1d7: {  	s9 =	sshll.u32 s31, $0x7;
	v37 =	vadd.f32 v38, v37;
	v54 =	vld [tilespmem:s0+$0xA90]  }
0x1d8: {  	s31 =	sand.u32 $0x3FFFFF80, s9;
	v55 =	vld [tilespmem:s0+$0xB10]  }
0x1d9: {  	v30 =	vadd.f32 v31, v30;
	v56 =	vadd.f32 v33, v32;
	[tilespmem:s31+$0x10800] =	vst v37;
	v57 =	vld [tilespmem:s0+$0xB90]  }
0x1da: {  	v58 =	vadd.f32 v48, v34;
	v59 =	vadd.f32 v46, v49;
	v60 =	vld [tilespmem:s30+$0x810]  }
0x1db: {  	v37 =	vld [tilespmem:s30+$0x890]  }
0x1dc: {  	v30 =	vadd.f32 v56, v30;
	v61 =	vadd.f32 v59, v58;
	v62 =	vld [tilespmem:s30+$0x910]  }
0x1dd: {  	v45 =	vld [tilespmem:s30+$0x990];
	v63 =	vadd.f32 v50, v35;
	v44 =	vadd.f32 v52, v51  }
0x1de: {  	v46 =	vld [tilespmem:s30+$0xA10];
	v40 =	vadd.f32 v54, v53;
	v32 =	vadd.f32 v57, v55  }
0x1df: {  	v47 =	vld [tilespmem:s30+$0xA90];
	v31 =	vadd.f32 v61, v30  }
0x1e0: {  	v48 =	vld [tilespmem:s30+$0xB10];
	v34 =	vadd.f32 v44, v63;
	v32 =	vadd.f32 v32, v40  }
0x1e1: {  	v49 =	vld [tilespmem:s30+$0xB90]  }
0x1e2: {  	v30 =	vld [tilespmem:s26+$0xB70];
	[tilespmem:s25+$0x10850] =	vst v31;
	v50 =	vadd.f32 v32, v34  }
0x1e3: {  	v41 =	vld [tilespmem:s28+$0x960]  }
0x1e4: {  	v44 =	vld [tilespmem:s28+$0xA60];
	[tilespmem:s29+$0x10810] =	vst v50  }
0x1e5: {  	v36 =	vadd.f32 v37, v60;
	v33 =	vadd.f32 v45, v62;
	v31 =	vld [tilespmem:s0+$0x820]  }
0x1e6: {  	v38 =	vadd.f32 v47, v46;
	v35 =	vadd.f32 v49, v48;
	v51 =	vld [tilespmem:s0+$0x8A0]  }
0x1e7: {  	v52 =	vld [tilespmem:s0+$0x920]  }
0x1e8: {  	v33 =	vadd.f32 v33, v36;
	v35 =	vadd.f32 v35, v38;
	v53 =	vld [tilespmem:s0+$0x9A0]  }
0x1e9: {  	v54 =	vld [tilespmem:s0+$0xA20]  }
0x1ea: {  	v33 =	vadd.f32 v35, v33;
	v55 =	vld [tilespmem:s0+$0xAA0]  }
0x1eb: {  	v56 =	vld [tilespmem:s0+$0xB20]  }
0x1ec: {  	[tilespmem:s31+$0x10810] =	vst v33;
	v57 =	vld [tilespmem:s0+$0xBA0]  }
0x1ed: {  	v33 =	vld [tilespmem:s30+$0x820]  }
0x1ee: {  	v58 =	vld [tilespmem:s30+$0x8A0]  }
0x1ef: {  	v59 =	vld [tilespmem:s30+$0x920]  }
0x1f0: {  	v61 =	vld [tilespmem:s30+$0x9A0];
	v31 =	vadd.f32 v51, v31;
	v60 =	vadd.f32 v53, v52  }
0x1f1: {  	v48 =	vld [tilespmem:s30+$0xB20];
	v36 =	vadd.f32 v55, v54;
	v35 =	vadd.f32 v57, v56  }
0x1f2: {  	v49 =	vld [tilespmem:s30+$0xBA0]  }
0x1f3: {  	v62 =	vld [tilespmem:s30+$0xA20];
	v31 =	vadd.f32 v60, v31;
	v35 =	vadd.f32 v35, v36  }
0x1f4: {  	v63 =	vld [tilespmem:s30+$0xAA0]  }
0x1f5: {  	v32 =	vld [tilespmem:s28+$0x860];
	v31 =	vadd.f32 v35, v31  }
0x1f6: {  	v34 =	vld [tilespmem:s28+$0x8E0]  }
0x1f7: {  	v36 =	vadd.f32 v49, v48;
	v48 =	vld [tilespmem:s28+$0xAE0];
	[tilespmem:s29+$0x10820] =	vst v31  }
0x1f8: {  	v33 =	vadd.f32 v58, v33;
	v31 =	vld [tilespmem:s0+$0x830]  }
0x1f9: {  	v39 =	vadd.f32 v61, v59;
	v38 =	vadd.f32 v63, v62;
	v50 =	vld [tilespmem:s0+$0x8B0]  }
0x1fa: {  	v51 =	vld [tilespmem:s0+$0x930]  }
0x1fb: {  	v33 =	vadd.f32 v39, v33;
	v36 =	vadd.f32 v36, v38;
	v52 =	vld [tilespmem:s0+$0x9B0]  }
0x1fc: {  	v53 =	vld [tilespmem:s0+$0xA30]  }
0x1fd: {  	v33 =	vadd.f32 v36, v33;
	v54 =	vld [tilespmem:s0+$0xAB0]  }
0x1fe: {  	v55 =	vld [tilespmem:s0+$0xB30]  }
0x1ff: {  	v56 =	vld [tilespmem:s0+$0xBB0];
	[tilespmem:s31+$0x10820] =	vst v33  }
0x200: {  	v33 =	vld [tilespmem:s30+$0x830]  }
0x201: {  	v57 =	vld [tilespmem:s30+$0x8B0]  }
0x202: {  	v58 =	vld [tilespmem:s30+$0x930]  }
0x203: {  	v59 =	vld [tilespmem:s30+$0x9B0];
	v31 =	vadd.f32 v50, v31;
	v37 =	vadd.f32 v52, v51  }
0x204: {  	v60 =	vld [tilespmem:s30+$0xA30];
	v38 =	vadd.f32 v54, v53;
	v36 =	vadd.f32 v56, v55  }
0x205: {  	v61 =	vld [tilespmem:s30+$0xAB0]  }
0x206: {  	v62 =	vld [tilespmem:s30+$0xB30];
	v31 =	vadd.f32 v37, v31;
	v36 =	vadd.f32 v36, v38  }
0x207: {  	v63 =	vld [tilespmem:s30+$0xBB0]  }
0x208: {  	v49 =	vld [tilespmem:s28+$0xB60];
	v31 =	vadd.f32 v36, v31  }
0x209: {  	v35 =	vld [tilespmem:s28+$0x9E0]  }
0x20a: {  	v50 =	vld [tilespmem:s28+$0xBE0];
	[tilespmem:s29+$0x10830] =	vst v31  }
0x20b: {  	v33 =	vadd.f32 v57, v33;
	v40 =	vadd.f32 v59, v58;
	v51 =	vld [tilespmem:s0+$0x840]  }
0x20c: {  	v39 =	vadd.f32 v61, v60;
	v37 =	vadd.f32 v63, v62;
	v52 =	vld [tilespmem:s0+$0x8C0]  }
0x20d: {  	v53 =	vld [tilespmem:s0+$0x940]  }
0x20e: {  	v33 =	vadd.f32 v40, v33;
	v37 =	vadd.f32 v37, v39;
	v54 =	vld [tilespmem:s0+$0x9C0]  }
0x20f: {  	v55 =	vld [tilespmem:s0+$0xA40]  }
0x210: {  	v33 =	vadd.f32 v37, v33;
	v56 =	vld [tilespmem:s0+$0xAC0]  }
0x211: {  	v57 =	vld [tilespmem:s0+$0xB40]  }
0x212: {  	v32 =	vadd.f32 v34, v32;
	v58 =	vadd.f32 v35, v41;
	v59 =	vld [tilespmem:s0+$0xBC0];
	[tilespmem:s31+$0x10830] =	vst v33  }
0x213: {  	v60 =	vadd.f32 v48, v44;
	v31 =	vadd.f32 v50, v49;
	v61 =	vld [tilespmem:s30+$0x840]  }
0x214: {  	v62 =	vld [tilespmem:s30+$0x8C0]  }
0x215: {  	v32 =	vadd.f32 v58, v32;
	v31 =	vadd.f32 v31, v60;
	v63 =	vld [tilespmem:s30+$0x940]  }
0x216: {  	v48 =	vld [tilespmem:s30+$0x9C0];
	v47 =	vadd.f32 v52, v51;
	v38 =	vadd.f32 v54, v53  }
0x217: {  	v49 =	vld [tilespmem:s30+$0xA40];
	v39 =	vadd.f32 v56, v55;
	v35 =	vadd.f32 v59, v57  }
0x218: {  	v50 =	vld [tilespmem:s30+$0xAC0];
	v31 =	vadd.f32 v31, v32  }
0x219: {  	v51 =	vld [tilespmem:s30+$0xB40];
	v34 =	vadd.f32 v38, v47;
	v35 =	vadd.f32 v35, v39  }
0x21a: {  	v52 =	vld [tilespmem:s30+$0xBC0]  }
0x21b: {  	v40 =	vld [tilespmem:s26+$0xBF0];
	[tilespmem:s25+$0x10860] =	vst v31;
	v53 =	vadd.f32 v35, v34  }
0x21c: {  	v42 =	vld [tilespmem:s28+$0x970]  }
0x21d: {  	v45 =	vld [tilespmem:s28+$0xA70];
	[tilespmem:s29+$0x10840] =	vst v53  }
0x21e: {  	v36 =	vadd.f32 v62, v61;
	v33 =	vadd.f32 v48, v63;
	v31 =	vld [tilespmem:s0+$0x850]  }
0x21f: {  	v32 =	vadd.f32 v50, v49;
	v55 =	vadd.f32 v52, v51;
	v54 =	vld [tilespmem:s0+$0x8D0]  }
0x220: {  	v56 =	vld [tilespmem:s0+$0x950]  }
0x221: {  	v33 =	vadd.f32 v33, v36;
	v57 =	vld [tilespmem:s0+$0x9D0];
	v32 =	vadd.f32 v55, v32  }
0x222: {  	v58 =	vld [tilespmem:s0+$0xA50]  }
0x223: {  	v59 =	vld [tilespmem:s0+$0xAD0];
	v32 =	vadd.f32 v32, v33  }
0x224: {  	v60 =	vld [tilespmem:s0+$0xB50]  }
0x225: {  	v61 =	vld [tilespmem:s0+$0xBD0];
	[tilespmem:s31+$0x10840] =	vst v32  }
0x226: {  	v32 =	vld [tilespmem:s30+$0x850]  }
0x227: {  	v62 =	vld [tilespmem:s30+$0x8D0]  }
0x228: {  	v63 =	vld [tilespmem:s30+$0x950]  }
0x229: {  	v31 =	vadd.f32 v54, v31;
	v38 =	vadd.f32 v57, v56;
	v48 =	vld [tilespmem:s30+$0x9D0]  }
0x22a: {  	v36 =	vadd.f32 v59, v58;
	v33 =	vadd.f32 v61, v60;
	v49 =	vld [tilespmem:s30+$0xA50]  }
0x22b: {  	v50 =	vld [tilespmem:s30+$0xAD0]  }
0x22c: {  	v51 =	vld [tilespmem:s30+$0xB50];
	v31 =	vadd.f32 v38, v31;
	v33 =	vadd.f32 v33, v36  }
0x22d: {  	v52 =	vld [tilespmem:s30+$0xBD0]  }
0x22e: {  	v34 =	vld [tilespmem:s28+$0x870];
	v31 =	vadd.f32 v33, v31  }
0x22f: {  	v35 =	vld [tilespmem:s28+$0x8F0]  }
0x230: {  	v33 =	vld [tilespmem:s28+$0x9F0];
	[tilespmem:s29+$0x10850] =	vst v31  }
0x231: {  	v32 =	vadd.f32 v62, v32;
	v39 =	vadd.f32 v48, v63;
	v31 =	vld [tilespmem:s0+$0x860]  }
0x232: {  	v37 =	vadd.f32 v50, v49;
	v36 =	vadd.f32 v52, v51;
	v53 =	vld [tilespmem:s0+$0x8E0]  }
0x233: {  	v54 =	vld [tilespmem:s0+$0x960]  }
0x234: {  	v55 =	vld [tilespmem:s0+$0x9E0];
	v32 =	vadd.f32 v39, v32;
	v36 =	vadd.f32 v36, v37  }
0x235: {  	v56 =	vld [tilespmem:s0+$0xA60]  }
0x236: {  	v57 =	vld [tilespmem:s0+$0xAE0];
	v32 =	vadd.f32 v36, v32  }
0x237: {  	v58 =	vld [tilespmem:s0+$0xB60]  }
0x238: {  	v59 =	vld [tilespmem:s0+$0xBE0];
	[tilespmem:s31+$0x10850] =	vst v32  }
0x239: {  	v32 =	vld [tilespmem:s30+$0x860]  }
0x23a: {  	v60 =	vld [tilespmem:s30+$0x8E0]  }
0x23b: {  	v62 =	vld [tilespmem:s30+$0x960]  }
0x23c: {  	v63 =	vadd.f32 v53, v31;
	v43 =	vadd.f32 v55, v54;
	v47 =	vld [tilespmem:s30+$0x9E0]  }
0x23d: {  	v37 =	vadd.f32 v57, v56;
	v36 =	vadd.f32 v59, v58;
	v48 =	vld [tilespmem:s30+$0xA60]  }
0x23e: {  	v61 =	vadd.f32 v7, v4;
	v50 =	vld [tilespmem:s30+$0xAE0]  }
0x23f: {  	v52 =	vld [tilespmem:s30+$0xB60];
	v7 =	vadd.f32 v43, v63;
	v51 =	vadd.f32 v36, v37  }
0x240: {  	v1 =	vadd.f32 v2, v1;
	v3 =	vadd.f32 v5, v3;
	v53 =	vld [tilespmem:s30+$0xBE0]  }
0x241: {  	v49 =	vadd.f32 v8, v6;
	v54 =	vld [tilespmem:s28+$0xAF0];
	v7 =	vadd.f32 v51, v7  }
0x242: {  	v0 =	vadd.f32 v11, v0;
	v9 =	vadd.f32 v10, v9;
	v55 =	vld [tilespmem:s28+$0xB70]  }
0x243: {  	v1 =	vadd.f32 v61, v1;
	v3 =	vadd.f32 v49, v3;
	v56 =	vld [tilespmem:s28+$0xBF0];
	[tilespmem:s29+$0x10860] =	vst v7  }
0x244: {  	v57 =	vadd.f32 v60, v32;
	v4 =	vadd.f32 v47, v62;
	v7 =	vld [tilespmem:s0+$0x870]  }
0x245: {  	v6 =	vadd.f32 v50, v48;
	v2 =	vadd.f32 v53, v52;
	v11 =	vld [tilespmem:s0+$0x8F0]  }
0x246: {  	v1 =	vadd.f32 v3, v1;
	v58 =	vadd.f32 v14, v13;
	v13 =	vld [tilespmem:s0+$0x970]  }
0x247: {  	v3 =	vadd.f32 v4, v57;
	v2 =	vadd.f32 v2, v6;
	v4 =	vld [tilespmem:s0+$0x9F0]  }
0x248: {  	v0 =	vadd.f32 v9, v0;
	v28 =	vadd.f32 v28, v24;
	v61 =	vld [tilespmem:s0+$0xA70]  }
0x249: {  	v22 =	vadd.f32 v22, v20;
	v63 =	vld [tilespmem:s0+$0xAF0];
	v2 =	vadd.f32 v2, v3  }
0x24a: {  	v46 =	vadd.f32 v29, v27;
	v41 =	vadd.f32 v23, v21;
	v31 =	vld [tilespmem:s0+$0xB70]  }
0x24b: {  	v38 =	vadd.f32 v28, v22;
	v43 =	vadd.f32 v26, v25;
	v32 =	vld [tilespmem:s0+$0xBF0];
	[tilespmem:s31+$0x10860] =	vst v2  }
0x24c: {  	v49 =	vadd.f32 v35, v34;
	v59 =	vadd.f32 v15, v12;
	v39 =	vld [tilespmem:s30+$0x870]  }
0x24d: {  	v12 =	vadd.f32 v43, v41;
	v60 =	vadd.f32 v18, v16;
	v44 =	vld [tilespmem:s30+$0x8F0]  }
0x24e: {  	v62 =	vadd.f32 v19, v17;
	v47 =	vadd.f32 v40, v30;
	v48 =	vld [tilespmem:s30+$0x970]  }
0x24f: {  	v50 =	vadd.f32 v33, v42;
	v5 =	vadd.f32 v54, v45;
	v51 =	vld [tilespmem:s30+$0x9F0]  }
0x250: {  	v8 =	vadd.f32 v56, v55;
	v6 =	vadd.f32 v59, v58;
	v52 =	vld [tilespmem:s30+$0xA70]  }
0x251: {  	v37 =	vadd.f32 v62, v60;
	v53 =	vadd.f32 v47, v46;
	v54 =	vld [tilespmem:s30+$0xAF0]  }
0x252: {  	v55 =	vadd.f32 v50, v49;
	v5 =	vadd.f32 v8, v5;
	v56 =	vld [tilespmem:s30+$0xB70]  }
0x253: {  	v0 =	vadd.f32 v6, v0;
	v58 =	vadd.f32 v53, v12;
	v57 =	vld [tilespmem:s30+$0xBF0]  }
0x254: {  	v5 =	vadd.f32 v5, v55;
	v2 =	vadd.f32 v38, v37  }
0x255: {  	v7 =	vadd.f32 v11, v7;
	v4 =	vadd.f32 v4, v13  }
0x256: {  	v3 =	vadd.f32 v63, v61;
	v59 =	vadd.f32 v32, v31  }
0x257: {  	v10 =	vadd.f32 v44, v39;
	v60 =	vadd.f32 v51, v48  }
0x258: {  	[tilespmem:s21+$0x10870] =	vst v1;
	v61 =	vadd.f32 v54, v52;
	v8 =	vadd.f32 v57, v56  }
0x259: {  	p1 =	slt.u32 s20, $0x18;
	[tilespmem:s22+$0x10870] =	vst v0;
	v62 =	vadd.f32 v4, v7;
	v3 =	vadd.f32 v59, v3  }
.Ltmp0:
0x25a: {  	[tilespmem:s24+$0x10870] =	vst v58;
	v63 =	vadd.f32 v60, v10;
	v1 =	vadd.f32 v8, v61;
	(pc) =	sbr.rel @p1 .LBB2_3-.Ltmp0, $4  }
0x25b: {  	[tilespmem:s25+$0x10870] =	vst v5;
	v0 =	vadd.f32 v3, v62  }
0x25c: {  	[tilespmem:s23+$0x10870] =	vst v2;
	v1 =	vadd.f32 v1, v63  }
0x25d: {  	s30 =	sadd.s32 $0x8, s20;
	[tilespmem:s29+$0x10870] =	vst v0  }
0x25e: {  	s20 =	smov.u32 s30;
	[tilespmem:s31+$0x10870] =	vst v1  }
0x25f: {  	p1 =	seq.s32 s18, $0x3  }
0x260: {  	s31 =	sshll.u32 s18, $0xA;
	s19 =	sshrl.u32 @!p1 s19, $0x2  }
0x261: {  	s1 =	simm.s32 @!p1 $0x100;
	s20 =	simm.s32 @!p1 $0x800;
	s0 =	sadd.s32 @!p1 $0x200, s19  }
0x262: {  	[tilespmem:s20], [sflag:$0x1] =	stream.indirect.gather @!p1 [hbm4b:s2+s1], $0x80, s0, s1, $0xb8;
	[tilespmem:$0x12800] =	vst v63  }
0x263: {  	s20 =	sadd.s32 s31, s5  }
0x264: {  	[hbm4b:s20+s3] =	stream.linear.scatter [tilespmem:s12], [sflag:$0x3], $0x1000, $0x38;
	[tilespmem:$0x12800] =	vst v63  }
0x265: {  	_ =	swait.ge [sflag:s13], $0x8000  }
0x266: {  	[sflag:s13] =	ssyncset.done $0x0  }
0x267: {  	s0 =	simm.s32 @!p0 $0x4;
	[sflag:s13] =	ssyncadd.s32 $0xFFFF8000  }
0x268: {  	_ =	swait.ge @!p0 [sflag:s0], $0x1000  }
0x269: {  	[sflag:s0] =	ssyncset.done @!p0 $0x0  }
0x26a: {  	s21 =	simm.s32 $0x0;
	[sflag:s0] =	ssyncadd.s32 @!p0 $0xFFFFF000  }
.LBB2_5:
0x26b: {  	s0 =	sshll.u32 s21, $0xA  }
0x26c: {  	s0 =	sand.u32 $0x3FFFFC00, s0  }
0x26d: {  	v0 =	vld [tilespmem:s0+$0x8800]  }
0x26e: {  	v1 =	vld [tilespmem:s0+$0x8880]  }
0x26f: {  	v2 =	vld [tilespmem:s0+$0x8900]  }
0x270: {  	v3 =	vld [tilespmem:s0+$0x8980]  }
0x271: {  	v4 =	vld [tilespmem:s0+$0x8A00]  }
0x272: {  	v5 =	vld [tilespmem:s0+$0x8A80]  }
0x273: {  	v6 =	vld [tilespmem:s0+$0x8B00]  }
0x274: {  	v7 =	vld [tilespmem:s0+$0x8B80];
	_ =	sdelay $0x3  }
0x275: {  	v0 =	vadd.f32 v1, v0;
	v30 =	vadd.f32 v3, v2  }
0x276: {  	v31 =	vadd.f32 v5, v4;
	v32 =	vadd.f32 v7, v6;
	_ =	sdelay $0x1  }
0x277: {  	v0 =	vadd.f32 v30, v0;
	v33 =	vadd.f32 v32, v31;
	_ =	sdelay $0x1  }
0x278: {  	s1 =	sshll.u32 s21, $0x7;
	v0 =	vadd.f32 v33, v0  }
0x279: {  	s1 =	sand.u32 $0x3FFFFF80, s1  }
0x27a: {  	[tilespmem:s1+$0x11800] =	vst v0  }
0x27b: {  	v0 =	vld [tilespmem:s0+$0x8810]  }
0x27c: {  	v34 =	vld [tilespmem:s0+$0x8890]  }
0x27d: {  	v35 =	vld [tilespmem:s0+$0x8910]  }
0x27e: {  	v36 =	vld [tilespmem:s0+$0x8990]  }
0x27f: {  	v37 =	vld [tilespmem:s0+$0x8A10]  }
0x280: {  	v38 =	vld [tilespmem:s0+$0x8A90]  }
0x281: {  	v39 =	vld [tilespmem:s0+$0x8B10]  }
0x282: {  	v40 =	vld [tilespmem:s0+$0x8B90];
	_ =	sdelay $0x3  }
0x283: {  	v0 =	vadd.f32 v34, v0;
	v41 =	vadd.f32 v36, v35  }
0x284: {  	v42 =	vadd.f32 v38, v37;
	v43 =	vadd.f32 v40, v39;
	_ =	sdelay $0x1  }
0x285: {  	v0 =	vadd.f32 v41, v0;
	v44 =	vadd.f32 v43, v42;
	_ =	sdelay $0x1  }
0x286: {  	v0 =	vadd.f32 v44, v0;
	_ =	sdelay $0x1  }
0x287: {  	[tilespmem:s1+$0x11810] =	vst v0  }
0x288: {  	v0 =	vld [tilespmem:s0+$0x8820]  }
0x289: {  	v45 =	vld [tilespmem:s0+$0x88A0]  }
0x28a: {  	v46 =	vld [tilespmem:s0+$0x8920]  }
0x28b: {  	v47 =	vld [tilespmem:s0+$0x89A0]  }
0x28c: {  	v48 =	vld [tilespmem:s0+$0x8A20]  }
0x28d: {  	v49 =	vld [tilespmem:s0+$0x8AA0]  }
0x28e: {  	v50 =	vld [tilespmem:s0+$0x8B20]  }
0x28f: {  	v51 =	vld [tilespmem:s0+$0x8BA0];
	_ =	sdelay $0x3  }
0x290: {  	v0 =	vadd.f32 v45, v0;
	v52 =	vadd.f32 v47, v46  }
0x291: {  	v53 =	vadd.f32 v49, v48;
	v54 =	vadd.f32 v51, v50;
	_ =	sdelay $0x1  }
0x292: {  	v0 =	vadd.f32 v52, v0;
	v55 =	vadd.f32 v54, v53;
	_ =	sdelay $0x1  }
0x293: {  	v0 =	vadd.f32 v55, v0;
	_ =	sdelay $0x1  }
0x294: {  	[tilespmem:s1+$0x11820] =	vst v0  }
0x295: {  	v0 =	vld [tilespmem:s0+$0x8830]  }
0x296: {  	v56 =	vld [tilespmem:s0+$0x88B0]  }
0x297: {  	v57 =	vld [tilespmem:s0+$0x8930]  }
0x298: {  	v58 =	vld [tilespmem:s0+$0x89B0]  }
0x299: {  	v59 =	vld [tilespmem:s0+$0x8A30]  }
0x29a: {  	v60 =	vld [tilespmem:s0+$0x8AB0]  }
0x29b: {  	v61 =	vld [tilespmem:s0+$0x8B30]  }
0x29c: {  	v62 =	vld [tilespmem:s0+$0x8BB0];
	_ =	sdelay $0x3  }
0x29d: {  	v0 =	vadd.f32 v56, v0;
	v63 =	vadd.f32 v58, v57  }
0x29e: {  	v8 =	vadd.f32 v60, v59;
	v9 =	vadd.f32 v62, v61;
	_ =	sdelay $0x1  }
0x29f: {  	v0 =	vadd.f32 v63, v0;
	v10 =	vadd.f32 v9, v8;
	_ =	sdelay $0x1  }
0x2a0: {  	v0 =	vadd.f32 v10, v0;
	_ =	sdelay $0x1  }
0x2a1: {  	[tilespmem:s1+$0x11830] =	vst v0  }
0x2a2: {  	v0 =	vld [tilespmem:s0+$0x8840]  }
0x2a3: {  	v11 =	vld [tilespmem:s0+$0x88C0]  }
0x2a4: {  	v12 =	vld [tilespmem:s0+$0x8940]  }
0x2a5: {  	v13 =	vld [tilespmem:s0+$0x89C0]  }
0x2a6: {  	v14 =	vld [tilespmem:s0+$0x8A40]  }
0x2a7: {  	v15 =	vld [tilespmem:s0+$0x8AC0]  }
0x2a8: {  	v16 =	vld [tilespmem:s0+$0x8B40]  }
0x2a9: {  	v17 =	vld [tilespmem:s0+$0x8BC0];
	_ =	sdelay $0x3  }
0x2aa: {  	v0 =	vadd.f32 v11, v0;
	v18 =	vadd.f32 v13, v12  }
0x2ab: {  	v19 =	vadd.f32 v15, v14;
	v20 =	vadd.f32 v17, v16;
	_ =	sdelay $0x1  }
0x2ac: {  	v0 =	vadd.f32 v18, v0;
	v21 =	vadd.f32 v20, v19;
	_ =	sdelay $0x1  }
0x2ad: {  	v0 =	vadd.f32 v21, v0;
	_ =	sdelay $0x1  }
0x2ae: {  	[tilespmem:s1+$0x11840] =	vst v0  }
0x2af: {  	v0 =	vld [tilespmem:s0+$0x8850]  }
0x2b0: {  	v22 =	vld [tilespmem:s0+$0x88D0]  }
0x2b1: {  	v23 =	vld [tilespmem:s0+$0x8950]  }
0x2b2: {  	v24 =	vld [tilespmem:s0+$0x89D0]  }
0x2b3: {  	v25 =	vld [tilespmem:s0+$0x8A50]  }
0x2b4: {  	v26 =	vld [tilespmem:s0+$0x8AD0]  }
0x2b5: {  	v27 =	vld [tilespmem:s0+$0x8B50]  }
0x2b6: {  	v28 =	vld [tilespmem:s0+$0x8BD0];
	_ =	sdelay $0x3  }
0x2b7: {  	v0 =	vadd.f32 v22, v0;
	v29 =	vadd.f32 v24, v23  }
0x2b8: {  	v30 =	vadd.f32 v26, v25;
	v31 =	vadd.f32 v28, v27;
	_ =	sdelay $0x1  }
0x2b9: {  	v0 =	vadd.f32 v29, v0;
	v32 =	vadd.f32 v31, v30;
	_ =	sdelay $0x1  }
0x2ba: {  	v0 =	vadd.f32 v32, v0;
	_ =	sdelay $0x1  }
0x2bb: {  	[tilespmem:s1+$0x11850] =	vst v0  }
0x2bc: {  	v0 =	vld [tilespmem:s0+$0x8860]  }
0x2bd: {  	v33 =	vld [tilespmem:s0+$0x88E0]  }
0x2be: {  	v34 =	vld [tilespmem:s0+$0x8960]  }
0x2bf: {  	v35 =	vld [tilespmem:s0+$0x89E0]  }
0x2c0: {  	v36 =	vld [tilespmem:s0+$0x8A60]  }
0x2c1: {  	v37 =	vld [tilespmem:s0+$0x8AE0]  }
0x2c2: {  	v38 =	vld [tilespmem:s0+$0x8B60]  }
0x2c3: {  	v39 =	vld [tilespmem:s0+$0x8BE0];
	_ =	sdelay $0x3  }
0x2c4: {  	v0 =	vadd.f32 v33, v0;
	v40 =	vadd.f32 v35, v34  }
0x2c5: {  	v41 =	vadd.f32 v37, v36;
	v42 =	vadd.f32 v39, v38;
	_ =	sdelay $0x1  }
0x2c6: {  	v0 =	vadd.f32 v40, v0;
	v43 =	vadd.f32 v42, v41;
	_ =	sdelay $0x1  }
0x2c7: {  	v0 =	vadd.f32 v43, v0;
	_ =	sdelay $0x1  }
0x2c8: {  	[tilespmem:s1+$0x11860] =	vst v0  }
0x2c9: {  	v0 =	vld [tilespmem:s0+$0x8870]  }
0x2ca: {  	v44 =	vld [tilespmem:s0+$0x88F0]  }
0x2cb: {  	v45 =	vld [tilespmem:s0+$0x8970]  }
0x2cc: {  	v46 =	vld [tilespmem:s0+$0x89F0]  }
0x2cd: {  	v47 =	vld [tilespmem:s0+$0x8A70]  }
0x2ce: {  	v48 =	vld [tilespmem:s0+$0x8AF0]  }
0x2cf: {  	v49 =	vld [tilespmem:s0+$0x8B70]  }
0x2d0: {  	v50 =	vld [tilespmem:s0+$0x8BF0];
	_ =	sdelay $0x3  }
0x2d1: {  	v0 =	vadd.f32 v44, v0;
	v51 =	vadd.f32 v46, v45  }
0x2d2: {  	s22 =	sor.u32 $0x1, s21;
	v52 =	vadd.f32 v48, v47;
	v53 =	vadd.f32 v50, v49  }
0x2d3: {  	s23 =	sshll.u32 s22, $0xA  }
0x2d4: {  	s0 =	sand.u32 $0x3FFFFC00, s23;
	v0 =	vadd.f32 v51, v0;
	v54 =	vadd.f32 v53, v52  }
0x2d5: {  	v55 =	vld [tilespmem:s0+$0x8800]  }
0x2d6: {  	v56 =	vld [tilespmem:s0+$0x8880];
	v0 =	vadd.f32 v54, v0  }
0x2d7: {  	v57 =	vld [tilespmem:s0+$0x8900]  }
0x2d8: {  	v58 =	vld [tilespmem:s0+$0x8980];
	[tilespmem:s1+$0x11870] =	vst v0  }
0x2d9: {  	v59 =	vld [tilespmem:s0+$0x8A00]  }
0x2da: {  	v60 =	vld [tilespmem:s0+$0x8A80]  }
0x2db: {  	v61 =	vld [tilespmem:s0+$0x8B00]  }
0x2dc: {  	v62 =	vld [tilespmem:s0+$0x8B80];
	_ =	sdelay $0x3  }
0x2dd: {  	v1 =	vadd.f32 v56, v55;
	v0 =	vadd.f32 v58, v57  }
0x2de: {  	v63 =	vadd.f32 v60, v59;
	v8 =	vadd.f32 v62, v61;
	_ =	sdelay $0x1  }
0x2df: {  	v0 =	vadd.f32 v0, v1;
	v9 =	vadd.f32 v8, v63;
	_ =	sdelay $0x1  }
0x2e0: {  	s24 =	sshll.u32 s22, $0x7;
	v0 =	vadd.f32 v9, v0  }
0x2e1: {  	s22 =	sand.u32 $0x3FFFFF80, s24  }
0x2e2: {  	[tilespmem:s22+$0x11800] =	vst v0  }
0x2e3: {  	v0 =	vld [tilespmem:s0+$0x8810]  }
0x2e4: {  	v10 =	vld [tilespmem:s0+$0x8890]  }
0x2e5: {  	v11 =	vld [tilespmem:s0+$0x8910]  }
0x2e6: {  	v12 =	vld [tilespmem:s0+$0x8990]  }
0x2e7: {  	v13 =	vld [tilespmem:s0+$0x8A10]  }
0x2e8: {  	v14 =	vld [tilespmem:s0+$0x8A90]  }
0x2e9: {  	v15 =	vld [tilespmem:s0+$0x8B10]  }
0x2ea: {  	v16 =	vld [tilespmem:s0+$0x8B90];
	_ =	sdelay $0x3  }
0x2eb: {  	v0 =	vadd.f32 v10, v0;
	v17 =	vadd.f32 v12, v11  }
0x2ec: {  	v18 =	vadd.f32 v14, v13;
	v19 =	vadd.f32 v16, v15;
	_ =	sdelay $0x1  }
0x2ed: {  	v0 =	vadd.f32 v17, v0;
	v20 =	vadd.f32 v19, v18;
	_ =	sdelay $0x1  }
0x2ee: {  	v0 =	vadd.f32 v20, v0;
	_ =	sdelay $0x1  }
0x2ef: {  	[tilespmem:s22+$0x11810] =	vst v0  }
0x2f0: {  	v0 =	vld [tilespmem:s0+$0x8820]  }
0x2f1: {  	v21 =	vld [tilespmem:s0+$0x88A0]  }
0x2f2: {  	v22 =	vld [tilespmem:s0+$0x8920]  }
0x2f3: {  	v23 =	vld [tilespmem:s0+$0x89A0]  }
0x2f4: {  	v24 =	vld [tilespmem:s0+$0x8A20]  }
0x2f5: {  	s25 =	sor.u32 $0x2, s21;
	v25 =	vld [tilespmem:s0+$0x8AA0]  }
0x2f6: {  	s23 =	sshll.u32 s25, $0xA;
	v26 =	vld [tilespmem:s0+$0x8B20]  }
0x2f7: {  	s26 =	sand.u32 $0x3FFFFC00, s23;
	v27 =	vld [tilespmem:s0+$0x8BA0]  }
0x2f8: {  	v29 =	vld [tilespmem:s26+$0x8980]  }
0x2f9: {  	v32 =	vld [tilespmem:s26+$0x8A00]  }
0x2fa: {  	v33 =	vld [tilespmem:s26+$0x8A80]  }
0x2fb: {  	v35 =	vld [tilespmem:s26+$0x8B00];
	v0 =	vadd.f32 v21, v0;
	v28 =	vadd.f32 v23, v22  }
0x2fc: {  	v36 =	vld [tilespmem:s26+$0x8B80];
	v30 =	vadd.f32 v25, v24;
	v31 =	vadd.f32 v27, v26  }
0x2fd: {  	v8 =	vld [tilespmem:s26+$0x8800]  }
0x2fe: {  	v9 =	vld [tilespmem:s26+$0x8880];
	v0 =	vadd.f32 v28, v0;
	v34 =	vadd.f32 v31, v30  }
0x2ff: {  	v10 =	vld [tilespmem:s26+$0x8900]  }
0x300: {  	v0 =	vadd.f32 v34, v0;
	_ =	sdelay $0x1  }
0x301: {  	[tilespmem:s22+$0x11820] =	vst v0  }
0x302: {  	v5 =	vadd.f32 v33, v32;
	v3 =	vadd.f32 v36, v35;
	v0 =	vld [tilespmem:s0+$0x8830]  }
0x303: {  	v37 =	vadd.f32 v9, v8;
	v2 =	vadd.f32 v29, v10;
	v38 =	vld [tilespmem:s0+$0x88B0]  }
0x304: {  	v39 =	vld [tilespmem:s0+$0x8930]  }
0x305: {  	v41 =	vadd.f32 v3, v5;
	v1 =	vadd.f32 v2, v37;
	v40 =	vld [tilespmem:s0+$0x89B0]  }
0x306: {  	v42 =	vld [tilespmem:s0+$0x8A30]  }
0x307: {  	s1 =	sshll.u32 s25, $0x7;
	v1 =	vadd.f32 v41, v1;
	v43 =	vld [tilespmem:s0+$0x8AB0]  }
0x308: {  	s23 =	sand.u32 $0x3FFFFF80, s1;
	v44 =	vld [tilespmem:s0+$0x8B30]  }
0x309: {  	[tilespmem:s23+$0x11800] =	vst v1;
	v45 =	vld [tilespmem:s0+$0x8BB0]  }
0x30a: {  	v1 =	vld [tilespmem:s26+$0x8810]  }
0x30b: {  	v46 =	vld [tilespmem:s26+$0x8890]  }
0x30c: {  	v47 =	vld [tilespmem:s26+$0x8910]  }
0x30d: {  	v48 =	vld [tilespmem:s26+$0x8990];
	v0 =	vadd.f32 v38, v0;
	v4 =	vadd.f32 v40, v39  }
0x30e: {  	v49 =	vld [tilespmem:s26+$0x8A10];
	v3 =	vadd.f32 v43, v42;
	v2 =	vadd.f32 v45, v44  }
0x30f: {  	v50 =	vld [tilespmem:s26+$0x8A90]  }
0x310: {  	v51 =	vld [tilespmem:s26+$0x8B10];
	v0 =	vadd.f32 v4, v0;
	v2 =	vadd.f32 v2, v3  }
0x311: {  	v52 =	vld [tilespmem:s26+$0x8B90]  }
0x312: {  	v0 =	vadd.f32 v2, v0;
	_ =	sdelay $0x1  }
0x313: {  	[tilespmem:s22+$0x11830] =	vst v0  }
0x314: {  	v1 =	vadd.f32 v46, v1;
	v53 =	vadd.f32 v48, v47;
	v0 =	vld [tilespmem:s0+$0x8840]  }
0x315: {  	v5 =	vadd.f32 v50, v49;
	v3 =	vadd.f32 v52, v51;
	v54 =	vld [tilespmem:s0+$0x88C0]  }
0x316: {  	v55 =	vld [tilespmem:s0+$0x8940]  }
0x317: {  	v1 =	vadd.f32 v53, v1;
	v57 =	vadd.f32 v3, v5;
	v56 =	vld [tilespmem:s0+$0x89C0]  }
0x318: {  	v58 =	vld [tilespmem:s0+$0x8A40]  }
0x319: {  	v1 =	vadd.f32 v57, v1;
	v59 =	vld [tilespmem:s0+$0x8AC0]  }
0x31a: {  	v60 =	vld [tilespmem:s0+$0x8B40]  }
0x31b: {  	v61 =	vld [tilespmem:s0+$0x8BC0];
	[tilespmem:s23+$0x11810] =	vst v1  }
0x31c: {  	v1 =	vld [tilespmem:s26+$0x8820]  }
0x31d: {  	v62 =	vld [tilespmem:s26+$0x88A0]  }
0x31e: {  	v63 =	vld [tilespmem:s26+$0x8920]  }
0x31f: {  	v11 =	vld [tilespmem:s26+$0x89A0]  }
0x320: {  	v12 =	vld [tilespmem:s26+$0x8A20];
	v0 =	vadd.f32 v54, v0;
	v4 =	vadd.f32 v56, v55  }
0x321: {  	v13 =	vld [tilespmem:s26+$0x8AA0];
	v3 =	vadd.f32 v59, v58;
	v2 =	vadd.f32 v61, v60  }
0x322: {  	v14 =	vld [tilespmem:s26+$0x8B20]  }
0x323: {  	v15 =	vld [tilespmem:s26+$0x8BA0];
	v0 =	vadd.f32 v4, v0;
	v2 =	vadd.f32 v2, v3;
	_ =	sdelay $0x1  }
0x324: {  	v0 =	vadd.f32 v2, v0;
	_ =	sdelay $0x1  }
0x325: {  	v1 =	vadd.f32 v62, v1;
	v16 =	vadd.f32 v11, v63;
	[tilespmem:s22+$0x11840] =	vst v0  }
0x326: {  	v5 =	vadd.f32 v13, v12;
	v3 =	vadd.f32 v15, v14;
	v0 =	vld [tilespmem:s0+$0x8850]  }
0x327: {  	v17 =	vld [tilespmem:s0+$0x88D0]  }
0x328: {  	v1 =	vadd.f32 v16, v1;
	v20 =	vadd.f32 v3, v5;
	v18 =	vld [tilespmem:s0+$0x8950]  }
0x329: {  	v19 =	vld [tilespmem:s0+$0x89D0]  }
0x32a: {  	v1 =	vadd.f32 v20, v1;
	v21 =	vld [tilespmem:s0+$0x8A50]  }
0x32b: {  	v22 =	vld [tilespmem:s0+$0x8AD0]  }
0x32c: {  	v23 =	vld [tilespmem:s0+$0x8B50];
	[tilespmem:s23+$0x11820] =	vst v1  }
0x32d: {  	v1 =	vld [tilespmem:s26+$0x8830]  }
0x32e: {  	v25 =	vld [tilespmem:s26+$0x88B0]  }
0x32f: {  	v26 =	vld [tilespmem:s26+$0x8930]  }
0x330: {  	v11 =	vld [tilespmem:s26+$0x89B0]  }
0x331: {  	v12 =	vld [tilespmem:s26+$0x8A30]  }
0x332: {  	v13 =	vld [tilespmem:s26+$0x8AB0]  }
0x333: {  	s28 =	sor.u32 $0x3, s21;
	v14 =	vld [tilespmem:s26+$0x8B30]  }
0x334: {  	s24 =	sshll.u32 s28, $0xA;
	v27 =	vld [tilespmem:s26+$0x8BB0]  }
0x335: {  	s30 =	sand.u32 $0x3FFFFC00, s24;
	v24 =	vld [tilespmem:s0+$0x8BD0]  }
0x336: {  	v41 =	vld [tilespmem:s30+$0x8880]  }
0x337: {  	v47 =	vld [tilespmem:s30+$0x8A00];
	v0 =	vadd.f32 v17, v0;
	v4 =	vadd.f32 v19, v18  }
0x338: {  	v50 =	vld [tilespmem:s30+$0x8B00];
	v1 =	vadd.f32 v25, v1;
	v28 =	vadd.f32 v11, v26  }
0x339: {  	v51 =	vld [tilespmem:s30+$0x8B80];
	v29 =	vadd.f32 v13, v12;
	v30 =	vadd.f32 v27, v14  }
0x33a: {  	v48 =	vld [tilespmem:s30+$0x8A80];
	v3 =	vadd.f32 v22, v21;
	v2 =	vadd.f32 v24, v23  }
0x33b: {  	s29 =	sor.u32 $0x4, s21;
	v40 =	vld [tilespmem:s30+$0x8800];
	v1 =	vadd.f32 v28, v1;
	v31 =	vadd.f32 v30, v29  }
0x33c: {  	s31 =	sshll.u32 s29, $0xA;
	v42 =	vld [tilespmem:s30+$0x8900];
	v0 =	vadd.f32 v4, v0;
	v2 =	vadd.f32 v2, v3  }
0x33d: {  	s1 =	sshll.u32 s28, $0x7;
	s28 =	sand.u32 $0x3FFFFC00, s31;
	v44 =	vld [tilespmem:s30+$0x8980];
	v32 =	vadd.f32 v31, v1  }
0x33e: {  	v5 =	vadd.f32 v51, v50;
	v51 =	vld [tilespmem:s28+$0x8800];
	v0 =	vadd.f32 v2, v0  }
0x33f: {  	v18 =	vld [tilespmem:s28+$0x8880];
	[tilespmem:s23+$0x11830] =	vst v32  }
0x340: {  	[tilespmem:s22+$0x11850] =	vst v0;
	v0 =	vld [tilespmem:s26+$0x8840]  }
0x341: {  	v33 =	vld [tilespmem:s26+$0x88C0]  }
0x342: {  	v34 =	vld [tilespmem:s26+$0x8940]  }
0x343: {  	v35 =	vld [tilespmem:s26+$0x89C0]  }
0x344: {  	v36 =	vld [tilespmem:s26+$0x8A40]  }
0x345: {  	v7 =	vadd.f32 v48, v47;
	v37 =	vld [tilespmem:s26+$0x8AC0]  }
0x346: {  	v10 =	vadd.f32 v41, v40;
	v4 =	vadd.f32 v44, v42;
	v38 =	vld [tilespmem:s26+$0x8B40]  }
0x347: {  	v39 =	vld [tilespmem:s26+$0x8BC0]  }
0x348: {  	v5 =	vadd.f32 v5, v7;
	v19 =	vld [tilespmem:s28+$0x8900];
	v4 =	vadd.f32 v4, v10  }
0x349: {  	v1 =	vld [tilespmem:s0+$0x8860]  }
0x34a: {  	v4 =	vadd.f32 v5, v4;
	v2 =	vld [tilespmem:s0+$0x88E0]  }
0x34b: {  	s24 =	sand.u32 $0x3FFFFF80, s1;
	v52 =	vld [tilespmem:s0+$0x8960];
	v0 =	vadd.f32 v33, v0;
	v43 =	vadd.f32 v35, v34  }
0x34c: {  	v53 =	vld [tilespmem:s0+$0x89E0];
	[tilespmem:s24+$0x11800] =	vst v4;
	v45 =	vadd.f32 v37, v36;
	v46 =	vadd.f32 v39, v38  }
0x34d: {  	v4 =	vld [tilespmem:s30+$0x8810]  }
0x34e: {  	v62 =	vld [tilespmem:s30+$0x8890];
	v0 =	vadd.f32 v43, v0;
	v49 =	vadd.f32 v46, v45  }
0x34f: {  	v15 =	vld [tilespmem:s30+$0x8910]  }
0x350: {  	v63 =	vld [tilespmem:s30+$0x8990];
	v0 =	vadd.f32 v49, v0  }
0x351: {  	v20 =	vld [tilespmem:s30+$0x8A10]  }
0x352: {  	v21 =	vld [tilespmem:s30+$0x8A90];
	[tilespmem:s23+$0x11840] =	vst v0  }
0x353: {  	v0 =	vld [tilespmem:s26+$0x8850]  }
0x354: {  	v55 =	vld [tilespmem:s26+$0x88D0]  }
0x355: {  	v56 =	vld [tilespmem:s26+$0x8950]  }
0x356: {  	v57 =	vld [tilespmem:s26+$0x89D0]  }
0x357: {  	v22 =	vld [tilespmem:s30+$0x8B10]  }
0x358: {  	v23 =	vld [tilespmem:s30+$0x8B90]  }
0x359: {  	v54 =	vld [tilespmem:s0+$0x8A60]  }
0x35a: {  	v24 =	vld [tilespmem:s0+$0x8AE0];
	v4 =	vadd.f32 v62, v4;
	v8 =	vadd.f32 v63, v15  }
0x35b: {  	v25 =	vld [tilespmem:s0+$0x8B60];
	v0 =	vadd.f32 v55, v0;
	v6 =	vadd.f32 v57, v56  }
0x35c: {  	v16 =	vld [tilespmem:s0+$0x8BE0];
	v10 =	vadd.f32 v21, v20;
	v33 =	vadd.f32 v53, v52  }
0x35d: {  	v53 =	vld [tilespmem:s28+$0x8980];
	v0 =	vadd.f32 v6, v0;
	v6 =	vadd.f32 v23, v22  }
0x35e: {  	v58 =	vld [tilespmem:s26+$0x8A50]  }
0x35f: {  	v4 =	vadd.f32 v8, v4;
	v59 =	vld [tilespmem:s26+$0x8AD0];
	v6 =	vadd.f32 v6, v10  }
0x360: {  	v60 =	vld [tilespmem:s26+$0x8B50]  }
0x361: {  	v61 =	vld [tilespmem:s26+$0x8BD0];
	v4 =	vadd.f32 v6, v4  }
0x362: {  	v56 =	vld [tilespmem:s28+$0x8A00]  }
0x363: {  	v57 =	vld [tilespmem:s28+$0x8A80];
	[tilespmem:s24+$0x11810] =	vst v4  }
0x364: {  	v4 =	vld [tilespmem:s30+$0x8820]  }
0x365: {  	v17 =	vld [tilespmem:s30+$0x88A0]  }
0x366: {  	v7 =	vadd.f32 v59, v58;
	v5 =	vadd.f32 v61, v60;
	v34 =	vld [tilespmem:s30+$0x8920]  }
0x367: {  	v36 =	vld [tilespmem:s30+$0x89A0]  }
0x368: {  	v5 =	vadd.f32 v5, v7;
	v37 =	vld [tilespmem:s30+$0x8A20]  }
0x369: {  	v39 =	vld [tilespmem:s30+$0x8AA0]  }
0x36a: {  	v0 =	vadd.f32 v5, v0;
	v40 =	vld [tilespmem:s30+$0x8B20]  }
0x36b: {  	v1 =	vadd.f32 v2, v1;
	v41 =	vld [tilespmem:s30+$0x8BA0]  }
0x36c: {  	v35 =	vadd.f32 v24, v54;
	v59 =	vld [tilespmem:s28+$0x8B00];
	v5 =	vadd.f32 v16, v25;
	[tilespmem:s23+$0x11850] =	vst v0  }
0x36d: {  	v0 =	vld [tilespmem:s26+$0x8860]  }
0x36e: {  	v1 =	vadd.f32 v33, v1;
	v38 =	vadd.f32 v5, v35;
	v26 =	vld [tilespmem:s26+$0x88E0]  }
0x36f: {  	v27 =	vld [tilespmem:s26+$0x8960];
	v42 =	vadd.f32 v17, v4;
	v12 =	vadd.f32 v36, v34  }
0x370: {  	v28 =	vld [tilespmem:s26+$0x89E0];
	v5 =	vadd.f32 v39, v37;
	v9 =	vadd.f32 v41, v40  }
0x371: {  	v29 =	vld [tilespmem:s26+$0x8A60];
	v1 =	vadd.f32 v38, v1  }
0x372: {  	v30 =	vld [tilespmem:s26+$0x8AE0];
	v43 =	vadd.f32 v12, v42;
	v9 =	vadd.f32 v9, v5  }
0x373: {  	v31 =	vld [tilespmem:s26+$0x8B60]  }
0x374: {  	v32 =	vld [tilespmem:s26+$0x8BE0];
	[tilespmem:s22+$0x11860] =	vst v1;
	v9 =	vadd.f32 v9, v43  }
0x375: {  	v1 =	vld [tilespmem:s0+$0x8870]  }
0x376: {  	v2 =	vld [tilespmem:s0+$0x88F0];
	[tilespmem:s24+$0x11820] =	vst v9  }
0x377: {  	v9 =	vld [tilespmem:s30+$0x8830]  }
0x378: {  	v44 =	vld [tilespmem:s30+$0x88B0]  }
0x379: {  	v45 =	vld [tilespmem:s30+$0x8930]  }
0x37a: {  	v46 =	vld [tilespmem:s30+$0x89B0]  }
0x37b: {  	v47 =	vld [tilespmem:s30+$0x8A30]  }
0x37c: {  	v48 =	vld [tilespmem:s30+$0x8AB0]  }
0x37d: {  	v49 =	vld [tilespmem:s30+$0x8B30]  }
0x37e: {  	v0 =	vadd.f32 v26, v0;
	v11 =	vadd.f32 v28, v27;
	v50 =	vld [tilespmem:s30+$0x8BB0]  }
0x37f: {  	v7 =	vld [tilespmem:s0+$0x89F0];
	v8 =	vadd.f32 v30, v29;
	v6 =	vadd.f32 v32, v31  }
0x380: {  	v3 =	vld [tilespmem:s0+$0x8A70]  }
0x381: {  	v4 =	vld [tilespmem:s0+$0x8970];
	v0 =	vadd.f32 v11, v0;
	v6 =	vadd.f32 v6, v8  }
0x382: {  	v8 =	vld [tilespmem:s0+$0x8BF0];
	v9 =	vadd.f32 v44, v9;
	v52 =	vadd.f32 v46, v45  }
0x383: {  	s9 =	sor.u32 $0x5, s21;
	v5 =	vld [tilespmem:s0+$0x8AF0];
	v54 =	vadd.f32 v48, v47;
	v55 =	vadd.f32 v50, v49  }
0x384: {  	v0 =	vadd.f32 v6, v0;
	v6 =	vld [tilespmem:s0+$0x8B70];
	s0 =	sshll.u32 s29, $0x7;
	s29 =	sshll.u32 s9, $0xA  }
0x385: {  	v60 =	vld [tilespmem:s28+$0x8B80];
	s29 =	sand.u32 $0x3FFFFC00, s29;
	v9 =	vadd.f32 v52, v9;
	v58 =	vadd.f32 v55, v54  }
0x386: {  	v43 =	vld [tilespmem:s29+$0x8800]  }
0x387: {  	v17 =	vadd.f32 v18, v51;
	[tilespmem:s23+$0x11860] =	vst v0;
	v51 =	vld [tilespmem:s29+$0x8B00];
	v20 =	vadd.f32 v58, v9  }
0x388: {  	v0 =	vld [tilespmem:s26+$0x8870]  }
0x389: {  	v11 =	vld [tilespmem:s26+$0x88F0];
	[tilespmem:s24+$0x11830] =	vst v20  }
0x38a: {  	v14 =	vadd.f32 v57, v56;
	v20 =	vld [tilespmem:s30+$0x8840]  }
0x38b: {  	v13 =	vadd.f32 v60, v59;
	v12 =	vadd.f32 v53, v19;
	v61 =	vld [tilespmem:s30+$0x88C0]  }
0x38c: {  	v62 =	vld [tilespmem:s30+$0x8940]  }
0x38d: {  	v13 =	vadd.f32 v13, v14;
	v12 =	vadd.f32 v12, v17;
	v63 =	vld [tilespmem:s30+$0x89C0]  }
0x38e: {  	v24 =	vld [tilespmem:s30+$0x8A40]  }
0x38f: {  	v12 =	vadd.f32 v13, v12;
	v25 =	vld [tilespmem:s30+$0x8AC0]  }
0x390: {  	s25 =	sand.u32 $0x3FFFFF80, s0;
	v26 =	vld [tilespmem:s30+$0x8B40]  }
0x391: {  	[tilespmem:s25+$0x11800] =	vst v12;
	v27 =	vld [tilespmem:s30+$0x8BC0]  }
0x392: {  	v21 =	vld [tilespmem:s28+$0x8810]  }
0x393: {  	v22 =	vld [tilespmem:s28+$0x8890]  }
0x394: {  	v23 =	vld [tilespmem:s28+$0x8910]  }
0x395: {  	v29 =	vld [tilespmem:s28+$0x8990];
	v28 =	vadd.f32 v61, v20;
	v15 =	vadd.f32 v63, v62  }
0x396: {  	v30 =	vld [tilespmem:s28+$0x8A10];
	v14 =	vadd.f32 v25, v24;
	v13 =	vadd.f32 v27, v26  }
0x397: {  	v31 =	vld [tilespmem:s28+$0x8A90]  }
0x398: {  	v32 =	vld [tilespmem:s28+$0x8B10];
	v12 =	vadd.f32 v15, v28;
	v14 =	vadd.f32 v13, v14  }
0x399: {  	v33 =	vld [tilespmem:s28+$0x8B90]  }
0x39a: {  	v10 =	vld [tilespmem:s26+$0x89F0];
	v34 =	vadd.f32 v14, v12  }
0x39b: {  	v44 =	vld [tilespmem:s29+$0x8880]  }
0x39c: {  	v45 =	vld [tilespmem:s29+$0x8900];
	[tilespmem:s24+$0x11840] =	vst v34  }
0x39d: {  	v21 =	vadd.f32 v22, v21;
	v16 =	vadd.f32 v29, v23;
	v20 =	vld [tilespmem:s30+$0x8850]  }
0x39e: {  	v17 =	vadd.f32 v31, v30;
	v15 =	vadd.f32 v33, v32;
	v35 =	vld [tilespmem:s30+$0x88D0]  }
0x39f: {  	v36 =	vld [tilespmem:s30+$0x8950]  }
0x3a0: {  	v16 =	vadd.f32 v16, v21;
	v15 =	vadd.f32 v15, v17;
	v37 =	vld [tilespmem:s30+$0x89D0]  }
0x3a1: {  	v38 =	vld [tilespmem:s30+$0x8A50]  }
0x3a2: {  	v15 =	vadd.f32 v15, v16;
	v39 =	vld [tilespmem:s30+$0x8AD0]  }
0x3a3: {  	v40 =	vld [tilespmem:s30+$0x8B50]  }
0x3a4: {  	v41 =	vld [tilespmem:s30+$0x8BD0];
	[tilespmem:s25+$0x11810] =	vst v15  }
0x3a5: {  	v15 =	vld [tilespmem:s28+$0x8820]  }
0x3a6: {  	v24 =	vld [tilespmem:s28+$0x88A0]  }
0x3a7: {  	v25 =	vld [tilespmem:s28+$0x8920]  }
0x3a8: {  	v26 =	vld [tilespmem:s28+$0x89A0]  }
0x3a9: {  	v27 =	vld [tilespmem:s28+$0x8A20]  }
0x3aa: {  	v28 =	vld [tilespmem:s28+$0x8AA0]  }
0x3ab: {  	v29 =	vld [tilespmem:s28+$0x8B20]  }
0x3ac: {  	v42 =	vld [tilespmem:s28+$0x8BA0];
	v20 =	vadd.f32 v35, v20;
	v18 =	vadd.f32 v37, v36  }
0x3ad: {  	v47 =	vld [tilespmem:s29+$0x8980];
	v17 =	vadd.f32 v39, v38;
	v16 =	vadd.f32 v41, v40  }
0x3ae: {  	v49 =	vld [tilespmem:s29+$0x8A00]  }
0x3af: {  	v50 =	vld [tilespmem:s29+$0x8A80];
	v18 =	vadd.f32 v18, v20;
	v16 =	vadd.f32 v16, v17  }
0x3b0: {  	v52 =	vld [tilespmem:s29+$0x8B80];
	v15 =	vadd.f32 v24, v15;
	v46 =	vadd.f32 v26, v25  }
0x3b1: {  	v9 =	vld [tilespmem:s26+$0x8970];
	v48 =	vadd.f32 v28, v27;
	v19 =	vadd.f32 v42, v29  }
0x3b2: {  	v13 =	vld [tilespmem:s26+$0x8A70];
	v16 =	vadd.f32 v16, v18  }
0x3b3: {  	v14 =	vld [tilespmem:s26+$0x8AF0];
	v20 =	vadd.f32 v46, v15;
	v19 =	vadd.f32 v19, v48  }
0x3b4: {  	v12 =	vld [tilespmem:s26+$0x8B70]  }
0x3b5: {  	v15 =	vld [tilespmem:s26+$0x8BF0];
	[tilespmem:s24+$0x11850] =	vst v16;
	v53 =	vadd.f32 v19, v20  }
0x3b6: {  	v19 =	vld [tilespmem:s30+$0x8860]  }
0x3b7: {  	v20 =	vld [tilespmem:s30+$0x88E0];
	[tilespmem:s25+$0x11820] =	vst v53  }
0x3b8: {  	v21 =	vadd.f32 v44, v43;
	v55 =	vadd.f32 v52, v51;
	v16 =	vld [tilespmem:s28+$0x8830]  }
0x3b9: {  	v17 =	vadd.f32 v47, v45;
	v18 =	vadd.f32 v50, v49;
	v54 =	vld [tilespmem:s28+$0x88B0]  }
0x3ba: {  	v56 =	vld [tilespmem:s28+$0x8930]  }
0x3bb: {  	v17 =	vadd.f32 v17, v21;
	v18 =	vadd.f32 v55, v18;
	v57 =	vld [tilespmem:s28+$0x89B0]  }
0x3bc: {  	v58 =	vld [tilespmem:s28+$0x8A30]  }
0x3bd: {  	s0 =	sshll.u32 s9, $0x7;
	v17 =	vadd.f32 v18, v17;
	v59 =	vld [tilespmem:s28+$0x8AB0]  }
0x3be: {  	s26 =	sand.u32 $0x3FFFFF80, s0;
	v60 =	vld [tilespmem:s28+$0x8B30]  }
0x3bf: {  	v61 =	vld [tilespmem:s28+$0x8BB0];
	[tilespmem:s26+$0x11800] =	vst v17  }
0x3c0: {  	v17 =	vld [tilespmem:s29+$0x8810]  }
0x3c1: {  	v62 =	vld [tilespmem:s29+$0x8890]  }
0x3c2: {  	v63 =	vld [tilespmem:s29+$0x8910]  }
0x3c3: {  	v32 =	vld [tilespmem:s29+$0x8990];
	v16 =	vadd.f32 v54, v16;
	v31 =	vadd.f32 v57, v56  }
0x3c4: {  	v33 =	vld [tilespmem:s29+$0x8A10];
	v21 =	vadd.f32 v59, v58;
	v18 =	vadd.f32 v61, v60  }
0x3c5: {  	v34 =	vld [tilespmem:s29+$0x8A90]  }
0x3c6: {  	v35 =	vld [tilespmem:s29+$0x8B10];
	v16 =	vadd.f32 v31, v16;
	v18 =	vadd.f32 v18, v21  }
0x3c7: {  	v36 =	vld [tilespmem:s29+$0x8B90]  }
0x3c8: {  	v37 =	vld [tilespmem:s30+$0x8960];
	v16 =	vadd.f32 v18, v16  }
0x3c9: {  	v38 =	vld [tilespmem:s30+$0x89E0]  }
0x3ca: {  	v39 =	vld [tilespmem:s30+$0x8A60];
	[tilespmem:s25+$0x11830] =	vst v16  }
0x3cb: {  	v17 =	vadd.f32 v62, v17;
	v24 =	vadd.f32 v32, v63;
	v16 =	vld [tilespmem:s28+$0x8840]  }
0x3cc: {  	v23 =	vadd.f32 v34, v33;
	v21 =	vadd.f32 v36, v35;
	v40 =	vld [tilespmem:s28+$0x88C0]  }
0x3cd: {  	v41 =	vld [tilespmem:s28+$0x8940]  }
0x3ce: {  	v17 =	vadd.f32 v24, v17;
	v21 =	vadd.f32 v21, v23;
	v42 =	vld [tilespmem:s28+$0x89C0]  }
0x3cf: {  	v43 =	vld [tilespmem:s28+$0x8A40]  }
0x3d0: {  	v17 =	vadd.f32 v21, v17;
	v44 =	vld [tilespmem:s28+$0x8AC0]  }
0x3d1: {  	v45 =	vld [tilespmem:s28+$0x8B40]  }
0x3d2: {  	v46 =	vld [tilespmem:s28+$0x8BC0];
	[tilespmem:s26+$0x11810] =	vst v17  }
0x3d3: {  	v17 =	vld [tilespmem:s29+$0x8820]  }
0x3d4: {  	v30 =	vld [tilespmem:s29+$0x88A0]  }
0x3d5: {  	v31 =	vld [tilespmem:s29+$0x8920]  }
0x3d6: {  	v47 =	vld [tilespmem:s29+$0x89A0];
	v16 =	vadd.f32 v40, v16;
	v22 =	vadd.f32 v42, v41  }
0x3d7: {  	v48 =	vld [tilespmem:s29+$0x8A20];
	v23 =	vadd.f32 v44, v43;
	v21 =	vadd.f32 v46, v45  }
0x3d8: {  	v49 =	vld [tilespmem:s29+$0x8AA0]  }
0x3d9: {  	v50 =	vld [tilespmem:s29+$0x8B20];
	v16 =	vadd.f32 v22, v16;
	v21 =	vadd.f32 v21, v23  }
0x3da: {  	v51 =	vld [tilespmem:s29+$0x8BA0]  }
0x3db: {  	v52 =	vld [tilespmem:s30+$0x8AE0];
	v16 =	vadd.f32 v21, v16  }
0x3dc: {  	v53 =	vld [tilespmem:s30+$0x8B60]  }
0x3dd: {  	v32 =	vld [tilespmem:s30+$0x8BE0];
	[tilespmem:s25+$0x11840] =	vst v16  }
0x3de: {  	v17 =	vadd.f32 v30, v17;
	v25 =	vadd.f32 v47, v31;
	v16 =	vld [tilespmem:s28+$0x8850]  }
0x3df: {  	v24 =	vadd.f32 v49, v48;
	v22 =	vadd.f32 v51, v50;
	v54 =	vld [tilespmem:s28+$0x88D0]  }
0x3e0: {  	v55 =	vld [tilespmem:s28+$0x8950]  }
0x3e1: {  	v17 =	vadd.f32 v25, v17;
	v22 =	vadd.f32 v22, v24;
	v56 =	vld [tilespmem:s28+$0x89D0]  }
0x3e2: {  	v57 =	vld [tilespmem:s28+$0x8A50]  }
0x3e3: {  	v17 =	vadd.f32 v22, v17;
	v58 =	vld [tilespmem:s28+$0x8AD0]  }
0x3e4: {  	v59 =	vld [tilespmem:s28+$0x8B50]  }
0x3e5: {  	v60 =	vld [tilespmem:s28+$0x8BD0];
	[tilespmem:s26+$0x11820] =	vst v17  }
0x3e6: {  	v62 =	vld [tilespmem:s29+$0x8830]  }
0x3e7: {  	v63 =	vld [tilespmem:s29+$0x88B0]  }
0x3e8: {  	v29 =	vld [tilespmem:s29+$0x8930]  }
0x3e9: {  	v19 =	vadd.f32 v20, v19;
	v61 =	vadd.f32 v52, v39;
	v31 =	vld [tilespmem:s29+$0x89B0]  }
0x3ea: {  	v18 =	vadd.f32 v38, v37;
	v21 =	vadd.f32 v32, v53;
	v32 =	vld [tilespmem:s29+$0x8A30]  }
0x3eb: {  	s9 =	sor.u32 $0x7, s21;
	v33 =	vld [tilespmem:s29+$0x8AB0]  }
0x3ec: {  	s31 =	sshll.u32 s9, $0xA;
	v18 =	vadd.f32 v18, v19;
	v17 =	vadd.f32 v21, v61;
	v35 =	vld [tilespmem:s29+$0x8B30]  }
0x3ed: {  	s31 =	sand.u32 $0x3FFFFC00, s31;
	v36 =	vld [tilespmem:s29+$0x8BB0]  }
0x3ee: {  	v17 =	vadd.f32 v17, v18;
	v30 =	vadd.f32 v56, v55;
	v56 =	vld [tilespmem:s31+$0x8980]  }
0x3ef: {  	v20 =	vadd.f32 v60, v59;
	v59 =	vld [tilespmem:s31+$0x8A00]  }
0x3f0: {  	[tilespmem:s24+$0x11860] =	vst v17;
	v60 =	vld [tilespmem:s31+$0x8A80]  }
0x3f1: {  	v16 =	vadd.f32 v54, v16;
	v24 =	vadd.f32 v58, v57;
	v18 =	vld [tilespmem:s30+$0x88F0]  }
0x3f2: {  	v17 =	vld [tilespmem:s30+$0x8970]  }
0x3f3: {  	v28 =	vld [tilespmem:s30+$0x8BF0];
	v34 =	vadd.f32 v30, v16;
	v20 =	vadd.f32 v20, v24  }
0x3f4: {  	v16 =	vld [tilespmem:s30+$0x8870]  }
0x3f5: {  	v24 =	vld [tilespmem:s30+$0x8B70];
	v20 =	vadd.f32 v20, v34  }
0x3f6: {  	v26 =	vadd.f32 v63, v62;
	v62 =	vld [tilespmem:s31+$0x8B00]  }
0x3f7: {  	v63 =	vld [tilespmem:s31+$0x8B80];
	[tilespmem:s25+$0x11850] =	vst v20  }
0x3f8: {  	v20 =	vld [tilespmem:s28+$0x8860]  }
0x3f9: {  	v19 =	vadd.f32 v31, v29;
	v37 =	vld [tilespmem:s28+$0x88E0]  }
0x3fa: {  	v22 =	vadd.f32 v33, v32;
	v21 =	vadd.f32 v36, v35;
	v38 =	vld [tilespmem:s28+$0x8960]  }
0x3fb: {  	v39 =	vld [tilespmem:s28+$0x89E0]  }
0x3fc: {  	v19 =	vadd.f32 v19, v26;
	v21 =	vadd.f32 v21, v22;
	v40 =	vld [tilespmem:s28+$0x8A60]  }
0x3fd: {  	v41 =	vld [tilespmem:s28+$0x8AE0]  }
0x3fe: {  	v19 =	vadd.f32 v21, v19;
	v42 =	vld [tilespmem:s28+$0x8B60]  }
0x3ff: {  	v43 =	vld [tilespmem:s28+$0x8BE0]  }
0x400: {  	[tilespmem:s26+$0x11830] =	vst v19;
	v19 =	vld [tilespmem:s30+$0x89F0]  }
0x401: {  	v44 =	vld [tilespmem:s29+$0x8840]  }
0x402: {  	v45 =	vld [tilespmem:s29+$0x88C0]  }
0x403: {  	v46 =	vld [tilespmem:s29+$0x8940]  }
0x404: {  	v47 =	vld [tilespmem:s29+$0x89C0]  }
0x405: {  	v48 =	vld [tilespmem:s29+$0x8A40]  }
0x406: {  	v50 =	vld [tilespmem:s29+$0x8AC0]  }
0x407: {  	v51 =	vld [tilespmem:s29+$0x8B40]  }
0x408: {  	v52 =	vld [tilespmem:s29+$0x8BC0];
	v20 =	vadd.f32 v37, v20;
	v49 =	vadd.f32 v39, v38  }
0x409: {  	v22 =	vadd.f32 v41, v40;
	v21 =	vadd.f32 v43, v42;
	v43 =	vld [tilespmem:s31+$0x8800]  }
0x40a: {  	v23 =	vadd.f32 v49, v20;
	v20 =	vld [tilespmem:s30+$0x8A70]  }
0x40b: {  	s0 =	sor.u32 $0x6, s21;
	v21 =	vadd.f32 v21, v22;
	v22 =	vld [tilespmem:s30+$0x8AF0]  }
0x40c: {  	v29 =	vadd.f32 v45, v44;
	s30 =	sshll.u32 s0, $0xA;
	v44 =	vld [tilespmem:s31+$0x8880]  }
0x40d: {  	v45 =	vld [tilespmem:s31+$0x8900];
	s1 =	sand.u32 $0x3FFFFC00, s30  }
0x40e: {  	v35 =	vld [tilespmem:s1+$0x8800]  }
0x40f: {  	v36 =	vld [tilespmem:s1+$0x8880]  }
0x410: {  	v37 =	vld [tilespmem:s1+$0x8900]  }
0x411: {  	v38 =	vld [tilespmem:s1+$0x8980]  }
0x412: {  	v39 =	vld [tilespmem:s1+$0x8A00]  }
0x413: {  	v21 =	vadd.f32 v21, v23;
	v40 =	vld [tilespmem:s1+$0x8A80]  }
0x414: {  	v30 =	vadd.f32 v47, v46;
	v41 =	vld [tilespmem:s1+$0x8B00]  }
0x415: {  	v25 =	vadd.f32 v50, v48;
	v26 =	vadd.f32 v52, v51;
	v42 =	vld [tilespmem:s1+$0x8B80];
	[tilespmem:s25+$0x11860] =	vst v21  }
0x416: {  	v21 =	vld [tilespmem:s28+$0x8870]  }
0x417: {  	v53 =	vadd.f32 v30, v29;
	v54 =	vadd.f32 v26, v25;
	v23 =	vld [tilespmem:s28+$0x88F0]  }
0x418: {  	v25 =	vld [tilespmem:s28+$0x8970]  }
0x419: {  	v30 =	vadd.f32 v54, v53;
	v26 =	vld [tilespmem:s28+$0x89F0]  }
0x41a: {  	v27 =	vld [tilespmem:s28+$0x8A70]  }
0x41b: {  	v29 =	vld [tilespmem:s28+$0x8AF0];
	[tilespmem:s26+$0x11840] =	vst v30  }
0x41c: {  	v30 =	vld [tilespmem:s29+$0x8850];
	v35 =	vadd.f32 v36, v35;
	v55 =	vadd.f32 v38, v37  }
0x41d: {  	v31 =	vld [tilespmem:s29+$0x88D0];
	v57 =	vadd.f32 v40, v39;
	v58 =	vadd.f32 v42, v41  }
0x41e: {  	v32 =	vld [tilespmem:s29+$0x8950]  }
0x41f: {  	v33 =	vld [tilespmem:s29+$0x89D0];
	v35 =	vadd.f32 v55, v35;
	v61 =	vadd.f32 v58, v57  }
0x420: {  	v34 =	vld [tilespmem:s29+$0x8A50]  }
0x421: {  	s0 =	sshll.u32 s0, $0x7;
	v48 =	vld [tilespmem:s29+$0x8AD0];
	v35 =	vadd.f32 v61, v35  }
0x422: {  	s30 =	sand.u32 $0x3FFFFF80, s0;
	v49 =	vld [tilespmem:s29+$0x8B50]  }
0x423: {  	v46 =	vld [tilespmem:s29+$0x8BD0];
	[tilespmem:s30+$0x11800] =	vst v35  }
0x424: {  	v43 =	vadd.f32 v44, v43;
	v37 =	vadd.f32 v56, v45;
	v35 =	vld [tilespmem:s1+$0x8810]  }
0x425: {  	v40 =	vadd.f32 v60, v59;
	v38 =	vadd.f32 v63, v62;
	v50 =	vld [tilespmem:s1+$0x8890]  }
0x426: {  	v51 =	vld [tilespmem:s1+$0x8910]  }
0x427: {  	v37 =	vadd.f32 v37, v43;
	v38 =	vadd.f32 v38, v40;
	v52 =	vld [tilespmem:s1+$0x8990]  }
0x428: {  	v53 =	vld [tilespmem:s1+$0x8A10]  }
0x429: {  	s9 =	sshll.u32 s9, $0x7;
	v37 =	vadd.f32 v38, v37;
	v54 =	vld [tilespmem:s1+$0x8A90]  }
0x42a: {  	s0 =	sand.u32 $0x3FFFFF80, s9;
	v55 =	vld [tilespmem:s1+$0x8B10]  }
0x42b: {  	v30 =	vadd.f32 v31, v30;
	v56 =	vadd.f32 v33, v32;
	[tilespmem:s0+$0x11800] =	vst v37;
	v57 =	vld [tilespmem:s1+$0x8B90]  }
0x42c: {  	v58 =	vadd.f32 v48, v34;
	v59 =	vadd.f32 v46, v49;
	v60 =	vld [tilespmem:s31+$0x8810]  }
0x42d: {  	v37 =	vld [tilespmem:s31+$0x8890]  }
0x42e: {  	v30 =	vadd.f32 v56, v30;
	v61 =	vadd.f32 v59, v58;
	v62 =	vld [tilespmem:s31+$0x8910]  }
0x42f: {  	v45 =	vld [tilespmem:s31+$0x8990];
	v63 =	vadd.f32 v50, v35;
	v44 =	vadd.f32 v52, v51  }
0x430: {  	v46 =	vld [tilespmem:s31+$0x8A10];
	v40 =	vadd.f32 v54, v53;
	v32 =	vadd.f32 v57, v55  }
0x431: {  	v47 =	vld [tilespmem:s31+$0x8A90];
	v31 =	vadd.f32 v61, v30  }
0x432: {  	v48 =	vld [tilespmem:s31+$0x8B10];
	v34 =	vadd.f32 v44, v63;
	v32 =	vadd.f32 v32, v40  }
0x433: {  	v49 =	vld [tilespmem:s31+$0x8B90]  }
0x434: {  	v30 =	vld [tilespmem:s28+$0x8B70];
	[tilespmem:s26+$0x11850] =	vst v31;
	v50 =	vadd.f32 v32, v34  }
0x435: {  	v41 =	vld [tilespmem:s29+$0x8960]  }
0x436: {  	v44 =	vld [tilespmem:s29+$0x8A60];
	[tilespmem:s30+$0x11810] =	vst v50  }
0x437: {  	v36 =	vadd.f32 v37, v60;
	v33 =	vadd.f32 v45, v62;
	v31 =	vld [tilespmem:s1+$0x8820]  }
0x438: {  	v38 =	vadd.f32 v47, v46;
	v35 =	vadd.f32 v49, v48;
	v51 =	vld [tilespmem:s1+$0x88A0]  }
0x439: {  	v52 =	vld [tilespmem:s1+$0x8920]  }
0x43a: {  	v33 =	vadd.f32 v33, v36;
	v35 =	vadd.f32 v35, v38;
	v53 =	vld [tilespmem:s1+$0x89A0]  }
0x43b: {  	v54 =	vld [tilespmem:s1+$0x8A20]  }
0x43c: {  	v33 =	vadd.f32 v35, v33;
	v55 =	vld [tilespmem:s1+$0x8AA0]  }
0x43d: {  	v56 =	vld [tilespmem:s1+$0x8B20]  }
0x43e: {  	[tilespmem:s0+$0x11810] =	vst v33;
	v57 =	vld [tilespmem:s1+$0x8BA0]  }
0x43f: {  	v33 =	vld [tilespmem:s31+$0x8820]  }
0x440: {  	v58 =	vld [tilespmem:s31+$0x88A0]  }
0x441: {  	v59 =	vld [tilespmem:s31+$0x8920]  }
0x442: {  	v61 =	vld [tilespmem:s31+$0x89A0];
	v31 =	vadd.f32 v51, v31;
	v60 =	vadd.f32 v53, v52  }
0x443: {  	v48 =	vld [tilespmem:s31+$0x8B20];
	v36 =	vadd.f32 v55, v54;
	v35 =	vadd.f32 v57, v56  }
0x444: {  	v49 =	vld [tilespmem:s31+$0x8BA0]  }
0x445: {  	v62 =	vld [tilespmem:s31+$0x8A20];
	v31 =	vadd.f32 v60, v31;
	v35 =	vadd.f32 v35, v36  }
0x446: {  	v63 =	vld [tilespmem:s31+$0x8AA0]  }
0x447: {  	v32 =	vld [tilespmem:s29+$0x8860];
	v31 =	vadd.f32 v35, v31  }
0x448: {  	v34 =	vld [tilespmem:s29+$0x88E0]  }
0x449: {  	v36 =	vadd.f32 v49, v48;
	v48 =	vld [tilespmem:s29+$0x8AE0];
	[tilespmem:s30+$0x11820] =	vst v31  }
0x44a: {  	v33 =	vadd.f32 v58, v33;
	v31 =	vld [tilespmem:s1+$0x8830]  }
0x44b: {  	v39 =	vadd.f32 v61, v59;
	v38 =	vadd.f32 v63, v62;
	v50 =	vld [tilespmem:s1+$0x88B0]  }
0x44c: {  	v51 =	vld [tilespmem:s1+$0x8930]  }
0x44d: {  	v33 =	vadd.f32 v39, v33;
	v36 =	vadd.f32 v36, v38;
	v52 =	vld [tilespmem:s1+$0x89B0]  }
0x44e: {  	v53 =	vld [tilespmem:s1+$0x8A30]  }
0x44f: {  	v33 =	vadd.f32 v36, v33;
	v54 =	vld [tilespmem:s1+$0x8AB0]  }
0x450: {  	v55 =	vld [tilespmem:s1+$0x8B30]  }
0x451: {  	v56 =	vld [tilespmem:s1+$0x8BB0];
	[tilespmem:s0+$0x11820] =	vst v33  }
0x452: {  	v33 =	vld [tilespmem:s31+$0x8830]  }
0x453: {  	v57 =	vld [tilespmem:s31+$0x88B0]  }
0x454: {  	v58 =	vld [tilespmem:s31+$0x8930]  }
0x455: {  	v59 =	vld [tilespmem:s31+$0x89B0];
	v31 =	vadd.f32 v50, v31;
	v37 =	vadd.f32 v52, v51  }
0x456: {  	v60 =	vld [tilespmem:s31+$0x8A30];
	v38 =	vadd.f32 v54, v53;
	v36 =	vadd.f32 v56, v55  }
0x457: {  	v61 =	vld [tilespmem:s31+$0x8AB0]  }
0x458: {  	v62 =	vld [tilespmem:s31+$0x8B30];
	v31 =	vadd.f32 v37, v31;
	v36 =	vadd.f32 v36, v38  }
0x459: {  	v63 =	vld [tilespmem:s31+$0x8BB0]  }
0x45a: {  	v49 =	vld [tilespmem:s29+$0x8B60];
	v31 =	vadd.f32 v36, v31  }
0x45b: {  	v35 =	vld [tilespmem:s29+$0x89E0]  }
0x45c: {  	v50 =	vld [tilespmem:s29+$0x8BE0];
	[tilespmem:s30+$0x11830] =	vst v31  }
0x45d: {  	v33 =	vadd.f32 v57, v33;
	v40 =	vadd.f32 v59, v58;
	v51 =	vld [tilespmem:s1+$0x8840]  }
0x45e: {  	v39 =	vadd.f32 v61, v60;
	v37 =	vadd.f32 v63, v62;
	v52 =	vld [tilespmem:s1+$0x88C0]  }
0x45f: {  	v53 =	vld [tilespmem:s1+$0x8940]  }
0x460: {  	v33 =	vadd.f32 v40, v33;
	v37 =	vadd.f32 v37, v39;
	v54 =	vld [tilespmem:s1+$0x89C0]  }
0x461: {  	v55 =	vld [tilespmem:s1+$0x8A40]  }
0x462: {  	v33 =	vadd.f32 v37, v33;
	v56 =	vld [tilespmem:s1+$0x8AC0]  }
0x463: {  	v57 =	vld [tilespmem:s1+$0x8B40]  }
0x464: {  	v32 =	vadd.f32 v34, v32;
	v58 =	vadd.f32 v35, v41;
	v59 =	vld [tilespmem:s1+$0x8BC0];
	[tilespmem:s0+$0x11830] =	vst v33  }
0x465: {  	v60 =	vadd.f32 v48, v44;
	v31 =	vadd.f32 v50, v49;
	v61 =	vld [tilespmem:s31+$0x8840]  }
0x466: {  	v62 =	vld [tilespmem:s31+$0x88C0]  }
0x467: {  	v32 =	vadd.f32 v58, v32;
	v31 =	vadd.f32 v31, v60;
	v63 =	vld [tilespmem:s31+$0x8940]  }
0x468: {  	v48 =	vld [tilespmem:s31+$0x89C0];
	v47 =	vadd.f32 v52, v51;
	v38 =	vadd.f32 v54, v53  }
0x469: {  	v49 =	vld [tilespmem:s31+$0x8A40];
	v39 =	vadd.f32 v56, v55;
	v35 =	vadd.f32 v59, v57  }
0x46a: {  	v50 =	vld [tilespmem:s31+$0x8AC0];
	v31 =	vadd.f32 v31, v32  }
0x46b: {  	v51 =	vld [tilespmem:s31+$0x8B40];
	v34 =	vadd.f32 v38, v47;
	v35 =	vadd.f32 v35, v39  }
0x46c: {  	v52 =	vld [tilespmem:s31+$0x8BC0]  }
0x46d: {  	v40 =	vld [tilespmem:s28+$0x8BF0];
	[tilespmem:s26+$0x11860] =	vst v31;
	v53 =	vadd.f32 v35, v34  }
0x46e: {  	v42 =	vld [tilespmem:s29+$0x8970]  }
0x46f: {  	v45 =	vld [tilespmem:s29+$0x8A70];
	[tilespmem:s30+$0x11840] =	vst v53  }
0x470: {  	v36 =	vadd.f32 v62, v61;
	v33 =	vadd.f32 v48, v63;
	v31 =	vld [tilespmem:s1+$0x8850]  }
0x471: {  	v32 =	vadd.f32 v50, v49;
	v55 =	vadd.f32 v52, v51;
	v54 =	vld [tilespmem:s1+$0x88D0]  }
0x472: {  	v56 =	vld [tilespmem:s1+$0x8950]  }
0x473: {  	v33 =	vadd.f32 v33, v36;
	v57 =	vld [tilespmem:s1+$0x89D0];
	v32 =	vadd.f32 v55, v32  }
0x474: {  	v58 =	vld [tilespmem:s1+$0x8A50]  }
0x475: {  	v59 =	vld [tilespmem:s1+$0x8AD0];
	v32 =	vadd.f32 v32, v33  }
0x476: {  	v60 =	vld [tilespmem:s1+$0x8B50]  }
0x477: {  	v61 =	vld [tilespmem:s1+$0x8BD0];
	[tilespmem:s0+$0x11840] =	vst v32  }
0x478: {  	v32 =	vld [tilespmem:s31+$0x8850]  }
0x479: {  	v62 =	vld [tilespmem:s31+$0x88D0]  }
0x47a: {  	v63 =	vld [tilespmem:s31+$0x8950]  }
0x47b: {  	v31 =	vadd.f32 v54, v31;
	v38 =	vadd.f32 v57, v56;
	v48 =	vld [tilespmem:s31+$0x89D0]  }
0x47c: {  	v36 =	vadd.f32 v59, v58;
	v33 =	vadd.f32 v61, v60;
	v49 =	vld [tilespmem:s31+$0x8A50]  }
0x47d: {  	v50 =	vld [tilespmem:s31+$0x8AD0]  }
0x47e: {  	v51 =	vld [tilespmem:s31+$0x8B50];
	v31 =	vadd.f32 v38, v31;
	v33 =	vadd.f32 v33, v36  }
0x47f: {  	v52 =	vld [tilespmem:s31+$0x8BD0]  }
0x480: {  	v34 =	vld [tilespmem:s29+$0x8870];
	v31 =	vadd.f32 v33, v31  }
0x481: {  	v35 =	vld [tilespmem:s29+$0x88F0]  }
0x482: {  	v33 =	vld [tilespmem:s29+$0x89F0];
	[tilespmem:s30+$0x11850] =	vst v31  }
0x483: {  	v32 =	vadd.f32 v62, v32;
	v39 =	vadd.f32 v48, v63;
	v31 =	vld [tilespmem:s1+$0x8860]  }
0x484: {  	v37 =	vadd.f32 v50, v49;
	v36 =	vadd.f32 v52, v51;
	v53 =	vld [tilespmem:s1+$0x88E0]  }
0x485: {  	v54 =	vld [tilespmem:s1+$0x8960]  }
0x486: {  	v55 =	vld [tilespmem:s1+$0x89E0];
	v32 =	vadd.f32 v39, v32;
	v36 =	vadd.f32 v36, v37  }
0x487: {  	v56 =	vld [tilespmem:s1+$0x8A60]  }
0x488: {  	v57 =	vld [tilespmem:s1+$0x8AE0];
	v32 =	vadd.f32 v36, v32  }
0x489: {  	v58 =	vld [tilespmem:s1+$0x8B60]  }
0x48a: {  	v59 =	vld [tilespmem:s1+$0x8BE0];
	[tilespmem:s0+$0x11850] =	vst v32  }
0x48b: {  	v32 =	vld [tilespmem:s31+$0x8860]  }
0x48c: {  	v60 =	vld [tilespmem:s31+$0x88E0]  }
0x48d: {  	v62 =	vld [tilespmem:s31+$0x8960]  }
0x48e: {  	v63 =	vadd.f32 v53, v31;
	v43 =	vadd.f32 v55, v54;
	v47 =	vld [tilespmem:s31+$0x89E0]  }
0x48f: {  	v37 =	vadd.f32 v57, v56;
	v36 =	vadd.f32 v59, v58;
	v48 =	vld [tilespmem:s31+$0x8A60]  }
0x490: {  	v61 =	vadd.f32 v7, v4;
	v50 =	vld [tilespmem:s31+$0x8AE0]  }
0x491: {  	v52 =	vld [tilespmem:s31+$0x8B60];
	v7 =	vadd.f32 v43, v63;
	v51 =	vadd.f32 v36, v37  }
0x492: {  	v1 =	vadd.f32 v2, v1;
	v3 =	vadd.f32 v5, v3;
	v53 =	vld [tilespmem:s31+$0x8BE0]  }
0x493: {  	v49 =	vadd.f32 v8, v6;
	v54 =	vld [tilespmem:s29+$0x8AF0];
	v7 =	vadd.f32 v51, v7  }
0x494: {  	v0 =	vadd.f32 v11, v0;
	v9 =	vadd.f32 v10, v9;
	v55 =	vld [tilespmem:s29+$0x8B70]  }
0x495: {  	v1 =	vadd.f32 v61, v1;
	v3 =	vadd.f32 v49, v3;
	v56 =	vld [tilespmem:s29+$0x8BF0];
	[tilespmem:s30+$0x11860] =	vst v7  }
0x496: {  	v57 =	vadd.f32 v60, v32;
	v4 =	vadd.f32 v47, v62;
	v7 =	vld [tilespmem:s1+$0x8870]  }
0x497: {  	v6 =	vadd.f32 v50, v48;
	v2 =	vadd.f32 v53, v52;
	v11 =	vld [tilespmem:s1+$0x88F0]  }
0x498: {  	v1 =	vadd.f32 v3, v1;
	v58 =	vadd.f32 v14, v13;
	v13 =	vld [tilespmem:s1+$0x8970]  }
0x499: {  	v3 =	vadd.f32 v4, v57;
	v2 =	vadd.f32 v2, v6;
	v4 =	vld [tilespmem:s1+$0x89F0]  }
0x49a: {  	v0 =	vadd.f32 v9, v0;
	v28 =	vadd.f32 v28, v24;
	v61 =	vld [tilespmem:s1+$0x8A70]  }
0x49b: {  	v22 =	vadd.f32 v22, v20;
	v63 =	vld [tilespmem:s1+$0x8AF0];
	v2 =	vadd.f32 v2, v3  }
0x49c: {  	v46 =	vadd.f32 v29, v27;
	v41 =	vadd.f32 v23, v21;
	v31 =	vld [tilespmem:s1+$0x8B70]  }
0x49d: {  	v38 =	vadd.f32 v28, v22;
	v43 =	vadd.f32 v26, v25;
	v32 =	vld [tilespmem:s1+$0x8BF0];
	[tilespmem:s0+$0x11860] =	vst v2  }
0x49e: {  	v49 =	vadd.f32 v35, v34;
	v59 =	vadd.f32 v15, v12;
	v39 =	vld [tilespmem:s31+$0x8870]  }
0x49f: {  	v12 =	vadd.f32 v43, v41;
	v60 =	vadd.f32 v18, v16;
	v44 =	vld [tilespmem:s31+$0x88F0]  }
0x4a0: {  	v62 =	vadd.f32 v19, v17;
	v47 =	vadd.f32 v40, v30;
	v48 =	vld [tilespmem:s31+$0x8970]  }
0x4a1: {  	v50 =	vadd.f32 v33, v42;
	v5 =	vadd.f32 v54, v45;
	v51 =	vld [tilespmem:s31+$0x89F0]  }
0x4a2: {  	v8 =	vadd.f32 v56, v55;
	v6 =	vadd.f32 v59, v58;
	v52 =	vld [tilespmem:s31+$0x8A70]  }
0x4a3: {  	v37 =	vadd.f32 v62, v60;
	v53 =	vadd.f32 v47, v46;
	v54 =	vld [tilespmem:s31+$0x8AF0]  }
0x4a4: {  	v55 =	vadd.f32 v50, v49;
	v5 =	vadd.f32 v8, v5;
	v56 =	vld [tilespmem:s31+$0x8B70]  }
0x4a5: {  	v0 =	vadd.f32 v6, v0;
	v58 =	vadd.f32 v53, v12;
	v57 =	vld [tilespmem:s31+$0x8BF0]  }
0x4a6: {  	v5 =	vadd.f32 v5, v55;
	v2 =	vadd.f32 v38, v37  }
0x4a7: {  	v7 =	vadd.f32 v11, v7;
	v4 =	vadd.f32 v4, v13  }
0x4a8: {  	v3 =	vadd.f32 v63, v61;
	v59 =	vadd.f32 v32, v31  }
0x4a9: {  	v10 =	vadd.f32 v44, v39;
	v60 =	vadd.f32 v51, v48  }
0x4aa: {  	[tilespmem:s22+$0x11870] =	vst v1;
	v61 =	vadd.f32 v54, v52;
	v8 =	vadd.f32 v57, v56  }
0x4ab: {  	p0 =	slt.u32 s21, $0x18;
	[tilespmem:s23+$0x11870] =	vst v0;
	v62 =	vadd.f32 v4, v7;
	v3 =	vadd.f32 v59, v3  }
.Ltmp1:
0x4ac: {  	[tilespmem:s25+$0x11870] =	vst v58;
	v63 =	vadd.f32 v60, v10;
	v1 =	vadd.f32 v8, v61;
	(pc) =	sbr.rel @p0 .LBB2_5-.Ltmp1, $4  }
0x4ad: {  	[tilespmem:s26+$0x11870] =	vst v5;
	v0 =	vadd.f32 v3, v62  }
0x4ae: {  	[tilespmem:s24+$0x11870] =	vst v2;
	v1 =	vadd.f32 v1, v63  }
0x4af: {  	s31 =	sadd.s32 $0x8, s21;
	[tilespmem:s30+$0x11870] =	vst v0  }
0x4b0: {  	s21 =	smov.u32 s31;
	[tilespmem:s0+$0x11870] =	vst v1  }
0x4b1: {  	s18 =	sadd.s32 $0x1, s18  }
0x4b2: {  	p0 =	sne.s32 s18, $0x4  }
.Ltmp2:
0x4b3: {  	_ = 	snop;
	(pc) =	sbr.rel @p0 .LBB2_2-.Ltmp2, $4  }
0x4b4: {  	s0 =	sadd.s32 @!p1 $0x300, s19;
	s1 =	simm.s32 @!p1 $0x100;
	s9 =	simm.s32 @!p1 $0x8800  }
0x4b5: {  	[tilespmem:s9], [sflag:$0x2] =	stream.indirect.gather @!p1 [hbm4b:s2+s1], $0x80, s0, s1, $0xb8;
	[tilespmem:$0x12800] =	vst v63  }
0x4b6: {  	s31 =	sadd.s32 $0x200, s20  }
0x4b7: {  	[hbm4b:s31+s3] =	stream.linear.scatter [tilespmem:s14], [sflag:$0x4], $0x1000, $0x38;
	[tilespmem:$0x12800] =	vst v63  }
0x4b8: {  	s17 =	sadd.s32 $0x1, s17  }
0x4b9: {  	_ =	swait.ge [sflag:s15], $0x1000;
	p0 =	sne.s32 s17, s6  }
.Ltmp3:
0x4ba: {  	[sflag:s15] =	ssyncset.done $0x0;
	(pc) =	sbr.rel @p0 .LBB2_1-.Ltmp3, $4  }
0x4bb: {  	[sflag:s15] =	ssyncadd.s32 $0xFFFFF000  }
0x4bc: {  	_ =	swait.ge [sflag:s16], $0x1000  }
0x4bd: {  	[sflag:s16] =	ssyncset.done $0x0  }
0x4be: {  	[sflag:s16] =	ssyncadd.s32 $0xFFFFF000  }
0x4bf: {  	_ =	sfence.sel $0x180000  }
0x4c0: {  	[bflag:$0x0] =	sbarrier.arrive $0xFFFF  }
0x4c1: {  	_ =	strace $0x90000047  }
0x4c2: {  	s0 =	stileid.u32;
	[bflag:$0x2] =	sbarrier.arrive $0xFFFF  }
0x4c3: {  	p0 =	sne.s32 s0, $0x0;
	s0 =	rddreg [dreg:$0x2]  }
0x4c4: {  	s0 =	sadd.s32 @!p0 $0x100000, s0  }
0x4c5: {  	[sflag:s0] =	ssyncadd.tile.s32 @!p0 $0x1;
	_ =	shalt  }
.Lfunc_end2:
_tile_overlayer_lowered:
.L_overlay_start_2:
0x4c6: {  	(tag) =	ssettag $0x2  }
0x4c7: {  	s0 =	rddreg [dreg:$0x0];
	s2 =	stileid.u32  }
0x4c8: {  	s1 =	rddreg [dreg:$0x1];
	p0 =	sne.s32 s2, $0x0  }
0x4c9: {  	s3 =	rddreg [dreg:$0x2];
	[bflag:$0x3] =	sbarrier.arrive $0xFFFF;
	s2 =	simm.s32 @!p0 $0x1C05  }
0x4ca: {  	[timem:s3], [sflag:s2] =	dma.local @!p0 [hbm:s0], s1  }
0x4cb: {  	s0 =	simm.s32 @!p0 $0x5  }
0x4cc: {  	_ =	swait.ge @!p0 [sflag:s0], s1  }
0x4cd: {  	s1 =	ssub.s32 @!p0 $0x0, s1;
	[sflag:s0] =	ssyncset.done @!p0 $0x0  }
0x4ce: {  	[sflag:s0] =	ssyncadd.s32 @!p0 s1  }
0x4cf: {  	[bflag:$0x3] =	sbarrier.arrive $0xFFFF  }
0x4d0: {  	_ =	shalt  }

</sc_bundles>
